<compile_context>
chip_gen: v7x
topology: tpu7x:2x2x1
jax: 0.10.2.dev20260603
libtpu: 0.0.44.dev20260713+nightly
codegen_flags: <defaults>
</compile_context>

<pallas_src>
import jax
import jax.numpy as jnp
from jax import lax
from jax.experimental import pallas as pl
from jax.experimental.pallas import tpu as pltpu
from jax.experimental.pallas import tpu_sc as plsc

B = 4096
L = 50
D = 32
NC = 2
NS = 16
NW = NC * NS
ROWS_PW = B // NW
NPW = ROWS_PW * L
CB = 16
NCHUNK = ROWS_PW // CB
N = CB * L
NG = N // 16
SUBC = 80
NSUB = N // SUBC
NSLOT = N
LANES = 16


def _body(words_hbm, hp_hbm, hn_hbm, mask_hbm, v_hbm, w_hbm, vb_hbm, wb_hbm,
          pos_out, neg_out,
          words_v, hp_v, hn_v, mask_v,
          cidx, cpos_v, qp_v, qn_v, maskf,
          wr, vr, wbv, vbv,
          scp, scn, outp_v, outn_v, sem):
    cid = lax.axis_index("c")
    sid = lax.axis_index("s")
    wid = sid * NC + cid
    iota = lax.iota(jnp.int32, LANES)
    zero16 = jnp.zeros((LANES,), jnp.float32)

    pltpu.sync_copy(v_hbm.at[pl.ds(0, 1)], vr.at[pl.ds(NSLOT, 1)])
    pltpu.sync_copy(vb_hbm.at[pl.ds(0, 8)], vbv.at[pl.ds(NSLOT, 8)])
    wr[0, pl.ds(0, LANES)] = zero16
    wr[0, pl.ds(LANES, LANES)] = zero16
    wbv[pl.ds(0, LANES)] = zero16

    @pl.loop(0, NG)
    def _phz(g):
        cidx[pl.ds(g * LANES, LANES)] = jnp.zeros((LANES,), jnp.int32)

    base = wid * NPW
    pltpu.async_copy(words_hbm.at[pl.ds(base, NPW)], words_v, sem)
    pltpu.async_copy(hp_hbm.at[pl.ds(base, NPW)], hp_v, sem)
    pltpu.async_copy(hn_hbm.at[pl.ds(base, NPW)], hn_v, sem)
    pltpu.async_copy(mask_hbm.at[pl.ds(base, NPW)], mask_v, sem)
    pltpu.make_async_copy(words_hbm.at[pl.ds(base, NPW)], words_v, sem).wait()
    pltpu.make_async_copy(hp_hbm.at[pl.ds(base, NPW)], hp_v, sem).wait()
    pltpu.make_async_copy(hn_hbm.at[pl.ds(base, NPW)], hn_v, sem).wait()
    pltpu.make_async_copy(mask_hbm.at[pl.ds(base, NPW)], mask_v, sem).wait()

    @pl.loop(0, NCHUNK)
    def _chunk(c):
        p0 = c * N
        row0 = wid * ROWS_PW + c * CB

        @pl.loop(0, NG, init_carry=jnp.int32(0))
        def _pha(g, k):
            sl = pl.ds(g * LANES, LANES)
            sli = pl.ds(p0 + g * LANES, LANES)
            p = g * LANES + iota
            l = p % L
            m = mask_v[sli] != 0
            keep = jnp.logical_not(m)
            ki = jnp.where(keep, 1, 0)
            csum = plsc.cumsum(ki)
            cp = k + csum - ki
            cpos_v[sl] = cp
            plsc.store_scatter(cidx, [cp], words_v[sli], mask=keep)
            maskf[sl] = jnp.where(m | (l == 0), 0.0, 1.0)
            return k + jnp.sum(ki)

        k_tot = _pha

        @pl.loop(0, NG)
        def _pha2(g):
            sl = pl.ds(g * LANES, LANES)
            sli = pl.ds(p0 + g * LANES, LANES)
            p = g * LANES + iota
            l = p % L
            rowbase = p - l
            root = (mask_v[sli] != 0) | (l == 0)
            qp = rowbase + jnp.where(root, 0, hp_v[sli])
            qn = rowbase + jnp.where(root, 0, hn_v[sli])
            tp = plsc.load_gather(mask_v, [p0 + qp]) != 0
            tn = plsc.load_gather(mask_v, [p0 + qn]) != 0
            qp_v[sl] = jnp.where(tp, NSLOT, plsc.load_gather(cpos_v, [qp]))
            qn_v[sl] = jnp.where(tn, NSLOT, plsc.load_gather(cpos_v, [qn]))

        for t in range(NSUB):
            @pl.when(t * SUBC < k_tot)
            def _():
                sl = pl.ds(t * SUBC, SUBC)
                pltpu.async_copy(w_hbm.at[cidx.at[sl]], wr.at[sl], sem)
                pltpu.async_copy(v_hbm.at[cidx.at[sl]], vr.at[sl], sem)
                pltpu.async_copy(wb_hbm.at[cidx.at[sl]], wbv.at[sl], sem)
                pltpu.async_copy(vb_hbm.at[cidx.at[sl]], vbv.at[sl], sem)
        for t in range(NSUB):
            @pl.when(t * SUBC < k_tot)
            def _():
                sl = pl.ds(t * SUBC, SUBC)
                pltpu.make_async_copy(w_hbm.at[cidx.at[sl]], wr.at[sl], sem).wait()
                pltpu.make_async_copy(v_hbm.at[cidx.at[sl]], vr.at[sl], sem).wait()
                pltpu.make_async_copy(wb_hbm.at[cidx.at[sl]], wbv.at[sl], sem).wait()
                pltpu.make_async_copy(vb_hbm.at[cidx.at[sl]], vbv.at[sl], sem).wait()

        @pl.loop(0, NG)
        def _phc(g):
            sl = pl.ds(g * LANES, LANES)
            sli = pl.ds(p0 + g * LANES, LANES)
            p = g * LANES + iota
            l = p % L
            root = (mask_v[sli] != 0) | (l == 0)
            cw16 = jnp.where(root, 0, cpos_v[sl])
            qp16 = qp_v[sl]
            qn16 = qn_v[sl]
            accp = jnp.zeros((LANES,), jnp.float32)
            accn = jnp.zeros((LANES,), jnp.float32)
            for d in range(D):
                dv = jnp.full((LANES,), d, jnp.int32)
                wv = plsc.load_gather(wr, [cw16, dv])
                accp = accp + wv * plsc.load_gather(vr, [qp16, dv])
                accn = accn + wv * plsc.load_gather(vr, [qn16, dv])
            m = maskf[sl]
            wb16 = plsc.load_gather(wbv, [cw16])
            scp[sl] = (accp + plsc.load_gather(vbv, [qp16]) + wb16) * m
            scn[sl] = (accn + plsc.load_gather(vbv, [qn16]) + wb16) * m

        accp = jnp.zeros((LANES,), jnp.float32)
        accn = jnp.zeros((LANES,), jnp.float32)
        rbase = iota * L
        for l in range(L):
            accp = accp + plsc.load_gather(scp, [rbase + l])
            accn = accn + plsc.load_gather(scn, [rbase + l])
        outp_v[pl.ds(c * CB, CB)] = accp
        outn_v[pl.ds(c * CB, CB)] = accn

    row0 = wid * ROWS_PW
    pltpu.sync_copy(outp_v, pos_out.at[pl.ds(row0, ROWS_PW)])
    pltpu.sync_copy(outn_v, neg_out.at[pl.ds(row0, ROWS_PW)])


def kernel(batch_id, words, head_ids, negative_head_ids, mask, V, W, vb, wb):
    del batch_id
    words_f = words.reshape(-1).astype(jnp.int32)
    hp_f = head_ids.reshape(-1).astype(jnp.int32)
    hn_f = negative_head_ids.reshape(-1).astype(jnp.int32)
    mask_f = mask.reshape(-1).astype(jnp.int32)

    mesh = plsc.VectorSubcoreMesh(core_axis_name="c", subcore_axis_name="s")
    f = pl.kernel(
        _body,
        out_type=(
            jax.ShapeDtypeStruct((B,), jnp.float32),
            jax.ShapeDtypeStruct((B,), jnp.float32),
        ),
        mesh=mesh,
        compiler_params=pltpu.CompilerParams(needs_layout_passes=False,
                                             use_tc_tiling_on_sc=False),
        scratch_types=[
            pltpu.VMEM((NPW,), jnp.int32),
            pltpu.VMEM((NPW,), jnp.int32),
            pltpu.VMEM((NPW,), jnp.int32),
            pltpu.VMEM((NPW,), jnp.int32),
            pltpu.VMEM((N,), jnp.int32),
            pltpu.VMEM((N,), jnp.int32),
            pltpu.VMEM((N,), jnp.int32),
            pltpu.VMEM((N,), jnp.int32),
            pltpu.VMEM((N,), jnp.float32),
            pltpu.VMEM((N, D), jnp.float32),
            pltpu.VMEM((N + LANES, D), jnp.float32),
            pltpu.VMEM((N,), jnp.float32),
            pltpu.VMEM((N + LANES,), jnp.float32),
            pltpu.VMEM((N,), jnp.float32),
            pltpu.VMEM((N,), jnp.float32),
            pltpu.VMEM((ROWS_PW,), jnp.float32),
            pltpu.VMEM((ROWS_PW,), jnp.float32),
            pltpu.SemaphoreType.DMA,
        ],
    )
    return f(words_f, hp_f, hn_f, mask_f, V, W, vb, wb)

# --- scband reference (transcript-rebuilt; emitter-appended) ---
"""Pipeline reference for scband-dependency-learner-3367254360621 (READ-ONLY COPY).

The authoritative reference and input builder live on the scoring server;
editing this copy changes nothing except your own understanding.
"""

import jax, jax.numpy as jnp
import numpy as np

VOCAB = 1000000
COVOCAB = 1000000
D = 32
B = 4096
L = 50


def xavier(key, shape):
    limit = float(np.sqrt(6.0 / (shape[0] + shape[1])))
    return jax.random.uniform(key, shape, minval=-limit, maxval=limit, dtype=jnp.float32)


def setup_inputs(seed: int = 0) -> dict:
    key = jax.random.key(seed)
    ks = jax.random.split(key, 8)
    words = jax.random.randint(ks[0], (B, L), 0, VOCAB, dtype=jnp.int64 if jax.config.jax_enable_x64 else jnp.int32).astype(jnp.int32)
    head_ids = jax.random.randint(ks[1], (B, L), 0, L).astype(jnp.int32)
    negative_head_ids = jax.random.randint(ks[2], (B, L), 0, L).astype(jnp.int32)
    mask = jax.random.randint(ks[3], (B, L), 0, 2).astype(jnp.bool_)
    V = xavier(ks[4], (VOCAB, D))
    W = xavier(ks[5], (COVOCAB, D))
    vb = xavier(ks[6], (VOCAB, 1))[:, 0]
    wb = xavier(ks[7], (COVOCAB, 1))[:, 0]
    return {
        "batch_id": 0,
        "words": words,
        "head_ids": head_ids,
        "negative_head_ids": negative_head_ids,
        "mask": mask,
        "V": V,
        "W": W,
        "vb": vb,
        "wb": wb,
    }


def _calculate_score(words, head_ids, mask, V, W, vb, wb):
    # mask_incl_root = mask.clone(); mask_incl_root[:, 0] = 1
    mask_incl_root = mask.at[:, 0].set(True)
    # words[mask] = 0 ; head_ids[mask_incl_root] = 0
    w = jnp.where(mask, 0, words)
    h = jnp.where(mask_incl_root, 0, head_ids)
    # heads = torch.gather(words, 1, head_ids)
    heads = jnp.take_along_axis(w, h, axis=1)
    covectors = jnp.take(W, w, axis=0)
    vectors = jnp.take(V, heads, axis=0)
    covector_biases = jnp.take(wb, w, axis=0)
    vector_biases = jnp.take(vb, heads, axis=0)
    scores = (covectors * vectors).sum(2) + vector_biases + covector_biases
    # scores[mask_incl_root] = 0
    scores = jnp.where(mask_incl_root, 0.0, scores)
    return scores.sum(1)


def reference(batch_id, words, head_ids, negative_head_ids, mask, V, W, vb, wb):
    positive_score = _calculate_score(words, head_ids, mask, V, W, vb, wb)
    negative_score = _calculate_score(words, negative_head_ids, mask, V, W, vb, wb)
    return (positive_score, negative_score)

if __name__ == "__main__":
    import jax
    _d = setup_inputs()
    print(jax.jit(kernel)(*tuple(_d.values())))

</pallas_src>

<mosaic_0001>
#map = affine_map<(d0, d1) -> (0)>
#map1 = affine_map<(d0, d1) -> (0, 0)>
module attributes {stable_mosaic.version = 14 : i64} {
  func.func @_body(%arg0: i32, %arg1: i32, %arg2: memref<204800xi32, #tpu.memory_space<hbm>>, %arg3: memref<204800xi32, #tpu.memory_space<hbm>>, %arg4: memref<204800xi32, #tpu.memory_space<hbm>>, %arg5: memref<204800xi32, #tpu.memory_space<hbm>>, %arg6: memref<1000000x32xf32, #tpu.memory_space<hbm>>, %arg7: memref<1000000x32xf32, #tpu.memory_space<hbm>>, %arg8: memref<1000000xf32, #tpu.memory_space<hbm>>, %arg9: memref<1000000xf32, #tpu.memory_space<hbm>>, %arg10: memref<4096xf32, #tpu.memory_space<hbm>>, %arg11: memref<4096xf32, #tpu.memory_space<hbm>>, %arg12: memref<6400xi32, #tpu.memory_space<vmem>>, %arg13: memref<6400xi32, #tpu.memory_space<vmem>>, %arg14: memref<6400xi32, #tpu.memory_space<vmem>>, %arg15: memref<6400xi32, #tpu.memory_space<vmem>>, %arg16: memref<800xi32, #tpu.memory_space<vmem>>, %arg17: memref<800xi32, #tpu.memory_space<vmem>>, %arg18: memref<800xi32, #tpu.memory_space<vmem>>, %arg19: memref<800xi32, #tpu.memory_space<vmem>>, %arg20: memref<800xf32, #tpu.memory_space<vmem>>, %arg21: memref<800x32xf32, #tpu.memory_space<vmem>>, %arg22: memref<816x32xf32, #tpu.memory_space<vmem>>, %arg23: memref<800xf32, #tpu.memory_space<vmem>>, %arg24: memref<816xf32, #tpu.memory_space<vmem>>, %arg25: memref<800xf32, #tpu.memory_space<vmem>>, %arg26: memref<800xf32, #tpu.memory_space<vmem>>, %arg27: memref<128xf32, #tpu.memory_space<vmem>>, %arg28: memref<128xf32, #tpu.memory_space<vmem>>, %arg29: memref<!tpu.dma_semaphore, #tpu.memory_space<semaphore_mem>>) attributes {dimension_semantics = [#tpu.dimension_semantics<core_parallel>, #tpu.dimension_semantics<subcore_parallel>], iteration_bounds = array<i64: 2, 16>, scalar_prefetch = 0 : i64, scratch_operands = 18 : i64, tpu.core_type = #tpu.core_type<sc_vector_subcore>, window_params = [{transform_indices = #map}, {transform_indices = #map}, {transform_indices = #map}, {transform_indices = #map}, {transform_indices = #map1}, {transform_indices = #map1}, {transform_indices = #map}, {transform_indices = #map}, {transform_indices = #map}, {transform_indices = #map}]} {
    %mul3A = arith.constant 2 : i32
    %mul3A_0 = arith.muli %arg1, %mul3A : i32
    %add3A = arith.addi %mul3A_0, %arg0 : i32
    %iota3A = tpu.iota {dimensions = array<i32: 0>} : vector<16xi32>
    %broadcast_in_dim3A = arith.constant 0.000000e+00 : f32
    %broadcast_in_dim3A_1 = vector.broadcast %broadcast_in_dim3A : f32 to vector<16xf32>
    "tpu.region"() ({
      %run_scoped3A = tpu.sem_alloc : memref<!tpu.dma_semaphore, #tpu.memory_space<semaphore_mem>>
      %dma_start3A_38 = arith.constant 800 : i32
      %dma_start3A_39 = arith.constant 0 : i32
      %dma_start3A_40 = tpu.memref_slice %arg22[%dma_start3A_38, %dma_start3A_39] : memref<816x32xf32, #tpu.memory_space<vmem>> -> memref<1x32xf32, #tpu.memory_space<vmem>>
      %dma_start3A_41 = arith.constant 0 : i32
      %dma_start3A_42 = arith.constant 0 : i32
      %dma_start3A_43 = tpu.memref_slice %arg6[%dma_start3A_41, %dma_start3A_42] : memref<1000000x32xf32, #tpu.memory_space<hbm>> -> memref<1x32xf32, #tpu.memory_space<hbm>>
      %dma_start3A_44 = arith.constant 800 : i32
      %dma_start3A_45 = arith.constant 0 : i32
      %dma_start3A_46 = tpu.memref_slice %arg22[%dma_start3A_44, %dma_start3A_45] : memref<816x32xf32, #tpu.memory_space<vmem>> -> memref<1x32xf32, #tpu.memory_space<vmem>>
      %dma_start3A_47 = arith.constant 0 : i32
      %dma_start3A_48 = arith.constant 0 : i32
      %dma_start3A_49 = tpu.memref_slice %arg6[%dma_start3A_47, %dma_start3A_48] : memref<1000000x32xf32, #tpu.memory_space<hbm>> -> memref<1x32xf32, #tpu.memory_space<hbm>>
      tpu.enqueue_dma source(%dma_start3A_49 : memref<1x32xf32, #tpu.memory_space<hbm>>) target(%dma_start3A_46 : memref<1x32xf32, #tpu.memory_space<vmem>>) target_semaphore(%run_scoped3A : memref<!tpu.dma_semaphore, #tpu.memory_space<semaphore_mem>>)
      %dma_wait3A_50 = arith.constant 800 : i32
      %dma_wait3A_51 = arith.constant 0 : i32
      %dma_wait3A_52 = tpu.memref_slice %arg22[%dma_wait3A_50, %dma_wait3A_51] : memref<816x32xf32, #tpu.memory_space<vmem>> -> memref<1x32xf32, #tpu.memory_space<vmem>>
      %dma_wait3A_53 = arith.constant 0 : i32
      %dma_wait3A_54 = arith.constant 0 : i32
      %dma_wait3A_55 = tpu.memref_slice %arg6[%dma_wait3A_53, %dma_wait3A_54] : memref<1000000x32xf32, #tpu.memory_space<hbm>> -> memref<1x32xf32, #tpu.memory_space<hbm>>
      %dma_wait3A_56 = arith.constant 800 : i32
      %dma_wait3A_57 = arith.constant 0 : i32
      %dma_wait3A_58 = tpu.memref_slice %arg22[%dma_wait3A_56, %dma_wait3A_57] : memref<816x32xf32, #tpu.memory_space<vmem>> -> memref<1x32xf32, #tpu.memory_space<vmem>>
      %dma_wait3A_59 = arith.constant 0 : i32
      %dma_wait3A_60 = arith.constant 0 : i32
      %dma_wait3A_61 = tpu.memref_slice %arg6[%dma_wait3A_59, %dma_wait3A_60] : memref<1000000x32xf32, #tpu.memory_space<hbm>> -> memref<1x32xf32, #tpu.memory_space<hbm>>
      tpu.wait_dma2 semaphore(%run_scoped3A : memref<!tpu.dma_semaphore, #tpu.memory_space<semaphore_mem>>) src(%dma_wait3A_61 : memref<1x32xf32, #tpu.memory_space<hbm>>) dst(%dma_wait3A_58 : memref<1x32xf32, #tpu.memory_space<vmem>>)
      tpu.yield
    }) : () -> ()
    "tpu.region"() ({
      %run_scoped3A = tpu.sem_alloc : memref<!tpu.dma_semaphore, #tpu.memory_space<semaphore_mem>>
      %dma_start3A_38 = arith.constant 800 : i32
      %dma_start3A_39 = tpu.memref_slice %arg24[%dma_start3A_38] : memref<816xf32, #tpu.memory_space<vmem>> -> memref<8xf32, #tpu.memory_space<vmem>>
      %dma_start3A_40 = arith.constant 0 : i32
      %dma_start3A_41 = tpu.memref_slice %arg8[%dma_start3A_40] : memref<1000000xf32, #tpu.memory_space<hbm>> -> memref<8xf32, #tpu.memory_space<hbm>>
      %dma_start3A_42 = arith.constant 800 : i32
      %dma_start3A_43 = tpu.memref_slice %arg24[%dma_start3A_42] : memref<816xf32, #tpu.memory_space<vmem>> -> memref<8xf32, #tpu.memory_space<vmem>>
      %dma_start3A_44 = arith.constant 0 : i32
      %dma_start3A_45 = tpu.memref_slice %arg8[%dma_start3A_44] : memref<1000000xf32, #tpu.memory_space<hbm>> -> memref<8xf32, #tpu.memory_space<hbm>>
      tpu.enqueue_dma source(%dma_start3A_45 : memref<8xf32, #tpu.memory_space<hbm>>) target(%dma_start3A_43 : memref<8xf32, #tpu.memory_space<vmem>>) target_semaphore(%run_scoped3A : memref<!tpu.dma_semaphore, #tpu.memory_space<semaphore_mem>>)
      %dma_wait3A_46 = arith.constant 800 : i32
      %dma_wait3A_47 = tpu.memref_slice %arg24[%dma_wait3A_46] : memref<816xf32, #tpu.memory_space<vmem>> -> memref<8xf32, #tpu.memory_space<vmem>>
      %dma_wait3A_48 = arith.constant 0 : i32
      %dma_wait3A_49 = tpu.memref_slice %arg8[%dma_wait3A_48] : memref<1000000xf32, #tpu.memory_space<hbm>> -> memref<8xf32, #tpu.memory_space<hbm>>
      %dma_wait3A_50 = arith.constant 800 : i32
      %dma_wait3A_51 = tpu.memref_slice %arg24[%dma_wait3A_50] : memref<816xf32, #tpu.memory_space<vmem>> -> memref<8xf32, #tpu.memory_space<vmem>>
      %dma_wait3A_52 = arith.constant 0 : i32
      %dma_wait3A_53 = tpu.memref_slice %arg8[%dma_wait3A_52] : memref<1000000xf32, #tpu.memory_space<hbm>> -> memref<8xf32, #tpu.memory_space<hbm>>
      tpu.wait_dma2 semaphore(%run_scoped3A : memref<!tpu.dma_semaphore, #tpu.memory_space<semaphore_mem>>) src(%dma_wait3A_53 : memref<8xf32, #tpu.memory_space<hbm>>) dst(%dma_wait3A_51 : memref<8xf32, #tpu.memory_space<vmem>>)
      tpu.yield
    }) : () -> ()
    %swap3A = arith.constant 0 : i32
    %swap3A_2 = arith.index_cast %swap3A : i32 to index
    %swap3A_3 = arith.constant 0 : index
    %swap3A_4 = tpu.vector_load %arg21[%swap3A_2, %swap3A_3] {strides = array<i32>} : memref<800x32xf32, #tpu.memory_space<vmem>>, vector<16xf32>,
    tpu.vector_store %arg21[%swap3A_2, %swap3A_3], %broadcast_in_dim3A_1 {strides = array<i32>} : memref<800x32xf32, #tpu.memory_space<vmem>>, vector<16xf32>,
    %swap3A_5 = arith.constant 0 : i32
    %swap3A_6 = arith.index_cast %swap3A_5 : i32 to index
    %swap3A_7 = arith.constant 16 : index
    %swap3A_8 = tpu.vector_load %arg21[%swap3A_6, %swap3A_7] {strides = array<i32>} : memref<800x32xf32, #tpu.memory_space<vmem>>, vector<16xf32>,
    tpu.vector_store %arg21[%swap3A_6, %swap3A_7], %broadcast_in_dim3A_1 {strides = array<i32>} : memref<800x32xf32, #tpu.memory_space<vmem>>, vector<16xf32>,
    %swap3A_9 = arith.constant 0 : index
    %swap3A_10 = tpu.vector_load %arg23[%swap3A_9] {strides = array<i32>} : memref<800xf32, #tpu.memory_space<vmem>>, vector<16xf32>,
    tpu.vector_store %arg23[%swap3A_9], %broadcast_in_dim3A_1 {strides = array<i32>} : memref<800xf32, #tpu.memory_space<vmem>>, vector<16xf32>,
    %scan3A = arith.constant 0 : i32
    %scan3A_11 = arith.constant 50 : i32
    %scan3A_12 = arith.addi %scan3A, %scan3A_11 : i32
    %scan3A_13 = arith.constant 1 : i32
    scf.for %scan3A_38 = %scan3A to %scan3A_12 step %scan3A_13  : i32 {
      %mul3A_39 = arith.constant 1 : i32
      %mul3A_40 = arith.muli %scan3A_38, %mul3A_39 : i32
      %add3A_41 = arith.constant 0 : i32
      %add3A_42 = arith.addi %add3A_41, %mul3A_40 : i32
      %broadcast_in_dim3A_43 = arith.constant 0 : i32
      %broadcast_in_dim3A_44 = vector.broadcast %broadcast_in_dim3A_43 : i32 to vector<16xi32>
      %mul3A_45 = arith.constant 16 : i32
      %mul3A_46 = arith.muli %add3A_42, %mul3A_45 : i32
      %swap3A_47 = arith.index_cast %mul3A_46 : i32 to index
      %swap3A_48 = tpu.vector_load %arg16[%swap3A_47] {strides = array<i32>} : memref<800xi32, #tpu.memory_space<vmem>>, vector<16xi32>,
      tpu.vector_store %arg16[%swap3A_47], %broadcast_in_dim3A_44 {strides = array<i32>} : memref<800xi32, #tpu.memory_space<vmem>>, vector<16xi32>,
    }
    %scan3A_14 = arith.constant 50 : i32
    %mul3A_15 = arith.constant 6400 : i32
    %mul3A_16 = arith.muli %add3A, %mul3A_15 : i32
    %dma_start3A = tpu.memref_slice %arg2[%mul3A_16] : memref<204800xi32, #tpu.memory_space<hbm>> -> memref<6400xi32, #tpu.memory_space<hbm>>
    %dma_start3A_17 = tpu.memref_slice %arg2[%mul3A_16] : memref<204800xi32, #tpu.memory_space<hbm>> -> memref<6400xi32, #tpu.memory_space<hbm>>
    tpu.enqueue_dma source(%dma_start3A_17 : memref<6400xi32, #tpu.memory_space<hbm>>) target(%arg12 : memref<6400xi32, #tpu.memory_space<vmem>>) target_semaphore(%arg29 : memref<!tpu.dma_semaphore, #tpu.memory_space<semaphore_mem>>)
    %dma_start3A_18 = tpu.memref_slice %arg3[%mul3A_16] : memref<204800xi32, #tpu.memory_space<hbm>> -> memref<6400xi32, #tpu.memory_space<hbm>>
    %dma_start3A_19 = tpu.memref_slice %arg3[%mul3A_16] : memref<204800xi32, #tpu.memory_space<hbm>> -> memref<6400xi32, #tpu.memory_space<hbm>>
    tpu.enqueue_dma source(%dma_start3A_19 : memref<6400xi32, #tpu.memory_space<hbm>>) target(%arg13 : memref<6400xi32, #tpu.memory_space<vmem>>) target_semaphore(%arg29 : memref<!tpu.dma_semaphore, #tpu.memory_space<semaphore_mem>>)
    %dma_start3A_20 = tpu.memref_slice %arg4[%mul3A_16] : memref<204800xi32, #tpu.memory_space<hbm>> -> memref<6400xi32, #tpu.memory_space<hbm>>
    %dma_start3A_21 = tpu.memref_slice %arg4[%mul3A_16] : memref<204800xi32, #tpu.memory_space<hbm>> -> memref<6400xi32, #tpu.memory_space<hbm>>
    tpu.enqueue_dma source(%dma_start3A_21 : memref<6400xi32, #tpu.memory_space<hbm>>) target(%arg14 : memref<6400xi32, #tpu.memory_space<vmem>>) target_semaphore(%arg29 : memref<!tpu.dma_semaphore, #tpu.memory_space<semaphore_mem>>)
    %dma_start3A_22 = tpu.memref_slice %arg5[%mul3A_16] : memref<204800xi32, #tpu.memory_space<hbm>> -> memref<6400xi32, #tpu.memory_space<hbm>>
    %dma_start3A_23 = tpu.memref_slice %arg5[%mul3A_16] : memref<204800xi32, #tpu.memory_space<hbm>> -> memref<6400xi32, #tpu.memory_space<hbm>>
    tpu.enqueue_dma source(%dma_start3A_23 : memref<6400xi32, #tpu.memory_space<hbm>>) target(%arg15 : memref<6400xi32, #tpu.memory_space<vmem>>) target_semaphore(%arg29 : memref<!tpu.dma_semaphore, #tpu.memory_space<semaphore_mem>>)
    %dma_wait3A = tpu.memref_slice %arg2[%mul3A_16] : memref<204800xi32, #tpu.memory_space<hbm>> -> memref<6400xi32, #tpu.memory_space<hbm>>
    %dma_wait3A_24 = tpu.memref_slice %arg2[%mul3A_16] : memref<204800xi32, #tpu.memory_space<hbm>> -> memref<6400xi32, #tpu.memory_space<hbm>>
    tpu.wait_dma2 semaphore(%arg29 : memref<!tpu.dma_semaphore, #tpu.memory_space<semaphore_mem>>) src(%dma_wait3A_24 : memref<6400xi32, #tpu.memory_space<hbm>>) dst(%arg12 : memref<6400xi32, #tpu.memory_space<vmem>>)
    %dma_wait3A_25 = tpu.memref_slice %arg3[%mul3A_16] : memref<204800xi32, #tpu.memory_space<hbm>> -> memref<6400xi32, #tpu.memory_space<hbm>>
    %dma_wait3A_26 = tpu.memref_slice %arg3[%mul3A_16] : memref<204800xi32, #tpu.memory_space<hbm>> -> memref<6400xi32, #tpu.memory_space<hbm>>
    tpu.wait_dma2 semaphore(%arg29 : memref<!tpu.dma_semaphore, #tpu.memory_space<semaphore_mem>>) src(%dma_wait3A_26 : memref<6400xi32, #tpu.memory_space<hbm>>) dst(%arg13 : memref<6400xi32, #tpu.memory_space<vmem>>)
    %dma_wait3A_27 = tpu.memref_slice %arg4[%mul3A_16] : memref<204800xi32, #tpu.memory_space<hbm>> -> memref<6400xi32, #tpu.memory_space<hbm>>
    %dma_wait3A_28 = tpu.memref_slice %arg4[%mul3A_16] : memref<204800xi32, #tpu.memory_space<hbm>> -> memref<6400xi32, #tpu.memory_space<hbm>>
    tpu.wait_dma2 semaphore(%arg29 : memref<!tpu.dma_semaphore, #tpu.memory_space<semaphore_mem>>) src(%dma_wait3A_28 : memref<6400xi32, #tpu.memory_space<hbm>>) dst(%arg14 : memref<6400xi32, #tpu.memory_space<vmem>>)
    %dma_wait3A_29 = tpu.memref_slice %arg5[%mul3A_16] : memref<204800xi32, #tpu.memory_space<hbm>> -> memref<6400xi32, #tpu.memory_space<hbm>>
    %dma_wait3A_30 = tpu.memref_slice %arg5[%mul3A_16] : memref<204800xi32, #tpu.memory_space<hbm>> -> memref<6400xi32, #tpu.memory_space<hbm>>
    tpu.wait_dma2 semaphore(%arg29 : memref<!tpu.dma_semaphore, #tpu.memory_space<semaphore_mem>>) src(%dma_wait3A_30 : memref<6400xi32, #tpu.memory_space<hbm>>) dst(%arg15 : memref<6400xi32, #tpu.memory_space<vmem>>)
    %scan3A_31 = arith.constant 0 : i32
    %scan3A_32 = arith.constant 8 : i32
    %scan3A_33 = arith.addi %scan3A_31, %scan3A_32 : i32
    %scan3A_34 = arith.constant 1 : i32
    scf.for %scan3A_38 = %scan3A_31 to %scan3A_33 step %scan3A_34  : i32 {
      %mul3A_39 = arith.constant 1 : i32
      %mul3A_40 = arith.muli %scan3A_38, %mul3A_39 : i32
      %add3A_41 = arith.constant 0 : i32
      %add3A_42 = arith.addi %add3A_41, %mul3A_40 : i32
      %mul3A_43 = arith.constant 800 : i32
      %mul3A_44 = arith.muli %add3A_42, %mul3A_43 : i32
      %mul3A_45 = arith.constant 128 : i32
      %mul3A_46 = arith.muli %add3A, %mul3A_45 : i32
      %mul3A_47 = arith.constant 16 : i32
      %mul3A_48 = arith.muli %add3A_42, %mul3A_47 : i32
      %add3A_49 = arith.addi %mul3A_46, %mul3A_48 : i32
      %scan3A_50 = arith.constant 0 : i32
      %scan3A_51 = arith.constant 0 : i32
      %scan3A_52 = arith.constant 50 : i32
      %scan3A_53 = arith.addi %scan3A_51, %scan3A_52 : i32
      %scan3A_54 = arith.constant 1 : i32
      %scan3A_55 = scf.for %scan3A_678 = %scan3A_51 to %scan3A_53 step %scan3A_54 iter_args(%scan3A_679 = %scan3A_50) -> (i32)  : i32 {
        %mul3A_680 = arith.constant 1 : i32
        %mul3A_681 = arith.muli %scan3A_678, %mul3A_680 : i32
        %add3A_682 = arith.constant 0 : i32
        %add3A_683 = arith.addi %add3A_682, %mul3A_681 : i32
        %mul3A_684 = arith.constant 16 : i32
        %mul3A_685 = arith.muli %add3A_683, %mul3A_684 : i32
        %mul3A_686 = arith.constant 16 : i32
        %mul3A_687 = arith.muli %add3A_683, %mul3A_686 : i32
        %add3A_688 = arith.addi %mul3A_44, %mul3A_687 : i32
        %mul3A_689 = arith.constant 16 : i32
        %mul3A_690 = arith.muli %add3A_683, %mul3A_689 : i32
        %add3A_691 = vector.broadcast %mul3A_690 : i32 to vector<16xi32>
        %add3A_692 = arith.addi %add3A_691, %iota3A : vector<16xi32>
        %jit3A = arith.constant 50 : i32
        %eq3A = arith.constant 0 : i32
        %eq3A_693 = arith.cmpi eq, %jit3A, %eq3A : i32
        %jit3A_694 = arith.constant 1 : i32
        %select_n3A = arith.select %eq3A_693, %jit3A_694, %jit3A : i32
        %rem3A = vector.broadcast %select_n3A : i32 to vector<16xi32>
        %rem3A_695 = arith.remsi %add3A_692, %rem3A : vector<16xi32>
        %ne3A = arith.constant 0 : i32
        %ne3A_696 = vector.broadcast %ne3A : i32 to vector<16xi32>
        %ne3A_697 = arith.cmpi ne, %rem3A_695, %ne3A_696 : vector<16xi32>
        %lt3A = arith.constant 0 : i32
        %lt3A_698 = vector.broadcast %lt3A : i32 to vector<16xi32>
        %lt3A_699 = arith.cmpi slt, %rem3A_695, %lt3A_698 : vector<16xi32>
        %lt3A_700 = arith.constant 0 : i32
        %lt3A_701 = arith.cmpi slt, %select_n3A, %lt3A_700 : i32
        %ne3A_702 = vector.broadcast %lt3A_701 : i1 to vector<16xi1>
        %ne3A_703 = vector.broadcast %ne3A_702 : vector<16xi1> to vector<16xi1>
        %ne3A_704 = arith.xori %lt3A_699, %ne3A_703 : vector<16xi1>
        %and3A = arith.andi %ne3A_704, %ne3A_697 : vector<16xi1>
        %add3A_705 = vector.broadcast %select_n3A : i32 to vector<16xi32>
        %add3A_706 = arith.addi %rem3A_695, %add3A_705 : vector<16xi32>
        %select_n3A_707 = arith.select %and3A, %add3A_706, %rem3A_695 : vector<16xi1>, vector<16xi32>
        %get3A = arith.index_cast %add3A_688 : i32 to index
        %get3A_708 = tpu.vector_load %arg15[%get3A] {strides = array<i32>} : memref<6400xi32, #tpu.memory_space<vmem>>, vector<16xi32>,
        %ne3A_709 = arith.constant 0 : i32
        %ne3A_710 = vector.broadcast %ne3A_709 : i32 to vector<16xi32>
        %ne3A_711 = arith.cmpi ne, %get3A_708, %ne3A_710 : vector<16xi32>
        %not3A = arith.constant dense<true> : vector<16xi1>
        %not3A_712 = arith.xori %ne3A_711, %not3A : vector<16xi1>
        %jit3A_713 = arith.constant 1 : i32
        %jit3A_714 = arith.constant 0 : i32
        %broadcast_in_dim3A_715 = vector.broadcast %jit3A_713 : i32 to vector<16xi32>
        %broadcast_in_dim3A_716 = vector.broadcast %jit3A_714 : i32 to vector<16xi32>
        %select_n3A_717 = arith.select %not3A_712, %broadcast_in_dim3A_715, %broadcast_in_dim3A_716 : vector<16xi1>, vector<16xi32>
        %broadcast_in_dim3A_718 = arith.constant true
        %broadcast_in_dim3A_719 = vector.broadcast %broadcast_in_dim3A_718 : i1 to vector<16xi1>
        %masked_cumsum3A = tpu.scan <sum>, %select_n3A_717 masked %broadcast_in_dim3A_719 : vector<16xi32>, vector<16xi1> -> vector<16xi32>
        %add3A_720 = vector.broadcast %scan3A_679 : i32 to vector<16xi32>
        %add3A_721 = arith.addi %add3A_720, %masked_cumsum3A : vector<16xi32>
        %sub3A = arith.subi %add3A_721, %select_n3A_717 : vector<16xi32>
        %swap3A_722 = arith.index_cast %mul3A_685 : i32 to index
        %swap3A_723 = tpu.vector_load %arg17[%swap3A_722] {strides = array<i32>} : memref<800xi32, #tpu.memory_space<vmem>>, vector<16xi32>,
        tpu.vector_store %arg17[%swap3A_722], %sub3A {strides = array<i32>} : memref<800xi32, #tpu.memory_space<vmem>>, vector<16xi32>,
        %get3A_724 = arith.index_cast %add3A_688 : i32 to index
        %get3A_725 = tpu.vector_load %arg12[%get3A_724] {strides = array<i32>} : memref<6400xi32, #tpu.memory_space<vmem>>, vector<16xi32>,
        tpu.vector_store_idx %arg16[%sub3A], %get3A_725 masked %not3A_712 : memref<800xi32, #tpu.memory_space<vmem>>[vector<16xi32>], vector<16xi32>, vector<16xi1>
        %eq3A_726 = arith.constant 0 : i32
        %eq3A_727 = vector.broadcast %eq3A_726 : i32 to vector<16xi32>
        %eq3A_728 = arith.cmpi eq, %select_n3A_707, %eq3A_727 : vector<16xi32>
        %or3A = arith.ori %ne3A_711, %eq3A_728 : vector<16xi1>
        %jit3A_729 = arith.constant 0.000000e+00 : f32
        %jit3A_730 = arith.constant 1.000000e+00 : f32
        %broadcast_in_dim3A_731 = vector.broadcast %jit3A_729 : f32 to vector<16xf32>
        %broadcast_in_dim3A_732 = vector.broadcast %jit3A_730 : f32 to vector<16xf32>
        %select_n3A_733 = arith.select %or3A, %broadcast_in_dim3A_731, %broadcast_in_dim3A_732 : vector<16xi1>, vector<16xf32>
        %swap3A_734 = arith.index_cast %mul3A_685 : i32 to index
        %swap3A_735 = tpu.vector_load %arg20[%swap3A_734] {strides = array<i32>} : memref<800xf32, #tpu.memory_space<vmem>>, vector<16xf32>,
        tpu.vector_store %arg20[%swap3A_734], %select_n3A_733 {strides = array<i32>} : memref<800xf32, #tpu.memory_space<vmem>>, vector<16xf32>,
        %reduce_sum3A = arith.constant true
        %reduce_sum3A_736 = vector.broadcast %reduce_sum3A : i1 to vector<16xi1>
        %reduce_sum3A_737 = tpu.scan <sum>, %select_n3A_717 masked %reduce_sum3A_736 : vector<16xi32>, vector<16xi1> -> vector<16xi32>
        %reduce_sum3A_738 = vector.extract %reduce_sum3A_737[15] : i32 from vector<16xi32>
        %add3A_739 = arith.addi %scan3A_679, %reduce_sum3A_738 : i32
        scf.yield %add3A_739 : i32
      }
      %scan3A_56 = arith.constant 50 : i32
      %scan3A_57 = arith.constant 0 : i32
      %scan3A_58 = arith.constant 50 : i32
      %scan3A_59 = arith.addi %scan3A_57, %scan3A_58 : i32
      %scan3A_60 = arith.constant 1 : i32
      scf.for %scan3A_678 = %scan3A_57 to %scan3A_59 step %scan3A_60  : i32 {
        %mul3A_679 = arith.constant 1 : i32
        %mul3A_680 = arith.muli %scan3A_678, %mul3A_679 : i32
        %add3A_681 = arith.constant 0 : i32
        %add3A_682 = arith.addi %add3A_681, %mul3A_680 : i32
        %mul3A_683 = arith.constant 16 : i32
        %mul3A_684 = arith.muli %add3A_682, %mul3A_683 : i32
        %mul3A_685 = arith.constant 16 : i32
        %mul3A_686 = arith.muli %add3A_682, %mul3A_685 : i32
        %add3A_687 = arith.addi %mul3A_44, %mul3A_686 : i32
        %mul3A_688 = arith.constant 16 : i32
        %mul3A_689 = arith.muli %add3A_682, %mul3A_688 : i32
        %add3A_690 = vector.broadcast %mul3A_689 : i32 to vector<16xi32>
        %add3A_691 = arith.addi %add3A_690, %iota3A : vector<16xi32>
        %jit3A = arith.constant 50 : i32
        %eq3A = arith.constant 0 : i32
        %eq3A_692 = arith.cmpi eq, %jit3A, %eq3A : i32
        %jit3A_693 = arith.constant 1 : i32
        %select_n3A = arith.select %eq3A_692, %jit3A_693, %jit3A : i32
        %rem3A = vector.broadcast %select_n3A : i32 to vector<16xi32>
        %rem3A_694 = arith.remsi %add3A_691, %rem3A : vector<16xi32>
        %ne3A = arith.constant 0 : i32
        %ne3A_695 = vector.broadcast %ne3A : i32 to vector<16xi32>
        %ne3A_696 = arith.cmpi ne, %rem3A_694, %ne3A_695 : vector<16xi32>
        %lt3A = arith.constant 0 : i32
        %lt3A_697 = vector.broadcast %lt3A : i32 to vector<16xi32>
        %lt3A_698 = arith.cmpi slt, %rem3A_694, %lt3A_697 : vector<16xi32>
        %lt3A_699 = arith.constant 0 : i32
        %lt3A_700 = arith.cmpi slt, %select_n3A, %lt3A_699 : i32
        %ne3A_701 = vector.broadcast %lt3A_700 : i1 to vector<16xi1>
        %ne3A_702 = vector.broadcast %ne3A_701 : vector<16xi1> to vector<16xi1>
        %ne3A_703 = arith.xori %lt3A_698, %ne3A_702 : vector<16xi1>
        %and3A = arith.andi %ne3A_703, %ne3A_696 : vector<16xi1>
        %add3A_704 = vector.broadcast %select_n3A : i32 to vector<16xi32>
        %add3A_705 = arith.addi %rem3A_694, %add3A_704 : vector<16xi32>
        %select_n3A_706 = arith.select %and3A, %add3A_705, %rem3A_694 : vector<16xi1>, vector<16xi32>
        %sub3A = arith.subi %add3A_691, %select_n3A_706 : vector<16xi32>
        %get3A = arith.index_cast %add3A_687 : i32 to index
        %get3A_707 = tpu.vector_load %arg15[%get3A] {strides = array<i32>} : memref<6400xi32, #tpu.memory_space<vmem>>, vector<16xi32>,
        %ne3A_708 = arith.constant 0 : i32
        %ne3A_709 = vector.broadcast %ne3A_708 : i32 to vector<16xi32>
        %ne3A_710 = arith.cmpi ne, %get3A_707, %ne3A_709 : vector<16xi32>
        %eq3A_711 = arith.constant 0 : i32
        %eq3A_712 = vector.broadcast %eq3A_711 : i32 to vector<16xi32>
        %eq3A_713 = arith.cmpi eq, %select_n3A_706, %eq3A_712 : vector<16xi32>
        %or3A = arith.ori %ne3A_710, %eq3A_713 : vector<16xi1>
        %get3A_714 = arith.index_cast %add3A_687 : i32 to index
        %get3A_715 = tpu.vector_load %arg13[%get3A_714] {strides = array<i32>} : memref<6400xi32, #tpu.memory_space<vmem>>, vector<16xi32>,
        %jit3A_716 = arith.constant 0 : i32
        %broadcast_in_dim3A_717 = vector.broadcast %jit3A_716 : i32 to vector<16xi32>
        %select_n3A_718 = arith.select %or3A, %broadcast_in_dim3A_717, %get3A_715 : vector<16xi1>, vector<16xi32>
        %add3A_719 = arith.addi %sub3A, %select_n3A_718 : vector<16xi32>
        %get3A_720 = arith.index_cast %add3A_687 : i32 to index
        %get3A_721 = tpu.vector_load %arg14[%get3A_720] {strides = array<i32>} : memref<6400xi32, #tpu.memory_space<vmem>>, vector<16xi32>,
        %jit3A_722 = arith.constant 0 : i32
        %broadcast_in_dim3A_723 = vector.broadcast %jit3A_722 : i32 to vector<16xi32>
        %select_n3A_724 = arith.select %or3A, %broadcast_in_dim3A_723, %get3A_721 : vector<16xi1>, vector<16xi32>
        %add3A_725 = arith.addi %sub3A, %select_n3A_724 : vector<16xi32>
        %add3A_726 = vector.broadcast %mul3A_44 : i32 to vector<16xi32>
        %add3A_727 = arith.addi %add3A_726, %add3A_719 : vector<16xi32>
        %gather3A_728 = tpu.vector_load_idx %arg15[%add3A_727] : memref<6400xi32, #tpu.memory_space<vmem>>[vector<16xi32>], vector<16xi32>,
        %ne3A_729 = arith.constant 0 : i32
        %ne3A_730 = vector.broadcast %ne3A_729 : i32 to vector<16xi32>
        %ne3A_731 = arith.cmpi ne, %gather3A_728, %ne3A_730 : vector<16xi32>
        %add3A_732 = vector.broadcast %mul3A_44 : i32 to vector<16xi32>
        %add3A_733 = arith.addi %add3A_732, %add3A_725 : vector<16xi32>
        %gather3A_734 = tpu.vector_load_idx %arg15[%add3A_733] : memref<6400xi32, #tpu.memory_space<vmem>>[vector<16xi32>], vector<16xi32>,
        %ne3A_735 = arith.constant 0 : i32
        %ne3A_736 = vector.broadcast %ne3A_735 : i32 to vector<16xi32>
        %ne3A_737 = arith.cmpi ne, %gather3A_734, %ne3A_736 : vector<16xi32>
        %gather3A_738 = tpu.vector_load_idx %arg17[%add3A_719] : memref<800xi32, #tpu.memory_space<vmem>>[vector<16xi32>], vector<16xi32>,
        %jit3A_739 = arith.constant 800 : i32
        %broadcast_in_dim3A_740 = vector.broadcast %jit3A_739 : i32 to vector<16xi32>
        %select_n3A_741 = arith.select %ne3A_731, %broadcast_in_dim3A_740, %gather3A_738 : vector<16xi1>, vector<16xi32>
        %swap3A_742 = arith.index_cast %mul3A_684 : i32 to index
        %swap3A_743 = tpu.vector_load %arg18[%swap3A_742] {strides = array<i32>} : memref<800xi32, #tpu.memory_space<vmem>>, vector<16xi32>,
        tpu.vector_store %arg18[%swap3A_742], %select_n3A_741 {strides = array<i32>} : memref<800xi32, #tpu.memory_space<vmem>>, vector<16xi32>,
        %gather3A_744 = tpu.vector_load_idx %arg17[%add3A_725] : memref<800xi32, #tpu.memory_space<vmem>>[vector<16xi32>], vector<16xi32>,
        %jit3A_745 = arith.constant 800 : i32
        %broadcast_in_dim3A_746 = vector.broadcast %jit3A_745 : i32 to vector<16xi32>
        %select_n3A_747 = arith.select %ne3A_737, %broadcast_in_dim3A_746, %gather3A_744 : vector<16xi1>, vector<16xi32>
        %swap3A_748 = arith.index_cast %mul3A_684 : i32 to index
        %swap3A_749 = tpu.vector_load %arg19[%swap3A_748] {strides = array<i32>} : memref<800xi32, #tpu.memory_space<vmem>>, vector<16xi32>,
        tpu.vector_store %arg19[%swap3A_748], %select_n3A_747 {strides = array<i32>} : memref<800xi32, #tpu.memory_space<vmem>>, vector<16xi32>,
      }
      %scan3A_61 = arith.constant 50 : i32
      %gt3A = arith.constant 0 : i32
      %gt3A_62 = arith.cmpi sgt, %scan3A_55, %gt3A : i32
      %convert_element_type3A = arith.extui %gt3A_62 : i1 to i32
      %cond3A = arith.constant 0 : i32
      %cond3A_63 = arith.cmpi ne, %convert_element_type3A, %cond3A : i32
      scf.if %cond3A_63 {
        %dma_start3A_678 = arith.constant 0 : i32
        %dma_start3A_679 = arith.constant 0 : i32
        %dma_start3A_680 = tpu.memref_slice %arg21[%dma_start3A_678, %dma_start3A_679] : memref<800x32xf32, #tpu.memory_space<vmem>> -> memref<80x32xf32, #tpu.memory_space<vmem>>
        %dma_start3A_681 = arith.constant 0 : i32
        %dma_start3A_682 = tpu.memref_slice %arg16[%dma_start3A_681] : memref<800xi32, #tpu.memory_space<vmem>> -> memref<80xi32, #tpu.memory_space<vmem>>
        %dma_start3A_683 = arith.constant 0 : i32
        %dma_start3A_684 = arith.constant 0 : i32
        %dma_start3A_685 = tpu.memref_slice %arg7[%dma_start3A_683, %dma_start3A_684] : memref<1000000x32xf32, #tpu.memory_space<hbm>> -> memref<1000000x32xf32, #tpu.memory_space<hbm>>
        tpu.enqueue_indirect_dma source(%dma_start3A_685 : memref<1000000x32xf32, #tpu.memory_space<hbm>>) target(%dma_start3A_680 : memref<80x32xf32, #tpu.memory_space<vmem>>) offsets(%dma_start3A_682 : memref<80xi32, #tpu.memory_space<vmem>>) semaphore(%arg29 : memref<!tpu.dma_semaphore, #tpu.memory_space<semaphore_mem>>)
        %dma_start3A_686 = arith.constant 0 : i32
        %dma_start3A_687 = arith.constant 0 : i32
        %dma_start3A_688 = tpu.memref_slice %arg22[%dma_start3A_686, %dma_start3A_687] : memref<816x32xf32, #tpu.memory_space<vmem>> -> memref<80x32xf32, #tpu.memory_space<vmem>>
        %dma_start3A_689 = arith.constant 0 : i32
        %dma_start3A_690 = tpu.memref_slice %arg16[%dma_start3A_689] : memref<800xi32, #tpu.memory_space<vmem>> -> memref<80xi32, #tpu.memory_space<vmem>>
        %dma_start3A_691 = arith.constant 0 : i32
        %dma_start3A_692 = arith.constant 0 : i32
        %dma_start3A_693 = tpu.memref_slice %arg6[%dma_start3A_691, %dma_start3A_692] : memref<1000000x32xf32, #tpu.memory_space<hbm>> -> memref<1000000x32xf32, #tpu.memory_space<hbm>>
        tpu.enqueue_indirect_dma source(%dma_start3A_693 : memref<1000000x32xf32, #tpu.memory_space<hbm>>) target(%dma_start3A_688 : memref<80x32xf32, #tpu.memory_space<vmem>>) offsets(%dma_start3A_690 : memref<80xi32, #tpu.memory_space<vmem>>) semaphore(%arg29 : memref<!tpu.dma_semaphore, #tpu.memory_space<semaphore_mem>>)
        %dma_start3A_694 = arith.constant 0 : i32
        %dma_start3A_695 = tpu.memref_slice %arg23[%dma_start3A_694] : memref<800xf32, #tpu.memory_space<vmem>> -> memref<80xf32, #tpu.memory_space<vmem>>
        %dma_start3A_696 = arith.constant 0 : i32
        %dma_start3A_697 = tpu.memref_slice %arg16[%dma_start3A_696] : memref<800xi32, #tpu.memory_space<vmem>> -> memref<80xi32, #tpu.memory_space<vmem>>
        %dma_start3A_698 = arith.constant 0 : i32
        %dma_start3A_699 = tpu.memref_slice %arg9[%dma_start3A_698] : memref<1000000xf32, #tpu.memory_space<hbm>> -> memref<1000000xf32, #tpu.memory_space<hbm>>
        tpu.enqueue_indirect_dma source(%dma_start3A_699 : memref<1000000xf32, #tpu.memory_space<hbm>>) target(%dma_start3A_695 : memref<80xf32, #tpu.memory_space<vmem>>) offsets(%dma_start3A_697 : memref<80xi32, #tpu.memory_space<vmem>>) semaphore(%arg29 : memref<!tpu.dma_semaphore, #tpu.memory_space<semaphore_mem>>)
        %dma_start3A_700 = arith.constant 0 : i32
        %dma_start3A_701 = tpu.memref_slice %arg24[%dma_start3A_700] : memref<816xf32, #tpu.memory_space<vmem>> -> memref<80xf32, #tpu.memory_space<vmem>>
        %dma_start3A_702 = arith.constant 0 : i32
        %dma_start3A_703 = tpu.memref_slice %arg16[%dma_start3A_702] : memref<800xi32, #tpu.memory_space<vmem>> -> memref<80xi32, #tpu.memory_space<vmem>>
        %dma_start3A_704 = arith.constant 0 : i32
        %dma_start3A_705 = tpu.memref_slice %arg8[%dma_start3A_704] : memref<1000000xf32, #tpu.memory_space<hbm>> -> memref<1000000xf32, #tpu.memory_space<hbm>>
        tpu.enqueue_indirect_dma source(%dma_start3A_705 : memref<1000000xf32, #tpu.memory_space<hbm>>) target(%dma_start3A_701 : memref<80xf32, #tpu.memory_space<vmem>>) offsets(%dma_start3A_703 : memref<80xi32, #tpu.memory_space<vmem>>) semaphore(%arg29 : memref<!tpu.dma_semaphore, #tpu.memory_space<semaphore_mem>>)
      } else {
      }
      %gt3A_64 = arith.constant 80 : i32
      %gt3A_65 = arith.cmpi sgt, %scan3A_55, %gt3A_64 : i32
      %convert_element_type3A_66 = arith.extui %gt3A_65 : i1 to i32
      %cond3A_67 = arith.constant 0 : i32
      %cond3A_68 = arith.cmpi ne, %convert_element_type3A_66, %cond3A_67 : i32
      scf.if %cond3A_68 {
        %dma_start3A_678 = arith.constant 80 : i32
        %dma_start3A_679 = arith.constant 0 : i32
        %dma_start3A_680 = tpu.memref_slice %arg21[%dma_start3A_678, %dma_start3A_679] : memref<800x32xf32, #tpu.memory_space<vmem>> -> memref<80x32xf32, #tpu.memory_space<vmem>>
        %dma_start3A_681 = arith.constant 80 : i32
        %dma_start3A_682 = tpu.memref_slice %arg16[%dma_start3A_681] : memref<800xi32, #tpu.memory_space<vmem>> -> memref<80xi32, #tpu.memory_space<vmem>>
        %dma_start3A_683 = arith.constant 0 : i32
        %dma_start3A_684 = arith.constant 0 : i32
        %dma_start3A_685 = tpu.memref_slice %arg7[%dma_start3A_683, %dma_start3A_684] : memref<1000000x32xf32, #tpu.memory_space<hbm>> -> memref<1000000x32xf32, #tpu.memory_space<hbm>>
        tpu.enqueue_indirect_dma source(%dma_start3A_685 : memref<1000000x32xf32, #tpu.memory_space<hbm>>) target(%dma_start3A_680 : memref<80x32xf32, #tpu.memory_space<vmem>>) offsets(%dma_start3A_682 : memref<80xi32, #tpu.memory_space<vmem>>) semaphore(%arg29 : memref<!tpu.dma_semaphore, #tpu.memory_space<semaphore_mem>>)
        %dma_start3A_686 = arith.constant 80 : i32
        %dma_start3A_687 = arith.constant 0 : i32
        %dma_start3A_688 = tpu.memref_slice %arg22[%dma_start3A_686, %dma_start3A_687] : memref<816x32xf32, #tpu.memory_space<vmem>> -> memref<80x32xf32, #tpu.memory_space<vmem>>
        %dma_start3A_689 = arith.constant 80 : i32
        %dma_start3A_690 = tpu.memref_slice %arg16[%dma_start3A_689] : memref<800xi32, #tpu.memory_space<vmem>> -> memref<80xi32, #tpu.memory_space<vmem>>
        %dma_start3A_691 = arith.constant 0 : i32
        %dma_start3A_692 = arith.constant 0 : i32
        %dma_start3A_693 = tpu.memref_slice %arg6[%dma_start3A_691, %dma_start3A_692] : memref<1000000x32xf32, #tpu.memory_space<hbm>> -> memref<1000000x32xf32, #tpu.memory_space<hbm>>
        tpu.enqueue_indirect_dma source(%dma_start3A_693 : memref<1000000x32xf32, #tpu.memory_space<hbm>>) target(%dma_start3A_688 : memref<80x32xf32, #tpu.memory_space<vmem>>) offsets(%dma_start3A_690 : memref<80xi32, #tpu.memory_space<vmem>>) semaphore(%arg29 : memref<!tpu.dma_semaphore, #tpu.memory_space<semaphore_mem>>)
        %dma_start3A_694 = arith.constant 80 : i32
        %dma_start3A_695 = tpu.memref_slice %arg23[%dma_start3A_694] : memref<800xf32, #tpu.memory_space<vmem>> -> memref<80xf32, #tpu.memory_space<vmem>>
        %dma_start3A_696 = arith.constant 80 : i32
        %dma_start3A_697 = tpu.memref_slice %arg16[%dma_start3A_696] : memref<800xi32, #tpu.memory_space<vmem>> -> memref<80xi32, #tpu.memory_space<vmem>>
        %dma_start3A_698 = arith.constant 0 : i32
        %dma_start3A_699 = tpu.memref_slice %arg9[%dma_start3A_698] : memref<1000000xf32, #tpu.memory_space<hbm>> -> memref<1000000xf32, #tpu.memory_space<hbm>>
        tpu.enqueue_indirect_dma source(%dma_start3A_699 : memref<1000000xf32, #tpu.memory_space<hbm>>) target(%dma_start3A_695 : memref<80xf32, #tpu.memory_space<vmem>>) offsets(%dma_start3A_697 : memref<80xi32, #tpu.memory_space<vmem>>) semaphore(%arg29 : memref<!tpu.dma_semaphore, #tpu.memory_space<semaphore_mem>>)
        %dma_start3A_700 = arith.constant 80 : i32
        %dma_start3A_701 = tpu.memref_slice %arg24[%dma_start3A_700] : memref<816xf32, #tpu.memory_space<vmem>> -> memref<80xf32, #tpu.memory_space<vmem>>
        %dma_start3A_702 = arith.constant 80 : i32
        %dma_start3A_703 = tpu.memref_slice %arg16[%dma_start3A_702] : memref<800xi32, #tpu.memory_space<vmem>> -> memref<80xi32, #tpu.memory_space<vmem>>
        %dma_start3A_704 = arith.constant 0 : i32
        %dma_start3A_705 = tpu.memref_slice %arg8[%dma_start3A_704] : memref<1000000xf32, #tpu.memory_space<hbm>> -> memref<1000000xf32, #tpu.memory_space<hbm>>
        tpu.enqueue_indirect_dma source(%dma_start3A_705 : memref<1000000xf32, #tpu.memory_space<hbm>>) target(%dma_start3A_701 : memref<80xf32, #tpu.memory_space<vmem>>) offsets(%dma_start3A_703 : memref<80xi32, #tpu.memory_space<vmem>>) semaphore(%arg29 : memref<!tpu.dma_semaphore, #tpu.memory_space<semaphore_mem>>)
      } else {
      }
      %gt3A_69 = arith.constant 160 : i32
      %gt3A_70 = arith.cmpi sgt, %scan3A_55, %gt3A_69 : i32
      %convert_element_type3A_71 = arith.extui %gt3A_70 : i1 to i32
      %cond3A_72 = arith.constant 0 : i32
      %cond3A_73 = arith.cmpi ne, %convert_element_type3A_71, %cond3A_72 : i32
      scf.if %cond3A_73 {
        %dma_start3A_678 = arith.constant 160 : i32
        %dma_start3A_679 = arith.constant 0 : i32
        %dma_start3A_680 = tpu.memref_slice %arg21[%dma_start3A_678, %dma_start3A_679] : memref<800x32xf32, #tpu.memory_space<vmem>> -> memref<80x32xf32, #tpu.memory_space<vmem>>
        %dma_start3A_681 = arith.constant 160 : i32
        %dma_start3A_682 = tpu.memref_slice %arg16[%dma_start3A_681] : memref<800xi32, #tpu.memory_space<vmem>> -> memref<80xi32, #tpu.memory_space<vmem>>
        %dma_start3A_683 = arith.constant 0 : i32
        %dma_start3A_684 = arith.constant 0 : i32
        %dma_start3A_685 = tpu.memref_slice %arg7[%dma_start3A_683, %dma_start3A_684] : memref<1000000x32xf32, #tpu.memory_space<hbm>> -> memref<1000000x32xf32, #tpu.memory_space<hbm>>
        tpu.enqueue_indirect_dma source(%dma_start3A_685 : memref<1000000x32xf32, #tpu.memory_space<hbm>>) target(%dma_start3A_680 : memref<80x32xf32, #tpu.memory_space<vmem>>) offsets(%dma_start3A_682 : memref<80xi32, #tpu.memory_space<vmem>>) semaphore(%arg29 : memref<!tpu.dma_semaphore, #tpu.memory_space<semaphore_mem>>)
        %dma_start3A_686 = arith.constant 160 : i32
        %dma_start3A_687 = arith.constant 0 : i32
        %dma_start3A_688 = tpu.memref_slice %arg22[%dma_start3A_686, %dma_start3A_687] : memref<816x32xf32, #tpu.memory_space<vmem>> -> memref<80x32xf32, #tpu.memory_space<vmem>>
        %dma_start3A_689 = arith.constant 160 : i32
        %dma_start3A_690 = tpu.memref_slice %arg16[%dma_start3A_689] : memref<800xi32, #tpu.memory_space<vmem>> -> memref<80xi32, #tpu.memory_space<vmem>>
        %dma_start3A_691 = arith.constant 0 : i32
        %dma_start3A_692 = arith.constant 0 : i32
        %dma_start3A_693 = tpu.memref_slice %arg6[%dma_start3A_691, %dma_start3A_692] : memref<1000000x32xf32, #tpu.memory_space<hbm>> -> memref<1000000x32xf32, #tpu.memory_space<hbm>>
        tpu.enqueue_indirect_dma source(%dma_start3A_693 : memref<1000000x32xf32, #tpu.memory_space<hbm>>) target(%dma_start3A_688 : memref<80x32xf32, #tpu.memory_space<vmem>>) offsets(%dma_start3A_690 : memref<80xi32, #tpu.memory_space<vmem>>) semaphore(%arg29 : memref<!tpu.dma_semaphore, #tpu.memory_space<semaphore_mem>>)
        %dma_start3A_694 = arith.constant 160 : i32
        %dma_start3A_695 = tpu.memref_slice %arg23[%dma_start3A_694] : memref<800xf32, #tpu.memory_space<vmem>> -> memref<80xf32, #tpu.memory_space<vmem>>
        %dma_start3A_696 = arith.constant 160 : i32
        %dma_start3A_697 = tpu.memref_slice %arg16[%dma_start3A_696] : memref<800xi32, #tpu.memory_space<vmem>> -> memref<80xi32, #tpu.memory_space<vmem>>
        %dma_start3A_698 = arith.constant 0 : i32
        %dma_start3A_699 = tpu.memref_slice %arg9[%dma_start3A_698] : memref<1000000xf32, #tpu.memory_space<hbm>> -> memref<1000000xf32, #tpu.memory_space<hbm>>
        tpu.enqueue_indirect_dma source(%dma_start3A_699 : memref<1000000xf32, #tpu.memory_space<hbm>>) target(%dma_start3A_695 : memref<80xf32, #tpu.memory_space<vmem>>) offsets(%dma_start3A_697 : memref<80xi32, #tpu.memory_space<vmem>>) semaphore(%arg29 : memref<!tpu.dma_semaphore, #tpu.memory_space<semaphore_mem>>)
        %dma_start3A_700 = arith.constant 160 : i32
        %dma_start3A_701 = tpu.memref_slice %arg24[%dma_start3A_700] : memref<816xf32, #tpu.memory_space<vmem>> -> memref<80xf32, #tpu.memory_space<vmem>>
        %dma_start3A_702 = arith.constant 160 : i32
        %dma_start3A_703 = tpu.memref_slice %arg16[%dma_start3A_702] : memref<800xi32, #tpu.memory_space<vmem>> -> memref<80xi32, #tpu.memory_space<vmem>>
        %dma_start3A_704 = arith.constant 0 : i32
        %dma_start3A_705 = tpu.memref_slice %arg8[%dma_start3A_704] : memref<1000000xf32, #tpu.memory_space<hbm>> -> memref<1000000xf32, #tpu.memory_space<hbm>>
        tpu.enqueue_indirect_dma source(%dma_start3A_705 : memref<1000000xf32, #tpu.memory_space<hbm>>) target(%dma_start3A_701 : memref<80xf32, #tpu.memory_space<vmem>>) offsets(%dma_start3A_703 : memref<80xi32, #tpu.memory_space<vmem>>) semaphore(%arg29 : memref<!tpu.dma_semaphore, #tpu.memory_space<semaphore_mem>>)
      } else {
      }
      %gt3A_74 = arith.constant 240 : i32
      %gt3A_75 = arith.cmpi sgt, %scan3A_55, %gt3A_74 : i32
      %convert_element_type3A_76 = arith.extui %gt3A_75 : i1 to i32
      %cond3A_77 = arith.constant 0 : i32
      %cond3A_78 = arith.cmpi ne, %convert_element_type3A_76, %cond3A_77 : i32
      scf.if %cond3A_78 {
        %dma_start3A_678 = arith.constant 240 : i32
        %dma_start3A_679 = arith.constant 0 : i32
        %dma_start3A_680 = tpu.memref_slice %arg21[%dma_start3A_678, %dma_start3A_679] : memref<800x32xf32, #tpu.memory_space<vmem>> -> memref<80x32xf32, #tpu.memory_space<vmem>>
        %dma_start3A_681 = arith.constant 240 : i32
        %dma_start3A_682 = tpu.memref_slice %arg16[%dma_start3A_681] : memref<800xi32, #tpu.memory_space<vmem>> -> memref<80xi32, #tpu.memory_space<vmem>>
        %dma_start3A_683 = arith.constant 0 : i32
        %dma_start3A_684 = arith.constant 0 : i32
        %dma_start3A_685 = tpu.memref_slice %arg7[%dma_start3A_683, %dma_start3A_684] : memref<1000000x32xf32, #tpu.memory_space<hbm>> -> memref<1000000x32xf32, #tpu.memory_space<hbm>>
        tpu.enqueue_indirect_dma source(%dma_start3A_685 : memref<1000000x32xf32, #tpu.memory_space<hbm>>) target(%dma_start3A_680 : memref<80x32xf32, #tpu.memory_space<vmem>>) offsets(%dma_start3A_682 : memref<80xi32, #tpu.memory_space<vmem>>) semaphore(%arg29 : memref<!tpu.dma_semaphore, #tpu.memory_space<semaphore_mem>>)
        %dma_start3A_686 = arith.constant 240 : i32
        %dma_start3A_687 = arith.constant 0 : i32
        %dma_start3A_688 = tpu.memref_slice %arg22[%dma_start3A_686, %dma_start3A_687] : memref<816x32xf32, #tpu.memory_space<vmem>> -> memref<80x32xf32, #tpu.memory_space<vmem>>
        %dma_start3A_689 = arith.constant 240 : i32
        %dma_start3A_690 = tpu.memref_slice %arg16[%dma_start3A_689] : memref<800xi32, #tpu.memory_space<vmem>> -> memref<80xi32, #tpu.memory_space<vmem>>
        %dma_start3A_691 = arith.constant 0 : i32
        %dma_start3A_692 = arith.constant 0 : i32
        %dma_start3A_693 = tpu.memref_slice %arg6[%dma_start3A_691, %dma_start3A_692] : memref<1000000x32xf32, #tpu.memory_space<hbm>> -> memref<1000000x32xf32, #tpu.memory_space<hbm>>
        tpu.enqueue_indirect_dma source(%dma_start3A_693 : memref<1000000x32xf32, #tpu.memory_space<hbm>>) target(%dma_start3A_688 : memref<80x32xf32, #tpu.memory_space<vmem>>) offsets(%dma_start3A_690 : memref<80xi32, #tpu.memory_space<vmem>>) semaphore(%arg29 : memref<!tpu.dma_semaphore, #tpu.memory_space<semaphore_mem>>)
        %dma_start3A_694 = arith.constant 240 : i32
        %dma_start3A_695 = tpu.memref_slice %arg23[%dma_start3A_694] : memref<800xf32, #tpu.memory_space<vmem>> -> memref<80xf32, #tpu.memory_space<vmem>>
        %dma_start3A_696 = arith.constant 240 : i32
        %dma_start3A_697 = tpu.memref_slice %arg16[%dma_start3A_696] : memref<800xi32, #tpu.memory_space<vmem>> -> memref<80xi32, #tpu.memory_space<vmem>>
        %dma_start3A_698 = arith.constant 0 : i32
        %dma_start3A_699 = tpu.memref_slice %arg9[%dma_start3A_698] : memref<1000000xf32, #tpu.memory_space<hbm>> -> memref<1000000xf32, #tpu.memory_space<hbm>>
        tpu.enqueue_indirect_dma source(%dma_start3A_699 : memref<1000000xf32, #tpu.memory_space<hbm>>) target(%dma_start3A_695 : memref<80xf32, #tpu.memory_space<vmem>>) offsets(%dma_start3A_697 : memref<80xi32, #tpu.memory_space<vmem>>) semaphore(%arg29 : memref<!tpu.dma_semaphore, #tpu.memory_space<semaphore_mem>>)
        %dma_start3A_700 = arith.constant 240 : i32
        %dma_start3A_701 = tpu.memref_slice %arg24[%dma_start3A_700] : memref<816xf32, #tpu.memory_space<vmem>> -> memref<80xf32, #tpu.memory_space<vmem>>
        %dma_start3A_702 = arith.constant 240 : i32
        %dma_start3A_703 = tpu.memref_slice %arg16[%dma_start3A_702] : memref<800xi32, #tpu.memory_space<vmem>> -> memref<80xi32, #tpu.memory_space<vmem>>
        %dma_start3A_704 = arith.constant 0 : i32
        %dma_start3A_705 = tpu.memref_slice %arg8[%dma_start3A_704] : memref<1000000xf32, #tpu.memory_space<hbm>> -> memref<1000000xf32, #tpu.memory_space<hbm>>
        tpu.enqueue_indirect_dma source(%dma_start3A_705 : memref<1000000xf32, #tpu.memory_space<hbm>>) target(%dma_start3A_701 : memref<80xf32, #tpu.memory_space<vmem>>) offsets(%dma_start3A_703 : memref<80xi32, #tpu.memory_space<vmem>>) semaphore(%arg29 : memref<!tpu.dma_semaphore, #tpu.memory_space<semaphore_mem>>)
      } else {
      }
      %gt3A_79 = arith.constant 320 : i32
      %gt3A_80 = arith.cmpi sgt, %scan3A_55, %gt3A_79 : i32
      %convert_element_type3A_81 = arith.extui %gt3A_80 : i1 to i32
      %cond3A_82 = arith.constant 0 : i32
      %cond3A_83 = arith.cmpi ne, %convert_element_type3A_81, %cond3A_82 : i32
      scf.if %cond3A_83 {
        %dma_start3A_678 = arith.constant 320 : i32
        %dma_start3A_679 = arith.constant 0 : i32
        %dma_start3A_680 = tpu.memref_slice %arg21[%dma_start3A_678, %dma_start3A_679] : memref<800x32xf32, #tpu.memory_space<vmem>> -> memref<80x32xf32, #tpu.memory_space<vmem>>
        %dma_start3A_681 = arith.constant 320 : i32
        %dma_start3A_682 = tpu.memref_slice %arg16[%dma_start3A_681] : memref<800xi32, #tpu.memory_space<vmem>> -> memref<80xi32, #tpu.memory_space<vmem>>
        %dma_start3A_683 = arith.constant 0 : i32
        %dma_start3A_684 = arith.constant 0 : i32
        %dma_start3A_685 = tpu.memref_slice %arg7[%dma_start3A_683, %dma_start3A_684] : memref<1000000x32xf32, #tpu.memory_space<hbm>> -> memref<1000000x32xf32, #tpu.memory_space<hbm>>
        tpu.enqueue_indirect_dma source(%dma_start3A_685 : memref<1000000x32xf32, #tpu.memory_space<hbm>>) target(%dma_start3A_680 : memref<80x32xf32, #tpu.memory_space<vmem>>) offsets(%dma_start3A_682 : memref<80xi32, #tpu.memory_space<vmem>>) semaphore(%arg29 : memref<!tpu.dma_semaphore, #tpu.memory_space<semaphore_mem>>)
        %dma_start3A_686 = arith.constant 320 : i32
        %dma_start3A_687 = arith.constant 0 : i32
        %dma_start3A_688 = tpu.memref_slice %arg22[%dma_start3A_686, %dma_start3A_687] : memref<816x32xf32, #tpu.memory_space<vmem>> -> memref<80x32xf32, #tpu.memory_space<vmem>>
        %dma_start3A_689 = arith.constant 320 : i32
        %dma_start3A_690 = tpu.memref_slice %arg16[%dma_start3A_689] : memref<800xi32, #tpu.memory_space<vmem>> -> memref<80xi32, #tpu.memory_space<vmem>>
        %dma_start3A_691 = arith.constant 0 : i32
        %dma_start3A_692 = arith.constant 0 : i32
        %dma_start3A_693 = tpu.memref_slice %arg6[%dma_start3A_691, %dma_start3A_692] : memref<1000000x32xf32, #tpu.memory_space<hbm>> -> memref<1000000x32xf32, #tpu.memory_space<hbm>>
        tpu.enqueue_indirect_dma source(%dma_start3A_693 : memref<1000000x32xf32, #tpu.memory_space<hbm>>) target(%dma_start3A_688 : memref<80x32xf32, #tpu.memory_space<vmem>>) offsets(%dma_start3A_690 : memref<80xi32, #tpu.memory_space<vmem>>) semaphore(%arg29 : memref<!tpu.dma_semaphore, #tpu.memory_space<semaphore_mem>>)
        %dma_start3A_694 = arith.constant 320 : i32
        %dma_start3A_695 = tpu.memref_slice %arg23[%dma_start3A_694] : memref<800xf32, #tpu.memory_space<vmem>> -> memref<80xf32, #tpu.memory_space<vmem>>
        %dma_start3A_696 = arith.constant 320 : i32
        %dma_start3A_697 = tpu.memref_slice %arg16[%dma_start3A_696] : memref<800xi32, #tpu.memory_space<vmem>> -> memref<80xi32, #tpu.memory_space<vmem>>
        %dma_start3A_698 = arith.constant 0 : i32
        %dma_start3A_699 = tpu.memref_slice %arg9[%dma_start3A_698] : memref<1000000xf32, #tpu.memory_space<hbm>> -> memref<1000000xf32, #tpu.memory_space<hbm>>
        tpu.enqueue_indirect_dma source(%dma_start3A_699 : memref<1000000xf32, #tpu.memory_space<hbm>>) target(%dma_start3A_695 : memref<80xf32, #tpu.memory_space<vmem>>) offsets(%dma_start3A_697 : memref<80xi32, #tpu.memory_space<vmem>>) semaphore(%arg29 : memref<!tpu.dma_semaphore, #tpu.memory_space<semaphore_mem>>)
        %dma_start3A_700 = arith.constant 320 : i32
        %dma_start3A_701 = tpu.memref_slice %arg24[%dma_start3A_700] : memref<816xf32, #tpu.memory_space<vmem>> -> memref<80xf32, #tpu.memory_space<vmem>>
        %dma_start3A_702 = arith.constant 320 : i32
        %dma_start3A_703 = tpu.memref_slice %arg16[%dma_start3A_702] : memref<800xi32, #tpu.memory_space<vmem>> -> memref<80xi32, #tpu.memory_space<vmem>>
        %dma_start3A_704 = arith.constant 0 : i32
        %dma_start3A_705 = tpu.memref_slice %arg8[%dma_start3A_704] : memref<1000000xf32, #tpu.memory_space<hbm>> -> memref<1000000xf32, #tpu.memory_space<hbm>>
        tpu.enqueue_indirect_dma source(%dma_start3A_705 : memref<1000000xf32, #tpu.memory_space<hbm>>) target(%dma_start3A_701 : memref<80xf32, #tpu.memory_space<vmem>>) offsets(%dma_start3A_703 : memref<80xi32, #tpu.memory_space<vmem>>) semaphore(%arg29 : memref<!tpu.dma_semaphore, #tpu.memory_space<semaphore_mem>>)
      } else {
      }
      %gt3A_84 = arith.constant 400 : i32
      %gt3A_85 = arith.cmpi sgt, %scan3A_55, %gt3A_84 : i32
      %convert_element_type3A_86 = arith.extui %gt3A_85 : i1 to i32
      %cond3A_87 = arith.constant 0 : i32
      %cond3A_88 = arith.cmpi ne, %convert_element_type3A_86, %cond3A_87 : i32
      scf.if %cond3A_88 {
        %dma_start3A_678 = arith.constant 400 : i32
        %dma_start3A_679 = arith.constant 0 : i32
        %dma_start3A_680 = tpu.memref_slice %arg21[%dma_start3A_678, %dma_start3A_679] : memref<800x32xf32, #tpu.memory_space<vmem>> -> memref<80x32xf32, #tpu.memory_space<vmem>>
        %dma_start3A_681 = arith.constant 400 : i32
        %dma_start3A_682 = tpu.memref_slice %arg16[%dma_start3A_681] : memref<800xi32, #tpu.memory_space<vmem>> -> memref<80xi32, #tpu.memory_space<vmem>>
        %dma_start3A_683 = arith.constant 0 : i32
        %dma_start3A_684 = arith.constant 0 : i32
        %dma_start3A_685 = tpu.memref_slice %arg7[%dma_start3A_683, %dma_start3A_684] : memref<1000000x32xf32, #tpu.memory_space<hbm>> -> memref<1000000x32xf32, #tpu.memory_space<hbm>>
        tpu.enqueue_indirect_dma source(%dma_start3A_685 : memref<1000000x32xf32, #tpu.memory_space<hbm>>) target(%dma_start3A_680 : memref<80x32xf32, #tpu.memory_space<vmem>>) offsets(%dma_start3A_682 : memref<80xi32, #tpu.memory_space<vmem>>) semaphore(%arg29 : memref<!tpu.dma_semaphore, #tpu.memory_space<semaphore_mem>>)
        %dma_start3A_686 = arith.constant 400 : i32
        %dma_start3A_687 = arith.constant 0 : i32
        %dma_start3A_688 = tpu.memref_slice %arg22[%dma_start3A_686, %dma_start3A_687] : memref<816x32xf32, #tpu.memory_space<vmem>> -> memref<80x32xf32, #tpu.memory_space<vmem>>
        %dma_start3A_689 = arith.constant 400 : i32
        %dma_start3A_690 = tpu.memref_slice %arg16[%dma_start3A_689] : memref<800xi32, #tpu.memory_space<vmem>> -> memref<80xi32, #tpu.memory_space<vmem>>
        %dma_start3A_691 = arith.constant 0 : i32
        %dma_start3A_692 = arith.constant 0 : i32
        %dma_start3A_693 = tpu.memref_slice %arg6[%dma_start3A_691, %dma_start3A_692] : memref<1000000x32xf32, #tpu.memory_space<hbm>> -> memref<1000000x32xf32, #tpu.memory_space<hbm>>
        tpu.enqueue_indirect_dma source(%dma_start3A_693 : memref<1000000x32xf32, #tpu.memory_space<hbm>>) target(%dma_start3A_688 : memref<80x32xf32, #tpu.memory_space<vmem>>) offsets(%dma_start3A_690 : memref<80xi32, #tpu.memory_space<vmem>>) semaphore(%arg29 : memref<!tpu.dma_semaphore, #tpu.memory_space<semaphore_mem>>)
        %dma_start3A_694 = arith.constant 400 : i32
        %dma_start3A_695 = tpu.memref_slice %arg23[%dma_start3A_694] : memref<800xf32, #tpu.memory_space<vmem>> -> memref<80xf32, #tpu.memory_space<vmem>>
        %dma_start3A_696 = arith.constant 400 : i32
        %dma_start3A_697 = tpu.memref_slice %arg16[%dma_start3A_696] : memref<800xi32, #tpu.memory_space<vmem>> -> memref<80xi32, #tpu.memory_space<vmem>>
        %dma_start3A_698 = arith.constant 0 : i32
        %dma_start3A_699 = tpu.memref_slice %arg9[%dma_start3A_698] : memref<1000000xf32, #tpu.memory_space<hbm>> -> memref<1000000xf32, #tpu.memory_space<hbm>>
        tpu.enqueue_indirect_dma source(%dma_start3A_699 : memref<1000000xf32, #tpu.memory_space<hbm>>) target(%dma_start3A_695 : memref<80xf32, #tpu.memory_space<vmem>>) offsets(%dma_start3A_697 : memref<80xi32, #tpu.memory_space<vmem>>) semaphore(%arg29 : memref<!tpu.dma_semaphore, #tpu.memory_space<semaphore_mem>>)
        %dma_start3A_700 = arith.constant 400 : i32
        %dma_start3A_701 = tpu.memref_slice %arg24[%dma_start3A_700] : memref<816xf32, #tpu.memory_space<vmem>> -> memref<80xf32, #tpu.memory_space<vmem>>
        %dma_start3A_702 = arith.constant 400 : i32
        %dma_start3A_703 = tpu.memref_slice %arg16[%dma_start3A_702] : memref<800xi32, #tpu.memory_space<vmem>> -> memref<80xi32, #tpu.memory_space<vmem>>
        %dma_start3A_704 = arith.constant 0 : i32
        %dma_start3A_705 = tpu.memref_slice %arg8[%dma_start3A_704] : memref<1000000xf32, #tpu.memory_space<hbm>> -> memref<1000000xf32, #tpu.memory_space<hbm>>
        tpu.enqueue_indirect_dma source(%dma_start3A_705 : memref<1000000xf32, #tpu.memory_space<hbm>>) target(%dma_start3A_701 : memref<80xf32, #tpu.memory_space<vmem>>) offsets(%dma_start3A_703 : memref<80xi32, #tpu.memory_space<vmem>>) semaphore(%arg29 : memref<!tpu.dma_semaphore, #tpu.memory_space<semaphore_mem>>)
      } else {
      }
      %gt3A_89 = arith.constant 480 : i32
      %gt3A_90 = arith.cmpi sgt, %scan3A_55, %gt3A_89 : i32
      %convert_element_type3A_91 = arith.extui %gt3A_90 : i1 to i32
      %cond3A_92 = arith.constant 0 : i32
      %cond3A_93 = arith.cmpi ne, %convert_element_type3A_91, %cond3A_92 : i32
      scf.if %cond3A_93 {
        %dma_start3A_678 = arith.constant 480 : i32
        %dma_start3A_679 = arith.constant 0 : i32
        %dma_start3A_680 = tpu.memref_slice %arg21[%dma_start3A_678, %dma_start3A_679] : memref<800x32xf32, #tpu.memory_space<vmem>> -> memref<80x32xf32, #tpu.memory_space<vmem>>
        %dma_start3A_681 = arith.constant 480 : i32
        %dma_start3A_682 = tpu.memref_slice %arg16[%dma_start3A_681] : memref<800xi32, #tpu.memory_space<vmem>> -> memref<80xi32, #tpu.memory_space<vmem>>
        %dma_start3A_683 = arith.constant 0 : i32
        %dma_start3A_684 = arith.constant 0 : i32
        %dma_start3A_685 = tpu.memref_slice %arg7[%dma_start3A_683, %dma_start3A_684] : memref<1000000x32xf32, #tpu.memory_space<hbm>> -> memref<1000000x32xf32, #tpu.memory_space<hbm>>
        tpu.enqueue_indirect_dma source(%dma_start3A_685 : memref<1000000x32xf32, #tpu.memory_space<hbm>>) target(%dma_start3A_680 : memref<80x32xf32, #tpu.memory_space<vmem>>) offsets(%dma_start3A_682 : memref<80xi32, #tpu.memory_space<vmem>>) semaphore(%arg29 : memref<!tpu.dma_semaphore, #tpu.memory_space<semaphore_mem>>)
        %dma_start3A_686 = arith.constant 480 : i32
        %dma_start3A_687 = arith.constant 0 : i32
        %dma_start3A_688 = tpu.memref_slice %arg22[%dma_start3A_686, %dma_start3A_687] : memref<816x32xf32, #tpu.memory_space<vmem>> -> memref<80x32xf32, #tpu.memory_space<vmem>>
        %dma_start3A_689 = arith.constant 480 : i32
        %dma_start3A_690 = tpu.memref_slice %arg16[%dma_start3A_689] : memref<800xi32, #tpu.memory_space<vmem>> -> memref<80xi32, #tpu.memory_space<vmem>>
        %dma_start3A_691 = arith.constant 0 : i32
        %dma_start3A_692 = arith.constant 0 : i32
        %dma_start3A_693 = tpu.memref_slice %arg6[%dma_start3A_691, %dma_start3A_692] : memref<1000000x32xf32, #tpu.memory_space<hbm>> -> memref<1000000x32xf32, #tpu.memory_space<hbm>>
        tpu.enqueue_indirect_dma source(%dma_start3A_693 : memref<1000000x32xf32, #tpu.memory_space<hbm>>) target(%dma_start3A_688 : memref<80x32xf32, #tpu.memory_space<vmem>>) offsets(%dma_start3A_690 : memref<80xi32, #tpu.memory_space<vmem>>) semaphore(%arg29 : memref<!tpu.dma_semaphore, #tpu.memory_space<semaphore_mem>>)
        %dma_start3A_694 = arith.constant 480 : i32
        %dma_start3A_695 = tpu.memref_slice %arg23[%dma_start3A_694] : memref<800xf32, #tpu.memory_space<vmem>> -> memref<80xf32, #tpu.memory_space<vmem>>
        %dma_start3A_696 = arith.constant 480 : i32
        %dma_start3A_697 = tpu.memref_slice %arg16[%dma_start3A_696] : memref<800xi32, #tpu.memory_space<vmem>> -> memref<80xi32, #tpu.memory_space<vmem>>
        %dma_start3A_698 = arith.constant 0 : i32
        %dma_start3A_699 = tpu.memref_slice %arg9[%dma_start3A_698] : memref<1000000xf32, #tpu.memory_space<hbm>> -> memref<1000000xf32, #tpu.memory_space<hbm>>
        tpu.enqueue_indirect_dma source(%dma_start3A_699 : memref<1000000xf32, #tpu.memory_space<hbm>>) target(%dma_start3A_695 : memref<80xf32, #tpu.memory_space<vmem>>) offsets(%dma_start3A_697 : memref<80xi32, #tpu.memory_space<vmem>>) semaphore(%arg29 : memref<!tpu.dma_semaphore, #tpu.memory_space<semaphore_mem>>)
        %dma_start3A_700 = arith.constant 480 : i32
        %dma_start3A_701 = tpu.memref_slice %arg24[%dma_start3A_700] : memref<816xf32, #tpu.memory_space<vmem>> -> memref<80xf32, #tpu.memory_space<vmem>>
        %dma_start3A_702 = arith.constant 480 : i32
        %dma_start3A_703 = tpu.memref_slice %arg16[%dma_start3A_702] : memref<800xi32, #tpu.memory_space<vmem>> -> memref<80xi32, #tpu.memory_space<vmem>>
        %dma_start3A_704 = arith.constant 0 : i32
        %dma_start3A_705 = tpu.memref_slice %arg8[%dma_start3A_704] : memref<1000000xf32, #tpu.memory_space<hbm>> -> memref<1000000xf32, #tpu.memory_space<hbm>>
        tpu.enqueue_indirect_dma source(%dma_start3A_705 : memref<1000000xf32, #tpu.memory_space<hbm>>) target(%dma_start3A_701 : memref<80xf32, #tpu.memory_space<vmem>>) offsets(%dma_start3A_703 : memref<80xi32, #tpu.memory_space<vmem>>) semaphore(%arg29 : memref<!tpu.dma_semaphore, #tpu.memory_space<semaphore_mem>>)
      } else {
      }
      %gt3A_94 = arith.constant 560 : i32
      %gt3A_95 = arith.cmpi sgt, %scan3A_55, %gt3A_94 : i32
      %convert_element_type3A_96 = arith.extui %gt3A_95 : i1 to i32
      %cond3A_97 = arith.constant 0 : i32
      %cond3A_98 = arith.cmpi ne, %convert_element_type3A_96, %cond3A_97 : i32
      scf.if %cond3A_98 {
        %dma_start3A_678 = arith.constant 560 : i32
        %dma_start3A_679 = arith.constant 0 : i32
        %dma_start3A_680 = tpu.memref_slice %arg21[%dma_start3A_678, %dma_start3A_679] : memref<800x32xf32, #tpu.memory_space<vmem>> -> memref<80x32xf32, #tpu.memory_space<vmem>>
        %dma_start3A_681 = arith.constant 560 : i32
        %dma_start3A_682 = tpu.memref_slice %arg16[%dma_start3A_681] : memref<800xi32, #tpu.memory_space<vmem>> -> memref<80xi32, #tpu.memory_space<vmem>>
        %dma_start3A_683 = arith.constant 0 : i32
        %dma_start3A_684 = arith.constant 0 : i32
        %dma_start3A_685 = tpu.memref_slice %arg7[%dma_start3A_683, %dma_start3A_684] : memref<1000000x32xf32, #tpu.memory_space<hbm>> -> memref<1000000x32xf32, #tpu.memory_space<hbm>>
        tpu.enqueue_indirect_dma source(%dma_start3A_685 : memref<1000000x32xf32, #tpu.memory_space<hbm>>) target(%dma_start3A_680 : memref<80x32xf32, #tpu.memory_space<vmem>>) offsets(%dma_start3A_682 : memref<80xi32, #tpu.memory_space<vmem>>) semaphore(%arg29 : memref<!tpu.dma_semaphore, #tpu.memory_space<semaphore_mem>>)
        %dma_start3A_686 = arith.constant 560 : i32
        %dma_start3A_687 = arith.constant 0 : i32
        %dma_start3A_688 = tpu.memref_slice %arg22[%dma_start3A_686, %dma_start3A_687] : memref<816x32xf32, #tpu.memory_space<vmem>> -> memref<80x32xf32, #tpu.memory_space<vmem>>
        %dma_start3A_689 = arith.constant 560 : i32
        %dma_start3A_690 = tpu.memref_slice %arg16[%dma_start3A_689] : memref<800xi32, #tpu.memory_space<vmem>> -> memref<80xi32, #tpu.memory_space<vmem>>
        %dma_start3A_691 = arith.constant 0 : i32
        %dma_start3A_692 = arith.constant 0 : i32
        %dma_start3A_693 = tpu.memref_slice %arg6[%dma_start3A_691, %dma_start3A_692] : memref<1000000x32xf32, #tpu.memory_space<hbm>> -> memref<1000000x32xf32, #tpu.memory_space<hbm>>
        tpu.enqueue_indirect_dma source(%dma_start3A_693 : memref<1000000x32xf32, #tpu.memory_space<hbm>>) target(%dma_start3A_688 : memref<80x32xf32, #tpu.memory_space<vmem>>) offsets(%dma_start3A_690 : memref<80xi32, #tpu.memory_space<vmem>>) semaphore(%arg29 : memref<!tpu.dma_semaphore, #tpu.memory_space<semaphore_mem>>)
        %dma_start3A_694 = arith.constant 560 : i32
        %dma_start3A_695 = tpu.memref_slice %arg23[%dma_start3A_694] : memref<800xf32, #tpu.memory_space<vmem>> -> memref<80xf32, #tpu.memory_space<vmem>>
        %dma_start3A_696 = arith.constant 560 : i32
        %dma_start3A_697 = tpu.memref_slice %arg16[%dma_start3A_696] : memref<800xi32, #tpu.memory_space<vmem>> -> memref<80xi32, #tpu.memory_space<vmem>>
        %dma_start3A_698 = arith.constant 0 : i32
        %dma_start3A_699 = tpu.memref_slice %arg9[%dma_start3A_698] : memref<1000000xf32, #tpu.memory_space<hbm>> -> memref<1000000xf32, #tpu.memory_space<hbm>>
        tpu.enqueue_indirect_dma source(%dma_start3A_699 : memref<1000000xf32, #tpu.memory_space<hbm>>) target(%dma_start3A_695 : memref<80xf32, #tpu.memory_space<vmem>>) offsets(%dma_start3A_697 : memref<80xi32, #tpu.memory_space<vmem>>) semaphore(%arg29 : memref<!tpu.dma_semaphore, #tpu.memory_space<semaphore_mem>>)
        %dma_start3A_700 = arith.constant 560 : i32
        %dma_start3A_701 = tpu.memref_slice %arg24[%dma_start3A_700] : memref<816xf32, #tpu.memory_space<vmem>> -> memref<80xf32, #tpu.memory_space<vmem>>
        %dma_start3A_702 = arith.constant 560 : i32
        %dma_start3A_703 = tpu.memref_slice %arg16[%dma_start3A_702] : memref<800xi32, #tpu.memory_space<vmem>> -> memref<80xi32, #tpu.memory_space<vmem>>
        %dma_start3A_704 = arith.constant 0 : i32
        %dma_start3A_705 = tpu.memref_slice %arg8[%dma_start3A_704] : memref<1000000xf32, #tpu.memory_space<hbm>> -> memref<1000000xf32, #tpu.memory_space<hbm>>
        tpu.enqueue_indirect_dma source(%dma_start3A_705 : memref<1000000xf32, #tpu.memory_space<hbm>>) target(%dma_start3A_701 : memref<80xf32, #tpu.memory_space<vmem>>) offsets(%dma_start3A_703 : memref<80xi32, #tpu.memory_space<vmem>>) semaphore(%arg29 : memref<!tpu.dma_semaphore, #tpu.memory_space<semaphore_mem>>)
      } else {
      }
      %gt3A_99 = arith.constant 640 : i32
      %gt3A_100 = arith.cmpi sgt, %scan3A_55, %gt3A_99 : i32
      %convert_element_type3A_101 = arith.extui %gt3A_100 : i1 to i32
      %cond3A_102 = arith.constant 0 : i32
      %cond3A_103 = arith.cmpi ne, %convert_element_type3A_101, %cond3A_102 : i32
      scf.if %cond3A_103 {
        %dma_start3A_678 = arith.constant 640 : i32
        %dma_start3A_679 = arith.constant 0 : i32
        %dma_start3A_680 = tpu.memref_slice %arg21[%dma_start3A_678, %dma_start3A_679] : memref<800x32xf32, #tpu.memory_space<vmem>> -> memref<80x32xf32, #tpu.memory_space<vmem>>
        %dma_start3A_681 = arith.constant 640 : i32
        %dma_start3A_682 = tpu.memref_slice %arg16[%dma_start3A_681] : memref<800xi32, #tpu.memory_space<vmem>> -> memref<80xi32, #tpu.memory_space<vmem>>
        %dma_start3A_683 = arith.constant 0 : i32
        %dma_start3A_684 = arith.constant 0 : i32
        %dma_start3A_685 = tpu.memref_slice %arg7[%dma_start3A_683, %dma_start3A_684] : memref<1000000x32xf32, #tpu.memory_space<hbm>> -> memref<1000000x32xf32, #tpu.memory_space<hbm>>
        tpu.enqueue_indirect_dma source(%dma_start3A_685 : memref<1000000x32xf32, #tpu.memory_space<hbm>>) target(%dma_start3A_680 : memref<80x32xf32, #tpu.memory_space<vmem>>) offsets(%dma_start3A_682 : memref<80xi32, #tpu.memory_space<vmem>>) semaphore(%arg29 : memref<!tpu.dma_semaphore, #tpu.memory_space<semaphore_mem>>)
        %dma_start3A_686 = arith.constant 640 : i32
        %dma_start3A_687 = arith.constant 0 : i32
        %dma_start3A_688 = tpu.memref_slice %arg22[%dma_start3A_686, %dma_start3A_687] : memref<816x32xf32, #tpu.memory_space<vmem>> -> memref<80x32xf32, #tpu.memory_space<vmem>>
        %dma_start3A_689 = arith.constant 640 : i32
        %dma_start3A_690 = tpu.memref_slice %arg16[%dma_start3A_689] : memref<800xi32, #tpu.memory_space<vmem>> -> memref<80xi32, #tpu.memory_space<vmem>>
        %dma_start3A_691 = arith.constant 0 : i32
        %dma_start3A_692 = arith.constant 0 : i32
        %dma_start3A_693 = tpu.memref_slice %arg6[%dma_start3A_691, %dma_start3A_692] : memref<1000000x32xf32, #tpu.memory_space<hbm>> -> memref<1000000x32xf32, #tpu.memory_space<hbm>>
        tpu.enqueue_indirect_dma source(%dma_start3A_693 : memref<1000000x32xf32, #tpu.memory_space<hbm>>) target(%dma_start3A_688 : memref<80x32xf32, #tpu.memory_space<vmem>>) offsets(%dma_start3A_690 : memref<80xi32, #tpu.memory_space<vmem>>) semaphore(%arg29 : memref<!tpu.dma_semaphore, #tpu.memory_space<semaphore_mem>>)
        %dma_start3A_694 = arith.constant 640 : i32
        %dma_start3A_695 = tpu.memref_slice %arg23[%dma_start3A_694] : memref<800xf32, #tpu.memory_space<vmem>> -> memref<80xf32, #tpu.memory_space<vmem>>
        %dma_start3A_696 = arith.constant 640 : i32
        %dma_start3A_697 = tpu.memref_slice %arg16[%dma_start3A_696] : memref<800xi32, #tpu.memory_space<vmem>> -> memref<80xi32, #tpu.memory_space<vmem>>
        %dma_start3A_698 = arith.constant 0 : i32
        %dma_start3A_699 = tpu.memref_slice %arg9[%dma_start3A_698] : memref<1000000xf32, #tpu.memory_space<hbm>> -> memref<1000000xf32, #tpu.memory_space<hbm>>
        tpu.enqueue_indirect_dma source(%dma_start3A_699 : memref<1000000xf32, #tpu.memory_space<hbm>>) target(%dma_start3A_695 : memref<80xf32, #tpu.memory_space<vmem>>) offsets(%dma_start3A_697 : memref<80xi32, #tpu.memory_space<vmem>>) semaphore(%arg29 : memref<!tpu.dma_semaphore, #tpu.memory_space<semaphore_mem>>)
        %dma_start3A_700 = arith.constant 640 : i32
        %dma_start3A_701 = tpu.memref_slice %arg24[%dma_start3A_700] : memref<816xf32, #tpu.memory_space<vmem>> -> memref<80xf32, #tpu.memory_space<vmem>>
        %dma_start3A_702 = arith.constant 640 : i32
        %dma_start3A_703 = tpu.memref_slice %arg16[%dma_start3A_702] : memref<800xi32, #tpu.memory_space<vmem>> -> memref<80xi32, #tpu.memory_space<vmem>>
        %dma_start3A_704 = arith.constant 0 : i32
        %dma_start3A_705 = tpu.memref_slice %arg8[%dma_start3A_704] : memref<1000000xf32, #tpu.memory_space<hbm>> -> memref<1000000xf32, #tpu.memory_space<hbm>>
        tpu.enqueue_indirect_dma source(%dma_start3A_705 : memref<1000000xf32, #tpu.memory_space<hbm>>) target(%dma_start3A_701 : memref<80xf32, #tpu.memory_space<vmem>>) offsets(%dma_start3A_703 : memref<80xi32, #tpu.memory_space<vmem>>) semaphore(%arg29 : memref<!tpu.dma_semaphore, #tpu.memory_space<semaphore_mem>>)
      } else {
      }
      %gt3A_104 = arith.constant 720 : i32
      %gt3A_105 = arith.cmpi sgt, %scan3A_55, %gt3A_104 : i32
      %convert_element_type3A_106 = arith.extui %gt3A_105 : i1 to i32
      %cond3A_107 = arith.constant 0 : i32
      %cond3A_108 = arith.cmpi ne, %convert_element_type3A_106, %cond3A_107 : i32
      scf.if %cond3A_108 {
        %dma_start3A_678 = arith.constant 720 : i32
        %dma_start3A_679 = arith.constant 0 : i32
        %dma_start3A_680 = tpu.memref_slice %arg21[%dma_start3A_678, %dma_start3A_679] : memref<800x32xf32, #tpu.memory_space<vmem>> -> memref<80x32xf32, #tpu.memory_space<vmem>>
        %dma_start3A_681 = arith.constant 720 : i32
        %dma_start3A_682 = tpu.memref_slice %arg16[%dma_start3A_681] : memref<800xi32, #tpu.memory_space<vmem>> -> memref<80xi32, #tpu.memory_space<vmem>>
        %dma_start3A_683 = arith.constant 0 : i32
        %dma_start3A_684 = arith.constant 0 : i32
        %dma_start3A_685 = tpu.memref_slice %arg7[%dma_start3A_683, %dma_start3A_684] : memref<1000000x32xf32, #tpu.memory_space<hbm>> -> memref<1000000x32xf32, #tpu.memory_space<hbm>>
        tpu.enqueue_indirect_dma source(%dma_start3A_685 : memref<1000000x32xf32, #tpu.memory_space<hbm>>) target(%dma_start3A_680 : memref<80x32xf32, #tpu.memory_space<vmem>>) offsets(%dma_start3A_682 : memref<80xi32, #tpu.memory_space<vmem>>) semaphore(%arg29 : memref<!tpu.dma_semaphore, #tpu.memory_space<semaphore_mem>>)
        %dma_start3A_686 = arith.constant 720 : i32
        %dma_start3A_687 = arith.constant 0 : i32
        %dma_start3A_688 = tpu.memref_slice %arg22[%dma_start3A_686, %dma_start3A_687] : memref<816x32xf32, #tpu.memory_space<vmem>> -> memref<80x32xf32, #tpu.memory_space<vmem>>
        %dma_start3A_689 = arith.constant 720 : i32
        %dma_start3A_690 = tpu.memref_slice %arg16[%dma_start3A_689] : memref<800xi32, #tpu.memory_space<vmem>> -> memref<80xi32, #tpu.memory_space<vmem>>
        %dma_start3A_691 = arith.constant 0 : i32
        %dma_start3A_692 = arith.constant 0 : i32
        %dma_start3A_693 = tpu.memref_slice %arg6[%dma_start3A_691, %dma_start3A_692] : memref<1000000x32xf32, #tpu.memory_space<hbm>> -> memref<1000000x32xf32, #tpu.memory_space<hbm>>
        tpu.enqueue_indirect_dma source(%dma_start3A_693 : memref<1000000x32xf32, #tpu.memory_space<hbm>>) target(%dma_start3A_688 : memref<80x32xf32, #tpu.memory_space<vmem>>) offsets(%dma_start3A_690 : memref<80xi32, #tpu.memory_space<vmem>>) semaphore(%arg29 : memref<!tpu.dma_semaphore, #tpu.memory_space<semaphore_mem>>)
        %dma_start3A_694 = arith.constant 720 : i32
        %dma_start3A_695 = tpu.memref_slice %arg23[%dma_start3A_694] : memref<800xf32, #tpu.memory_space<vmem>> -> memref<80xf32, #tpu.memory_space<vmem>>
        %dma_start3A_696 = arith.constant 720 : i32
        %dma_start3A_697 = tpu.memref_slice %arg16[%dma_start3A_696] : memref<800xi32, #tpu.memory_space<vmem>> -> memref<80xi32, #tpu.memory_space<vmem>>
        %dma_start3A_698 = arith.constant 0 : i32
        %dma_start3A_699 = tpu.memref_slice %arg9[%dma_start3A_698] : memref<1000000xf32, #tpu.memory_space<hbm>> -> memref<1000000xf32, #tpu.memory_space<hbm>>
        tpu.enqueue_indirect_dma source(%dma_start3A_699 : memref<1000000xf32, #tpu.memory_space<hbm>>) target(%dma_start3A_695 : memref<80xf32, #tpu.memory_space<vmem>>) offsets(%dma_start3A_697 : memref<80xi32, #tpu.memory_space<vmem>>) semaphore(%arg29 : memref<!tpu.dma_semaphore, #tpu.memory_space<semaphore_mem>>)
        %dma_start3A_700 = arith.constant 720 : i32
        %dma_start3A_701 = tpu.memref_slice %arg24[%dma_start3A_700] : memref<816xf32, #tpu.memory_space<vmem>> -> memref<80xf32, #tpu.memory_space<vmem>>
        %dma_start3A_702 = arith.constant 720 : i32
        %dma_start3A_703 = tpu.memref_slice %arg16[%dma_start3A_702] : memref<800xi32, #tpu.memory_space<vmem>> -> memref<80xi32, #tpu.memory_space<vmem>>
        %dma_start3A_704 = arith.constant 0 : i32
        %dma_start3A_705 = tpu.memref_slice %arg8[%dma_start3A_704] : memref<1000000xf32, #tpu.memory_space<hbm>> -> memref<1000000xf32, #tpu.memory_space<hbm>>
        tpu.enqueue_indirect_dma source(%dma_start3A_705 : memref<1000000xf32, #tpu.memory_space<hbm>>) target(%dma_start3A_701 : memref<80xf32, #tpu.memory_space<vmem>>) offsets(%dma_start3A_703 : memref<80xi32, #tpu.memory_space<vmem>>) semaphore(%arg29 : memref<!tpu.dma_semaphore, #tpu.memory_space<semaphore_mem>>)
      } else {
      }
      %gt3A_109 = arith.constant 0 : i32
      %gt3A_110 = arith.cmpi sgt, %scan3A_55, %gt3A_109 : i32
      %convert_element_type3A_111 = arith.extui %gt3A_110 : i1 to i32
      %cond3A_112 = arith.constant 0 : i32
      %cond3A_113 = arith.cmpi ne, %convert_element_type3A_111, %cond3A_112 : i32
      scf.if %cond3A_113 {
        %dma_wait3A_678 = arith.constant 0 : i32
        %dma_wait3A_679 = arith.constant 0 : i32
        %dma_wait3A_680 = tpu.memref_slice %arg21[%dma_wait3A_678, %dma_wait3A_679] : memref<800x32xf32, #tpu.memory_space<vmem>> -> memref<80x32xf32, #tpu.memory_space<vmem>>
        %dma_wait3A_681 = arith.constant 0 : i32
        %dma_wait3A_682 = tpu.memref_slice %arg16[%dma_wait3A_681] : memref<800xi32, #tpu.memory_space<vmem>> -> memref<80xi32, #tpu.memory_space<vmem>>
        %dma_wait3A_683 = arith.constant 0 : i32
        %dma_wait3A_684 = arith.constant 0 : i32
        %dma_wait3A_685 = tpu.memref_slice %arg7[%dma_wait3A_683, %dma_wait3A_684] : memref<1000000x32xf32, #tpu.memory_space<hbm>> -> memref<1000000x32xf32, #tpu.memory_space<hbm>>
        tpu.wait_indirect_dma semaphore(%arg29 : memref<!tpu.dma_semaphore, #tpu.memory_space<semaphore_mem>>) src(%dma_wait3A_685 : memref<1000000x32xf32, #tpu.memory_space<hbm>>) dst(%dma_wait3A_680 : memref<80x32xf32, #tpu.memory_space<vmem>>)
        %dma_wait3A_686 = arith.constant 0 : i32
        %dma_wait3A_687 = arith.constant 0 : i32
        %dma_wait3A_688 = tpu.memref_slice %arg22[%dma_wait3A_686, %dma_wait3A_687] : memref<816x32xf32, #tpu.memory_space<vmem>> -> memref<80x32xf32, #tpu.memory_space<vmem>>
        %dma_wait3A_689 = arith.constant 0 : i32
        %dma_wait3A_690 = tpu.memref_slice %arg16[%dma_wait3A_689] : memref<800xi32, #tpu.memory_space<vmem>> -> memref<80xi32, #tpu.memory_space<vmem>>
        %dma_wait3A_691 = arith.constant 0 : i32
        %dma_wait3A_692 = arith.constant 0 : i32
        %dma_wait3A_693 = tpu.memref_slice %arg6[%dma_wait3A_691, %dma_wait3A_692] : memref<1000000x32xf32, #tpu.memory_space<hbm>> -> memref<1000000x32xf32, #tpu.memory_space<hbm>>
        tpu.wait_indirect_dma semaphore(%arg29 : memref<!tpu.dma_semaphore, #tpu.memory_space<semaphore_mem>>) src(%dma_wait3A_693 : memref<1000000x32xf32, #tpu.memory_space<hbm>>) dst(%dma_wait3A_688 : memref<80x32xf32, #tpu.memory_space<vmem>>)
        %dma_wait3A_694 = arith.constant 0 : i32
        %dma_wait3A_695 = tpu.memref_slice %arg23[%dma_wait3A_694] : memref<800xf32, #tpu.memory_space<vmem>> -> memref<80xf32, #tpu.memory_space<vmem>>
        %dma_wait3A_696 = arith.constant 0 : i32
        %dma_wait3A_697 = tpu.memref_slice %arg16[%dma_wait3A_696] : memref<800xi32, #tpu.memory_space<vmem>> -> memref<80xi32, #tpu.memory_space<vmem>>
        %dma_wait3A_698 = arith.constant 0 : i32
        %dma_wait3A_699 = tpu.memref_slice %arg9[%dma_wait3A_698] : memref<1000000xf32, #tpu.memory_space<hbm>> -> memref<1000000xf32, #tpu.memory_space<hbm>>
        tpu.wait_indirect_dma semaphore(%arg29 : memref<!tpu.dma_semaphore, #tpu.memory_space<semaphore_mem>>) src(%dma_wait3A_699 : memref<1000000xf32, #tpu.memory_space<hbm>>) dst(%dma_wait3A_695 : memref<80xf32, #tpu.memory_space<vmem>>)
        %dma_wait3A_700 = arith.constant 0 : i32
        %dma_wait3A_701 = tpu.memref_slice %arg24[%dma_wait3A_700] : memref<816xf32, #tpu.memory_space<vmem>> -> memref<80xf32, #tpu.memory_space<vmem>>
        %dma_wait3A_702 = arith.constant 0 : i32
        %dma_wait3A_703 = tpu.memref_slice %arg16[%dma_wait3A_702] : memref<800xi32, #tpu.memory_space<vmem>> -> memref<80xi32, #tpu.memory_space<vmem>>
        %dma_wait3A_704 = arith.constant 0 : i32
        %dma_wait3A_705 = tpu.memref_slice %arg8[%dma_wait3A_704] : memref<1000000xf32, #tpu.memory_space<hbm>> -> memref<1000000xf32, #tpu.memory_space<hbm>>
        tpu.wait_indirect_dma semaphore(%arg29 : memref<!tpu.dma_semaphore, #tpu.memory_space<semaphore_mem>>) src(%dma_wait3A_705 : memref<1000000xf32, #tpu.memory_space<hbm>>) dst(%dma_wait3A_701 : memref<80xf32, #tpu.memory_space<vmem>>)
      } else {
      }
      %gt3A_114 = arith.constant 80 : i32
      %gt3A_115 = arith.cmpi sgt, %scan3A_55, %gt3A_114 : i32
      %convert_element_type3A_116 = arith.extui %gt3A_115 : i1 to i32
      %cond3A_117 = arith.constant 0 : i32
      %cond3A_118 = arith.cmpi ne, %convert_element_type3A_116, %cond3A_117 : i32
      scf.if %cond3A_118 {
        %dma_wait3A_678 = arith.constant 80 : i32
        %dma_wait3A_679 = arith.constant 0 : i32
        %dma_wait3A_680 = tpu.memref_slice %arg21[%dma_wait3A_678, %dma_wait3A_679] : memref<800x32xf32, #tpu.memory_space<vmem>> -> memref<80x32xf32, #tpu.memory_space<vmem>>
        %dma_wait3A_681 = arith.constant 80 : i32
        %dma_wait3A_682 = tpu.memref_slice %arg16[%dma_wait3A_681] : memref<800xi32, #tpu.memory_space<vmem>> -> memref<80xi32, #tpu.memory_space<vmem>>
        %dma_wait3A_683 = arith.constant 0 : i32
        %dma_wait3A_684 = arith.constant 0 : i32
        %dma_wait3A_685 = tpu.memref_slice %arg7[%dma_wait3A_683, %dma_wait3A_684] : memref<1000000x32xf32, #tpu.memory_space<hbm>> -> memref<1000000x32xf32, #tpu.memory_space<hbm>>
        tpu.wait_indirect_dma semaphore(%arg29 : memref<!tpu.dma_semaphore, #tpu.memory_space<semaphore_mem>>) src(%dma_wait3A_685 : memref<1000000x32xf32, #tpu.memory_space<hbm>>) dst(%dma_wait3A_680 : memref<80x32xf32, #tpu.memory_space<vmem>>)
        %dma_wait3A_686 = arith.constant 80 : i32
        %dma_wait3A_687 = arith.constant 0 : i32
        %dma_wait3A_688 = tpu.memref_slice %arg22[%dma_wait3A_686, %dma_wait3A_687] : memref<816x32xf32, #tpu.memory_space<vmem>> -> memref<80x32xf32, #tpu.memory_space<vmem>>
        %dma_wait3A_689 = arith.constant 80 : i32
        %dma_wait3A_690 = tpu.memref_slice %arg16[%dma_wait3A_689] : memref<800xi32, #tpu.memory_space<vmem>> -> memref<80xi32, #tpu.memory_space<vmem>>
        %dma_wait3A_691 = arith.constant 0 : i32
        %dma_wait3A_692 = arith.constant 0 : i32
        %dma_wait3A_693 = tpu.memref_slice %arg6[%dma_wait3A_691, %dma_wait3A_692] : memref<1000000x32xf32, #tpu.memory_space<hbm>> -> memref<1000000x32xf32, #tpu.memory_space<hbm>>
        tpu.wait_indirect_dma semaphore(%arg29 : memref<!tpu.dma_semaphore, #tpu.memory_space<semaphore_mem>>) src(%dma_wait3A_693 : memref<1000000x32xf32, #tpu.memory_space<hbm>>) dst(%dma_wait3A_688 : memref<80x32xf32, #tpu.memory_space<vmem>>)
        %dma_wait3A_694 = arith.constant 80 : i32
        %dma_wait3A_695 = tpu.memref_slice %arg23[%dma_wait3A_694] : memref<800xf32, #tpu.memory_space<vmem>> -> memref<80xf32, #tpu.memory_space<vmem>>
        %dma_wait3A_696 = arith.constant 80 : i32
        %dma_wait3A_697 = tpu.memref_slice %arg16[%dma_wait3A_696] : memref<800xi32, #tpu.memory_space<vmem>> -> memref<80xi32, #tpu.memory_space<vmem>>
        %dma_wait3A_698 = arith.constant 0 : i32
        %dma_wait3A_699 = tpu.memref_slice %arg9[%dma_wait3A_698] : memref<1000000xf32, #tpu.memory_space<hbm>> -> memref<1000000xf32, #tpu.memory_space<hbm>>
        tpu.wait_indirect_dma semaphore(%arg29 : memref<!tpu.dma_semaphore, #tpu.memory_space<semaphore_mem>>) src(%dma_wait3A_699 : memref<1000000xf32, #tpu.memory_space<hbm>>) dst(%dma_wait3A_695 : memref<80xf32, #tpu.memory_space<vmem>>)
        %dma_wait3A_700 = arith.constant 80 : i32
        %dma_wait3A_701 = tpu.memref_slice %arg24[%dma_wait3A_700] : memref<816xf32, #tpu.memory_space<vmem>> -> memref<80xf32, #tpu.memory_space<vmem>>
        %dma_wait3A_702 = arith.constant 80 : i32
        %dma_wait3A_703 = tpu.memref_slice %arg16[%dma_wait3A_702] : memref<800xi32, #tpu.memory_space<vmem>> -> memref<80xi32, #tpu.memory_space<vmem>>
        %dma_wait3A_704 = arith.constant 0 : i32
        %dma_wait3A_705 = tpu.memref_slice %arg8[%dma_wait3A_704] : memref<1000000xf32, #tpu.memory_space<hbm>> -> memref<1000000xf32, #tpu.memory_space<hbm>>
        tpu.wait_indirect_dma semaphore(%arg29 : memref<!tpu.dma_semaphore, #tpu.memory_space<semaphore_mem>>) src(%dma_wait3A_705 : memref<1000000xf32, #tpu.memory_space<hbm>>) dst(%dma_wait3A_701 : memref<80xf32, #tpu.memory_space<vmem>>)
      } else {
      }
      %gt3A_119 = arith.constant 160 : i32
      %gt3A_120 = arith.cmpi sgt, %scan3A_55, %gt3A_119 : i32
      %convert_element_type3A_121 = arith.extui %gt3A_120 : i1 to i32
      %cond3A_122 = arith.constant 0 : i32
      %cond3A_123 = arith.cmpi ne, %convert_element_type3A_121, %cond3A_122 : i32
      scf.if %cond3A_123 {
        %dma_wait3A_678 = arith.constant 160 : i32
        %dma_wait3A_679 = arith.constant 0 : i32
        %dma_wait3A_680 = tpu.memref_slice %arg21[%dma_wait3A_678, %dma_wait3A_679] : memref<800x32xf32, #tpu.memory_space<vmem>> -> memref<80x32xf32, #tpu.memory_space<vmem>>
        %dma_wait3A_681 = arith.constant 160 : i32
        %dma_wait3A_682 = tpu.memref_slice %arg16[%dma_wait3A_681] : memref<800xi32, #tpu.memory_space<vmem>> -> memref<80xi32, #tpu.memory_space<vmem>>
        %dma_wait3A_683 = arith.constant 0 : i32
        %dma_wait3A_684 = arith.constant 0 : i32
        %dma_wait3A_685 = tpu.memref_slice %arg7[%dma_wait3A_683, %dma_wait3A_684] : memref<1000000x32xf32, #tpu.memory_space<hbm>> -> memref<1000000x32xf32, #tpu.memory_space<hbm>>
        tpu.wait_indirect_dma semaphore(%arg29 : memref<!tpu.dma_semaphore, #tpu.memory_space<semaphore_mem>>) src(%dma_wait3A_685 : memref<1000000x32xf32, #tpu.memory_space<hbm>>) dst(%dma_wait3A_680 : memref<80x32xf32, #tpu.memory_space<vmem>>)
        %dma_wait3A_686 = arith.constant 160 : i32
        %dma_wait3A_687 = arith.constant 0 : i32
        %dma_wait3A_688 = tpu.memref_slice %arg22[%dma_wait3A_686, %dma_wait3A_687] : memref<816x32xf32, #tpu.memory_space<vmem>> -> memref<80x32xf32, #tpu.memory_space<vmem>>
        %dma_wait3A_689 = arith.constant 160 : i32
        %dma_wait3A_690 = tpu.memref_slice %arg16[%dma_wait3A_689] : memref<800xi32, #tpu.memory_space<vmem>> -> memref<80xi32, #tpu.memory_space<vmem>>
        %dma_wait3A_691 = arith.constant 0 : i32
        %dma_wait3A_692 = arith.constant 0 : i32
        %dma_wait3A_693 = tpu.memref_slice %arg6[%dma_wait3A_691, %dma_wait3A_692] : memref<1000000x32xf32, #tpu.memory_space<hbm>> -> memref<1000000x32xf32, #tpu.memory_space<hbm>>
        tpu.wait_indirect_dma semaphore(%arg29 : memref<!tpu.dma_semaphore, #tpu.memory_space<semaphore_mem>>) src(%dma_wait3A_693 : memref<1000000x32xf32, #tpu.memory_space<hbm>>) dst(%dma_wait3A_688 : memref<80x32xf32, #tpu.memory_space<vmem>>)
        %dma_wait3A_694 = arith.constant 160 : i32
        %dma_wait3A_695 = tpu.memref_slice %arg23[%dma_wait3A_694] : memref<800xf32, #tpu.memory_space<vmem>> -> memref<80xf32, #tpu.memory_space<vmem>>
        %dma_wait3A_696 = arith.constant 160 : i32
        %dma_wait3A_697 = tpu.memref_slice %arg16[%dma_wait3A_696] : memref<800xi32, #tpu.memory_space<vmem>> -> memref<80xi32, #tpu.memory_space<vmem>>
        %dma_wait3A_698 = arith.constant 0 : i32
        %dma_wait3A_699 = tpu.memref_slice %arg9[%dma_wait3A_698] : memref<1000000xf32, #tpu.memory_space<hbm>> -> memref<1000000xf32, #tpu.memory_space<hbm>>
        tpu.wait_indirect_dma semaphore(%arg29 : memref<!tpu.dma_semaphore, #tpu.memory_space<semaphore_mem>>) src(%dma_wait3A_699 : memref<1000000xf32, #tpu.memory_space<hbm>>) dst(%dma_wait3A_695 : memref<80xf32, #tpu.memory_space<vmem>>)
        %dma_wait3A_700 = arith.constant 160 : i32
        %dma_wait3A_701 = tpu.memref_slice %arg24[%dma_wait3A_700] : memref<816xf32, #tpu.memory_space<vmem>> -> memref<80xf32, #tpu.memory_space<vmem>>
        %dma_wait3A_702 = arith.constant 160 : i32
        %dma_wait3A_703 = tpu.memref_slice %arg16[%dma_wait3A_702] : memref<800xi32, #tpu.memory_space<vmem>> -> memref<80xi32, #tpu.memory_space<vmem>>
        %dma_wait3A_704 = arith.constant 0 : i32
        %dma_wait3A_705 = tpu.memref_slice %arg8[%dma_wait3A_704] : memref<1000000xf32, #tpu.memory_space<hbm>> -> memref<1000000xf32, #tpu.memory_space<hbm>>
        tpu.wait_indirect_dma semaphore(%arg29 : memref<!tpu.dma_semaphore, #tpu.memory_space<semaphore_mem>>) src(%dma_wait3A_705 : memref<1000000xf32, #tpu.memory_space<hbm>>) dst(%dma_wait3A_701 : memref<80xf32, #tpu.memory_space<vmem>>)
      } else {
      }
      %gt3A_124 = arith.constant 240 : i32
      %gt3A_125 = arith.cmpi sgt, %scan3A_55, %gt3A_124 : i32
      %convert_element_type3A_126 = arith.extui %gt3A_125 : i1 to i32
      %cond3A_127 = arith.constant 0 : i32
      %cond3A_128 = arith.cmpi ne, %convert_element_type3A_126, %cond3A_127 : i32
      scf.if %cond3A_128 {
        %dma_wait3A_678 = arith.constant 240 : i32
        %dma_wait3A_679 = arith.constant 0 : i32
        %dma_wait3A_680 = tpu.memref_slice %arg21[%dma_wait3A_678, %dma_wait3A_679] : memref<800x32xf32, #tpu.memory_space<vmem>> -> memref<80x32xf32, #tpu.memory_space<vmem>>
        %dma_wait3A_681 = arith.constant 240 : i32
        %dma_wait3A_682 = tpu.memref_slice %arg16[%dma_wait3A_681] : memref<800xi32, #tpu.memory_space<vmem>> -> memref<80xi32, #tpu.memory_space<vmem>>
        %dma_wait3A_683 = arith.constant 0 : i32
        %dma_wait3A_684 = arith.constant 0 : i32
        %dma_wait3A_685 = tpu.memref_slice %arg7[%dma_wait3A_683, %dma_wait3A_684] : memref<1000000x32xf32, #tpu.memory_space<hbm>> -> memref<1000000x32xf32, #tpu.memory_space<hbm>>
        tpu.wait_indirect_dma semaphore(%arg29 : memref<!tpu.dma_semaphore, #tpu.memory_space<semaphore_mem>>) src(%dma_wait3A_685 : memref<1000000x32xf32, #tpu.memory_space<hbm>>) dst(%dma_wait3A_680 : memref<80x32xf32, #tpu.memory_space<vmem>>)
        %dma_wait3A_686 = arith.constant 240 : i32
        %dma_wait3A_687 = arith.constant 0 : i32
        %dma_wait3A_688 = tpu.memref_slice %arg22[%dma_wait3A_686, %dma_wait3A_687] : memref<816x32xf32, #tpu.memory_space<vmem>> -> memref<80x32xf32, #tpu.memory_space<vmem>>
        %dma_wait3A_689 = arith.constant 240 : i32
        %dma_wait3A_690 = tpu.memref_slice %arg16[%dma_wait3A_689] : memref<800xi32, #tpu.memory_space<vmem>> -> memref<80xi32, #tpu.memory_space<vmem>>
        %dma_wait3A_691 = arith.constant 0 : i32
        %dma_wait3A_692 = arith.constant 0 : i32
        %dma_wait3A_693 = tpu.memref_slice %arg6[%dma_wait3A_691, %dma_wait3A_692] : memref<1000000x32xf32, #tpu.memory_space<hbm>> -> memref<1000000x32xf32, #tpu.memory_space<hbm>>
        tpu.wait_indirect_dma semaphore(%arg29 : memref<!tpu.dma_semaphore, #tpu.memory_space<semaphore_mem>>) src(%dma_wait3A_693 : memref<1000000x32xf32, #tpu.memory_space<hbm>>) dst(%dma_wait3A_688 : memref<80x32xf32, #tpu.memory_space<vmem>>)
        %dma_wait3A_694 = arith.constant 240 : i32
        %dma_wait3A_695 = tpu.memref_slice %arg23[%dma_wait3A_694] : memref<800xf32, #tpu.memory_space<vmem>> -> memref<80xf32, #tpu.memory_space<vmem>>
        %dma_wait3A_696 = arith.constant 240 : i32
        %dma_wait3A_697 = tpu.memref_slice %arg16[%dma_wait3A_696] : memref<800xi32, #tpu.memory_space<vmem>> -> memref<80xi32, #tpu.memory_space<vmem>>
        %dma_wait3A_698 = arith.constant 0 : i32
        %dma_wait3A_699 = tpu.memref_slice %arg9[%dma_wait3A_698] : memref<1000000xf32, #tpu.memory_space<hbm>> -> memref<1000000xf32, #tpu.memory_space<hbm>>
        tpu.wait_indirect_dma semaphore(%arg29 : memref<!tpu.dma_semaphore, #tpu.memory_space<semaphore_mem>>) src(%dma_wait3A_699 : memref<1000000xf32, #tpu.memory_space<hbm>>) dst(%dma_wait3A_695 : memref<80xf32, #tpu.memory_space<vmem>>)
        %dma_wait3A_700 = arith.constant 240 : i32
        %dma_wait3A_701 = tpu.memref_slice %arg24[%dma_wait3A_700] : memref<816xf32, #tpu.memory_space<vmem>> -> memref<80xf32, #tpu.memory_space<vmem>>
        %dma_wait3A_702 = arith.constant 240 : i32
        %dma_wait3A_703 = tpu.memref_slice %arg16[%dma_wait3A_702] : memref<800xi32, #tpu.memory_space<vmem>> -> memref<80xi32, #tpu.memory_space<vmem>>
        %dma_wait3A_704 = arith.constant 0 : i32
        %dma_wait3A_705 = tpu.memref_slice %arg8[%dma_wait3A_704] : memref<1000000xf32, #tpu.memory_space<hbm>> -> memref<1000000xf32, #tpu.memory_space<hbm>>
        tpu.wait_indirect_dma semaphore(%arg29 : memref<!tpu.dma_semaphore, #tpu.memory_space<semaphore_mem>>) src(%dma_wait3A_705 : memref<1000000xf32, #tpu.memory_space<hbm>>) dst(%dma_wait3A_701 : memref<80xf32, #tpu.memory_space<vmem>>)
      } else {
      }
      %gt3A_129 = arith.constant 320 : i32
      %gt3A_130 = arith.cmpi sgt, %scan3A_55, %gt3A_129 : i32
      %convert_element_type3A_131 = arith.extui %gt3A_130 : i1 to i32
      %cond3A_132 = arith.constant 0 : i32
      %cond3A_133 = arith.cmpi ne, %convert_element_type3A_131, %cond3A_132 : i32
      scf.if %cond3A_133 {
        %dma_wait3A_678 = arith.constant 320 : i32
        %dma_wait3A_679 = arith.constant 0 : i32
        %dma_wait3A_680 = tpu.memref_slice %arg21[%dma_wait3A_678, %dma_wait3A_679] : memref<800x32xf32, #tpu.memory_space<vmem>> -> memref<80x32xf32, #tpu.memory_space<vmem>>
        %dma_wait3A_681 = arith.constant 320 : i32
        %dma_wait3A_682 = tpu.memref_slice %arg16[%dma_wait3A_681] : memref<800xi32, #tpu.memory_space<vmem>> -> memref<80xi32, #tpu.memory_space<vmem>>
        %dma_wait3A_683 = arith.constant 0 : i32
        %dma_wait3A_684 = arith.constant 0 : i32
        %dma_wait3A_685 = tpu.memref_slice %arg7[%dma_wait3A_683, %dma_wait3A_684] : memref<1000000x32xf32, #tpu.memory_space<hbm>> -> memref<1000000x32xf32, #tpu.memory_space<hbm>>
        tpu.wait_indirect_dma semaphore(%arg29 : memref<!tpu.dma_semaphore, #tpu.memory_space<semaphore_mem>>) src(%dma_wait3A_685 : memref<1000000x32xf32, #tpu.memory_space<hbm>>) dst(%dma_wait3A_680 : memref<80x32xf32, #tpu.memory_space<vmem>>)
        %dma_wait3A_686 = arith.constant 320 : i32
        %dma_wait3A_687 = arith.constant 0 : i32
        %dma_wait3A_688 = tpu.memref_slice %arg22[%dma_wait3A_686, %dma_wait3A_687] : memref<816x32xf32, #tpu.memory_space<vmem>> -> memref<80x32xf32, #tpu.memory_space<vmem>>
        %dma_wait3A_689 = arith.constant 320 : i32
        %dma_wait3A_690 = tpu.memref_slice %arg16[%dma_wait3A_689] : memref<800xi32, #tpu.memory_space<vmem>> -> memref<80xi32, #tpu.memory_space<vmem>>
        %dma_wait3A_691 = arith.constant 0 : i32
        %dma_wait3A_692 = arith.constant 0 : i32
        %dma_wait3A_693 = tpu.memref_slice %arg6[%dma_wait3A_691, %dma_wait3A_692] : memref<1000000x32xf32, #tpu.memory_space<hbm>> -> memref<1000000x32xf32, #tpu.memory_space<hbm>>
        tpu.wait_indirect_dma semaphore(%arg29 : memref<!tpu.dma_semaphore, #tpu.memory_space<semaphore_mem>>) src(%dma_wait3A_693 : memref<1000000x32xf32, #tpu.memory_space<hbm>>) dst(%dma_wait3A_688 : memref<80x32xf32, #tpu.memory_space<vmem>>)
        %dma_wait3A_694 = arith.constant 320 : i32
        %dma_wait3A_695 = tpu.memref_slice %arg23[%dma_wait3A_694] : memref<800xf32, #tpu.memory_space<vmem>> -> memref<80xf32, #tpu.memory_space<vmem>>
        %dma_wait3A_696 = arith.constant 320 : i32
        %dma_wait3A_697 = tpu.memref_slice %arg16[%dma_wait3A_696] : memref<800xi32, #tpu.memory_space<vmem>> -> memref<80xi32, #tpu.memory_space<vmem>>
        %dma_wait3A_698 = arith.constant 0 : i32
        %dma_wait3A_699 = tpu.memref_slice %arg9[%dma_wait3A_698] : memref<1000000xf32, #tpu.memory_space<hbm>> -> memref<1000000xf32, #tpu.memory_space<hbm>>
        tpu.wait_indirect_dma semaphore(%arg29 : memref<!tpu.dma_semaphore, #tpu.memory_space<semaphore_mem>>) src(%dma_wait3A_699 : memref<1000000xf32, #tpu.memory_space<hbm>>) dst(%dma_wait3A_695 : memref<80xf32, #tpu.memory_space<vmem>>)
        %dma_wait3A_700 = arith.constant 320 : i32
        %dma_wait3A_701 = tpu.memref_slice %arg24[%dma_wait3A_700] : memref<816xf32, #tpu.memory_space<vmem>> -> memref<80xf32, #tpu.memory_space<vmem>>
        %dma_wait3A_702 = arith.constant 320 : i32
        %dma_wait3A_703 = tpu.memref_slice %arg16[%dma_wait3A_702] : memref<800xi32, #tpu.memory_space<vmem>> -> memref<80xi32, #tpu.memory_space<vmem>>
        %dma_wait3A_704 = arith.constant 0 : i32
        %dma_wait3A_705 = tpu.memref_slice %arg8[%dma_wait3A_704] : memref<1000000xf32, #tpu.memory_space<hbm>> -> memref<1000000xf32, #tpu.memory_space<hbm>>
        tpu.wait_indirect_dma semaphore(%arg29 : memref<!tpu.dma_semaphore, #tpu.memory_space<semaphore_mem>>) src(%dma_wait3A_705 : memref<1000000xf32, #tpu.memory_space<hbm>>) dst(%dma_wait3A_701 : memref<80xf32, #tpu.memory_space<vmem>>)
      } else {
      }
      %gt3A_134 = arith.constant 400 : i32
      %gt3A_135 = arith.cmpi sgt, %scan3A_55, %gt3A_134 : i32
      %convert_element_type3A_136 = arith.extui %gt3A_135 : i1 to i32
      %cond3A_137 = arith.constant 0 : i32
      %cond3A_138 = arith.cmpi ne, %convert_element_type3A_136, %cond3A_137 : i32
      scf.if %cond3A_138 {
        %dma_wait3A_678 = arith.constant 400 : i32
        %dma_wait3A_679 = arith.constant 0 : i32
        %dma_wait3A_680 = tpu.memref_slice %arg21[%dma_wait3A_678, %dma_wait3A_679] : memref<800x32xf32, #tpu.memory_space<vmem>> -> memref<80x32xf32, #tpu.memory_space<vmem>>
        %dma_wait3A_681 = arith.constant 400 : i32
        %dma_wait3A_682 = tpu.memref_slice %arg16[%dma_wait3A_681] : memref<800xi32, #tpu.memory_space<vmem>> -> memref<80xi32, #tpu.memory_space<vmem>>
        %dma_wait3A_683 = arith.constant 0 : i32
        %dma_wait3A_684 = arith.constant 0 : i32
        %dma_wait3A_685 = tpu.memref_slice %arg7[%dma_wait3A_683, %dma_wait3A_684] : memref<1000000x32xf32, #tpu.memory_space<hbm>> -> memref<1000000x32xf32, #tpu.memory_space<hbm>>
        tpu.wait_indirect_dma semaphore(%arg29 : memref<!tpu.dma_semaphore, #tpu.memory_space<semaphore_mem>>) src(%dma_wait3A_685 : memref<1000000x32xf32, #tpu.memory_space<hbm>>) dst(%dma_wait3A_680 : memref<80x32xf32, #tpu.memory_space<vmem>>)
        %dma_wait3A_686 = arith.constant 400 : i32
        %dma_wait3A_687 = arith.constant 0 : i32
        %dma_wait3A_688 = tpu.memref_slice %arg22[%dma_wait3A_686, %dma_wait3A_687] : memref<816x32xf32, #tpu.memory_space<vmem>> -> memref<80x32xf32, #tpu.memory_space<vmem>>
        %dma_wait3A_689 = arith.constant 400 : i32
        %dma_wait3A_690 = tpu.memref_slice %arg16[%dma_wait3A_689] : memref<800xi32, #tpu.memory_space<vmem>> -> memref<80xi32, #tpu.memory_space<vmem>>
        %dma_wait3A_691 = arith.constant 0 : i32
        %dma_wait3A_692 = arith.constant 0 : i32
        %dma_wait3A_693 = tpu.memref_slice %arg6[%dma_wait3A_691, %dma_wait3A_692] : memref<1000000x32xf32, #tpu.memory_space<hbm>> -> memref<1000000x32xf32, #tpu.memory_space<hbm>>
        tpu.wait_indirect_dma semaphore(%arg29 : memref<!tpu.dma_semaphore, #tpu.memory_space<semaphore_mem>>) src(%dma_wait3A_693 : memref<1000000x32xf32, #tpu.memory_space<hbm>>) dst(%dma_wait3A_688 : memref<80x32xf32, #tpu.memory_space<vmem>>)
        %dma_wait3A_694 = arith.constant 400 : i32
        %dma_wait3A_695 = tpu.memref_slice %arg23[%dma_wait3A_694] : memref<800xf32, #tpu.memory_space<vmem>> -> memref<80xf32, #tpu.memory_space<vmem>>
        %dma_wait3A_696 = arith.constant 400 : i32
        %dma_wait3A_697 = tpu.memref_slice %arg16[%dma_wait3A_696] : memref<800xi32, #tpu.memory_space<vmem>> -> memref<80xi32, #tpu.memory_space<vmem>>
        %dma_wait3A_698 = arith.constant 0 : i32
        %dma_wait3A_699 = tpu.memref_slice %arg9[%dma_wait3A_698] : memref<1000000xf32, #tpu.memory_space<hbm>> -> memref<1000000xf32, #tpu.memory_space<hbm>>
        tpu.wait_indirect_dma semaphore(%arg29 : memref<!tpu.dma_semaphore, #tpu.memory_space<semaphore_mem>>) src(%dma_wait3A_699 : memref<1000000xf32, #tpu.memory_space<hbm>>) dst(%dma_wait3A_695 : memref<80xf32, #tpu.memory_space<vmem>>)
        %dma_wait3A_700 = arith.constant 400 : i32
        %dma_wait3A_701 = tpu.memref_slice %arg24[%dma_wait3A_700] : memref<816xf32, #tpu.memory_space<vmem>> -> memref<80xf32, #tpu.memory_space<vmem>>
        %dma_wait3A_702 = arith.constant 400 : i32
        %dma_wait3A_703 = tpu.memref_slice %arg16[%dma_wait3A_702] : memref<800xi32, #tpu.memory_space<vmem>> -> memref<80xi32, #tpu.memory_space<vmem>>
        %dma_wait3A_704 = arith.constant 0 : i32
        %dma_wait3A_705 = tpu.memref_slice %arg8[%dma_wait3A_704] : memref<1000000xf32, #tpu.memory_space<hbm>> -> memref<1000000xf32, #tpu.memory_space<hbm>>
        tpu.wait_indirect_dma semaphore(%arg29 : memref<!tpu.dma_semaphore, #tpu.memory_space<semaphore_mem>>) src(%dma_wait3A_705 : memref<1000000xf32, #tpu.memory_space<hbm>>) dst(%dma_wait3A_701 : memref<80xf32, #tpu.memory_space<vmem>>)
      } else {
      }
      %gt3A_139 = arith.constant 480 : i32
      %gt3A_140 = arith.cmpi sgt, %scan3A_55, %gt3A_139 : i32
      %convert_element_type3A_141 = arith.extui %gt3A_140 : i1 to i32
      %cond3A_142 = arith.constant 0 : i32
      %cond3A_143 = arith.cmpi ne, %convert_element_type3A_141, %cond3A_142 : i32
      scf.if %cond3A_143 {
        %dma_wait3A_678 = arith.constant 480 : i32
        %dma_wait3A_679 = arith.constant 0 : i32
        %dma_wait3A_680 = tpu.memref_slice %arg21[%dma_wait3A_678, %dma_wait3A_679] : memref<800x32xf32, #tpu.memory_space<vmem>> -> memref<80x32xf32, #tpu.memory_space<vmem>>
        %dma_wait3A_681 = arith.constant 480 : i32
        %dma_wait3A_682 = tpu.memref_slice %arg16[%dma_wait3A_681] : memref<800xi32, #tpu.memory_space<vmem>> -> memref<80xi32, #tpu.memory_space<vmem>>
        %dma_wait3A_683 = arith.constant 0 : i32
        %dma_wait3A_684 = arith.constant 0 : i32
        %dma_wait3A_685 = tpu.memref_slice %arg7[%dma_wait3A_683, %dma_wait3A_684] : memref<1000000x32xf32, #tpu.memory_space<hbm>> -> memref<1000000x32xf32, #tpu.memory_space<hbm>>
        tpu.wait_indirect_dma semaphore(%arg29 : memref<!tpu.dma_semaphore, #tpu.memory_space<semaphore_mem>>) src(%dma_wait3A_685 : memref<1000000x32xf32, #tpu.memory_space<hbm>>) dst(%dma_wait3A_680 : memref<80x32xf32, #tpu.memory_space<vmem>>)
        %dma_wait3A_686 = arith.constant 480 : i32
        %dma_wait3A_687 = arith.constant 0 : i32
        %dma_wait3A_688 = tpu.memref_slice %arg22[%dma_wait3A_686, %dma_wait3A_687] : memref<816x32xf32, #tpu.memory_space<vmem>> -> memref<80x32xf32, #tpu.memory_space<vmem>>
        %dma_wait3A_689 = arith.constant 480 : i32
        %dma_wait3A_690 = tpu.memref_slice %arg16[%dma_wait3A_689] : memref<800xi32, #tpu.memory_space<vmem>> -> memref<80xi32, #tpu.memory_space<vmem>>
        %dma_wait3A_691 = arith.constant 0 : i32
        %dma_wait3A_692 = arith.constant 0 : i32
        %dma_wait3A_693 = tpu.memref_slice %arg6[%dma_wait3A_691, %dma_wait3A_692] : memref<1000000x32xf32, #tpu.memory_space<hbm>> -> memref<1000000x32xf32, #tpu.memory_space<hbm>>
        tpu.wait_indirect_dma semaphore(%arg29 : memref<!tpu.dma_semaphore, #tpu.memory_space<semaphore_mem>>) src(%dma_wait3A_693 : memref<1000000x32xf32, #tpu.memory_space<hbm>>) dst(%dma_wait3A_688 : memref<80x32xf32, #tpu.memory_space<vmem>>)
        %dma_wait3A_694 = arith.constant 480 : i32
        %dma_wait3A_695 = tpu.memref_slice %arg23[%dma_wait3A_694] : memref<800xf32, #tpu.memory_space<vmem>> -> memref<80xf32, #tpu.memory_space<vmem>>
        %dma_wait3A_696 = arith.constant 480 : i32
        %dma_wait3A_697 = tpu.memref_slice %arg16[%dma_wait3A_696] : memref<800xi32, #tpu.memory_space<vmem>> -> memref<80xi32, #tpu.memory_space<vmem>>
        %dma_wait3A_698 = arith.constant 0 : i32
        %dma_wait3A_699 = tpu.memref_slice %arg9[%dma_wait3A_698] : memref<1000000xf32, #tpu.memory_space<hbm>> -> memref<1000000xf32, #tpu.memory_space<hbm>>
        tpu.wait_indirect_dma semaphore(%arg29 : memref<!tpu.dma_semaphore, #tpu.memory_space<semaphore_mem>>) src(%dma_wait3A_699 : memref<1000000xf32, #tpu.memory_space<hbm>>) dst(%dma_wait3A_695 : memref<80xf32, #tpu.memory_space<vmem>>)
        %dma_wait3A_700 = arith.constant 480 : i32
        %dma_wait3A_701 = tpu.memref_slice %arg24[%dma_wait3A_700] : memref<816xf32, #tpu.memory_space<vmem>> -> memref<80xf32, #tpu.memory_space<vmem>>
        %dma_wait3A_702 = arith.constant 480 : i32
        %dma_wait3A_703 = tpu.memref_slice %arg16[%dma_wait3A_702] : memref<800xi32, #tpu.memory_space<vmem>> -> memref<80xi32, #tpu.memory_space<vmem>>
        %dma_wait3A_704 = arith.constant 0 : i32
        %dma_wait3A_705 = tpu.memref_slice %arg8[%dma_wait3A_704] : memref<1000000xf32, #tpu.memory_space<hbm>> -> memref<1000000xf32, #tpu.memory_space<hbm>>
        tpu.wait_indirect_dma semaphore(%arg29 : memref<!tpu.dma_semaphore, #tpu.memory_space<semaphore_mem>>) src(%dma_wait3A_705 : memref<1000000xf32, #tpu.memory_space<hbm>>) dst(%dma_wait3A_701 : memref<80xf32, #tpu.memory_space<vmem>>)
      } else {
      }
      %gt3A_144 = arith.constant 560 : i32
      %gt3A_145 = arith.cmpi sgt, %scan3A_55, %gt3A_144 : i32
      %convert_element_type3A_146 = arith.extui %gt3A_145 : i1 to i32
      %cond3A_147 = arith.constant 0 : i32
      %cond3A_148 = arith.cmpi ne, %convert_element_type3A_146, %cond3A_147 : i32
      scf.if %cond3A_148 {
        %dma_wait3A_678 = arith.constant 560 : i32
        %dma_wait3A_679 = arith.constant 0 : i32
        %dma_wait3A_680 = tpu.memref_slice %arg21[%dma_wait3A_678, %dma_wait3A_679] : memref<800x32xf32, #tpu.memory_space<vmem>> -> memref<80x32xf32, #tpu.memory_space<vmem>>
        %dma_wait3A_681 = arith.constant 560 : i32
        %dma_wait3A_682 = tpu.memref_slice %arg16[%dma_wait3A_681] : memref<800xi32, #tpu.memory_space<vmem>> -> memref<80xi32, #tpu.memory_space<vmem>>
        %dma_wait3A_683 = arith.constant 0 : i32
        %dma_wait3A_684 = arith.constant 0 : i32
        %dma_wait3A_685 = tpu.memref_slice %arg7[%dma_wait3A_683, %dma_wait3A_684] : memref<1000000x32xf32, #tpu.memory_space<hbm>> -> memref<1000000x32xf32, #tpu.memory_space<hbm>>
        tpu.wait_indirect_dma semaphore(%arg29 : memref<!tpu.dma_semaphore, #tpu.memory_space<semaphore_mem>>) src(%dma_wait3A_685 : memref<1000000x32xf32, #tpu.memory_space<hbm>>) dst(%dma_wait3A_680 : memref<80x32xf32, #tpu.memory_space<vmem>>)
        %dma_wait3A_686 = arith.constant 560 : i32
        %dma_wait3A_687 = arith.constant 0 : i32
        %dma_wait3A_688 = tpu.memref_slice %arg22[%dma_wait3A_686, %dma_wait3A_687] : memref<816x32xf32, #tpu.memory_space<vmem>> -> memref<80x32xf32, #tpu.memory_space<vmem>>
        %dma_wait3A_689 = arith.constant 560 : i32
        %dma_wait3A_690 = tpu.memref_slice %arg16[%dma_wait3A_689] : memref<800xi32, #tpu.memory_space<vmem>> -> memref<80xi32, #tpu.memory_space<vmem>>
        %dma_wait3A_691 = arith.constant 0 : i32
        %dma_wait3A_692 = arith.constant 0 : i32
        %dma_wait3A_693 = tpu.memref_slice %arg6[%dma_wait3A_691, %dma_wait3A_692] : memref<1000000x32xf32, #tpu.memory_space<hbm>> -> memref<1000000x32xf32, #tpu.memory_space<hbm>>
        tpu.wait_indirect_dma semaphore(%arg29 : memref<!tpu.dma_semaphore, #tpu.memory_space<semaphore_mem>>) src(%dma_wait3A_693 : memref<1000000x32xf32, #tpu.memory_space<hbm>>) dst(%dma_wait3A_688 : memref<80x32xf32, #tpu.memory_space<vmem>>)
        %dma_wait3A_694 = arith.constant 560 : i32
        %dma_wait3A_695 = tpu.memref_slice %arg23[%dma_wait3A_694] : memref<800xf32, #tpu.memory_space<vmem>> -> memref<80xf32, #tpu.memory_space<vmem>>
        %dma_wait3A_696 = arith.constant 560 : i32
        %dma_wait3A_697 = tpu.memref_slice %arg16[%dma_wait3A_696] : memref<800xi32, #tpu.memory_space<vmem>> -> memref<80xi32, #tpu.memory_space<vmem>>
        %dma_wait3A_698 = arith.constant 0 : i32
        %dma_wait3A_699 = tpu.memref_slice %arg9[%dma_wait3A_698] : memref<1000000xf32, #tpu.memory_space<hbm>> -> memref<1000000xf32, #tpu.memory_space<hbm>>
        tpu.wait_indirect_dma semaphore(%arg29 : memref<!tpu.dma_semaphore, #tpu.memory_space<semaphore_mem>>) src(%dma_wait3A_699 : memref<1000000xf32, #tpu.memory_space<hbm>>) dst(%dma_wait3A_695 : memref<80xf32, #tpu.memory_space<vmem>>)
        %dma_wait3A_700 = arith.constant 560 : i32
        %dma_wait3A_701 = tpu.memref_slice %arg24[%dma_wait3A_700] : memref<816xf32, #tpu.memory_space<vmem>> -> memref<80xf32, #tpu.memory_space<vmem>>
        %dma_wait3A_702 = arith.constant 560 : i32
        %dma_wait3A_703 = tpu.memref_slice %arg16[%dma_wait3A_702] : memref<800xi32, #tpu.memory_space<vmem>> -> memref<80xi32, #tpu.memory_space<vmem>>
        %dma_wait3A_704 = arith.constant 0 : i32
        %dma_wait3A_705 = tpu.memref_slice %arg8[%dma_wait3A_704] : memref<1000000xf32, #tpu.memory_space<hbm>> -> memref<1000000xf32, #tpu.memory_space<hbm>>
        tpu.wait_indirect_dma semaphore(%arg29 : memref<!tpu.dma_semaphore, #tpu.memory_space<semaphore_mem>>) src(%dma_wait3A_705 : memref<1000000xf32, #tpu.memory_space<hbm>>) dst(%dma_wait3A_701 : memref<80xf32, #tpu.memory_space<vmem>>)
      } else {
      }
      %gt3A_149 = arith.constant 640 : i32
      %gt3A_150 = arith.cmpi sgt, %scan3A_55, %gt3A_149 : i32
      %convert_element_type3A_151 = arith.extui %gt3A_150 : i1 to i32
      %cond3A_152 = arith.constant 0 : i32
      %cond3A_153 = arith.cmpi ne, %convert_element_type3A_151, %cond3A_152 : i32
      scf.if %cond3A_153 {
        %dma_wait3A_678 = arith.constant 640 : i32
        %dma_wait3A_679 = arith.constant 0 : i32
        %dma_wait3A_680 = tpu.memref_slice %arg21[%dma_wait3A_678, %dma_wait3A_679] : memref<800x32xf32, #tpu.memory_space<vmem>> -> memref<80x32xf32, #tpu.memory_space<vmem>>
        %dma_wait3A_681 = arith.constant 640 : i32
        %dma_wait3A_682 = tpu.memref_slice %arg16[%dma_wait3A_681] : memref<800xi32, #tpu.memory_space<vmem>> -> memref<80xi32, #tpu.memory_space<vmem>>
        %dma_wait3A_683 = arith.constant 0 : i32
        %dma_wait3A_684 = arith.constant 0 : i32
        %dma_wait3A_685 = tpu.memref_slice %arg7[%dma_wait3A_683, %dma_wait3A_684] : memref<1000000x32xf32, #tpu.memory_space<hbm>> -> memref<1000000x32xf32, #tpu.memory_space<hbm>>
        tpu.wait_indirect_dma semaphore(%arg29 : memref<!tpu.dma_semaphore, #tpu.memory_space<semaphore_mem>>) src(%dma_wait3A_685 : memref<1000000x32xf32, #tpu.memory_space<hbm>>) dst(%dma_wait3A_680 : memref<80x32xf32, #tpu.memory_space<vmem>>)
        %dma_wait3A_686 = arith.constant 640 : i32
        %dma_wait3A_687 = arith.constant 0 : i32
        %dma_wait3A_688 = tpu.memref_slice %arg22[%dma_wait3A_686, %dma_wait3A_687] : memref<816x32xf32, #tpu.memory_space<vmem>> -> memref<80x32xf32, #tpu.memory_space<vmem>>
        %dma_wait3A_689 = arith.constant 640 : i32
        %dma_wait3A_690 = tpu.memref_slice %arg16[%dma_wait3A_689] : memref<800xi32, #tpu.memory_space<vmem>> -> memref<80xi32, #tpu.memory_space<vmem>>
        %dma_wait3A_691 = arith.constant 0 : i32
        %dma_wait3A_692 = arith.constant 0 : i32
        %dma_wait3A_693 = tpu.memref_slice %arg6[%dma_wait3A_691, %dma_wait3A_692] : memref<1000000x32xf32, #tpu.memory_space<hbm>> -> memref<1000000x32xf32, #tpu.memory_space<hbm>>
        tpu.wait_indirect_dma semaphore(%arg29 : memref<!tpu.dma_semaphore, #tpu.memory_space<semaphore_mem>>) src(%dma_wait3A_693 : memref<1000000x32xf32, #tpu.memory_space<hbm>>) dst(%dma_wait3A_688 : memref<80x32xf32, #tpu.memory_space<vmem>>)
        %dma_wait3A_694 = arith.constant 640 : i32
        %dma_wait3A_695 = tpu.memref_slice %arg23[%dma_wait3A_694] : memref<800xf32, #tpu.memory_space<vmem>> -> memref<80xf32, #tpu.memory_space<vmem>>
        %dma_wait3A_696 = arith.constant 640 : i32
        %dma_wait3A_697 = tpu.memref_slice %arg16[%dma_wait3A_696] : memref<800xi32, #tpu.memory_space<vmem>> -> memref<80xi32, #tpu.memory_space<vmem>>
        %dma_wait3A_698 = arith.constant 0 : i32
        %dma_wait3A_699 = tpu.memref_slice %arg9[%dma_wait3A_698] : memref<1000000xf32, #tpu.memory_space<hbm>> -> memref<1000000xf32, #tpu.memory_space<hbm>>
        tpu.wait_indirect_dma semaphore(%arg29 : memref<!tpu.dma_semaphore, #tpu.memory_space<semaphore_mem>>) src(%dma_wait3A_699 : memref<1000000xf32, #tpu.memory_space<hbm>>) dst(%dma_wait3A_695 : memref<80xf32, #tpu.memory_space<vmem>>)
        %dma_wait3A_700 = arith.constant 640 : i32
        %dma_wait3A_701 = tpu.memref_slice %arg24[%dma_wait3A_700] : memref<816xf32, #tpu.memory_space<vmem>> -> memref<80xf32, #tpu.memory_space<vmem>>
        %dma_wait3A_702 = arith.constant 640 : i32
        %dma_wait3A_703 = tpu.memref_slice %arg16[%dma_wait3A_702] : memref<800xi32, #tpu.memory_space<vmem>> -> memref<80xi32, #tpu.memory_space<vmem>>
        %dma_wait3A_704 = arith.constant 0 : i32
        %dma_wait3A_705 = tpu.memref_slice %arg8[%dma_wait3A_704] : memref<1000000xf32, #tpu.memory_space<hbm>> -> memref<1000000xf32, #tpu.memory_space<hbm>>
        tpu.wait_indirect_dma semaphore(%arg29 : memref<!tpu.dma_semaphore, #tpu.memory_space<semaphore_mem>>) src(%dma_wait3A_705 : memref<1000000xf32, #tpu.memory_space<hbm>>) dst(%dma_wait3A_701 : memref<80xf32, #tpu.memory_space<vmem>>)
      } else {
      }
      %gt3A_154 = arith.constant 720 : i32
      %gt3A_155 = arith.cmpi sgt, %scan3A_55, %gt3A_154 : i32
      %convert_element_type3A_156 = arith.extui %gt3A_155 : i1 to i32
      %cond3A_157 = arith.constant 0 : i32
      %cond3A_158 = arith.cmpi ne, %convert_element_type3A_156, %cond3A_157 : i32
      scf.if %cond3A_158 {
        %dma_wait3A_678 = arith.constant 720 : i32
        %dma_wait3A_679 = arith.constant 0 : i32
        %dma_wait3A_680 = tpu.memref_slice %arg21[%dma_wait3A_678, %dma_wait3A_679] : memref<800x32xf32, #tpu.memory_space<vmem>> -> memref<80x32xf32, #tpu.memory_space<vmem>>
        %dma_wait3A_681 = arith.constant 720 : i32
        %dma_wait3A_682 = tpu.memref_slice %arg16[%dma_wait3A_681] : memref<800xi32, #tpu.memory_space<vmem>> -> memref<80xi32, #tpu.memory_space<vmem>>
        %dma_wait3A_683 = arith.constant 0 : i32
        %dma_wait3A_684 = arith.constant 0 : i32
        %dma_wait3A_685 = tpu.memref_slice %arg7[%dma_wait3A_683, %dma_wait3A_684] : memref<1000000x32xf32, #tpu.memory_space<hbm>> -> memref<1000000x32xf32, #tpu.memory_space<hbm>>
        tpu.wait_indirect_dma semaphore(%arg29 : memref<!tpu.dma_semaphore, #tpu.memory_space<semaphore_mem>>) src(%dma_wait3A_685 : memref<1000000x32xf32, #tpu.memory_space<hbm>>) dst(%dma_wait3A_680 : memref<80x32xf32, #tpu.memory_space<vmem>>)
        %dma_wait3A_686 = arith.constant 720 : i32
        %dma_wait3A_687 = arith.constant 0 : i32
        %dma_wait3A_688 = tpu.memref_slice %arg22[%dma_wait3A_686, %dma_wait3A_687] : memref<816x32xf32, #tpu.memory_space<vmem>> -> memref<80x32xf32, #tpu.memory_space<vmem>>
        %dma_wait3A_689 = arith.constant 720 : i32
        %dma_wait3A_690 = tpu.memref_slice %arg16[%dma_wait3A_689] : memref<800xi32, #tpu.memory_space<vmem>> -> memref<80xi32, #tpu.memory_space<vmem>>
        %dma_wait3A_691 = arith.constant 0 : i32
        %dma_wait3A_692 = arith.constant 0 : i32
        %dma_wait3A_693 = tpu.memref_slice %arg6[%dma_wait3A_691, %dma_wait3A_692] : memref<1000000x32xf32, #tpu.memory_space<hbm>> -> memref<1000000x32xf32, #tpu.memory_space<hbm>>
        tpu.wait_indirect_dma semaphore(%arg29 : memref<!tpu.dma_semaphore, #tpu.memory_space<semaphore_mem>>) src(%dma_wait3A_693 : memref<1000000x32xf32, #tpu.memory_space<hbm>>) dst(%dma_wait3A_688 : memref<80x32xf32, #tpu.memory_space<vmem>>)
        %dma_wait3A_694 = arith.constant 720 : i32
        %dma_wait3A_695 = tpu.memref_slice %arg23[%dma_wait3A_694] : memref<800xf32, #tpu.memory_space<vmem>> -> memref<80xf32, #tpu.memory_space<vmem>>
        %dma_wait3A_696 = arith.constant 720 : i32
        %dma_wait3A_697 = tpu.memref_slice %arg16[%dma_wait3A_696] : memref<800xi32, #tpu.memory_space<vmem>> -> memref<80xi32, #tpu.memory_space<vmem>>
        %dma_wait3A_698 = arith.constant 0 : i32
        %dma_wait3A_699 = tpu.memref_slice %arg9[%dma_wait3A_698] : memref<1000000xf32, #tpu.memory_space<hbm>> -> memref<1000000xf32, #tpu.memory_space<hbm>>
        tpu.wait_indirect_dma semaphore(%arg29 : memref<!tpu.dma_semaphore, #tpu.memory_space<semaphore_mem>>) src(%dma_wait3A_699 : memref<1000000xf32, #tpu.memory_space<hbm>>) dst(%dma_wait3A_695 : memref<80xf32, #tpu.memory_space<vmem>>)
        %dma_wait3A_700 = arith.constant 720 : i32
        %dma_wait3A_701 = tpu.memref_slice %arg24[%dma_wait3A_700] : memref<816xf32, #tpu.memory_space<vmem>> -> memref<80xf32, #tpu.memory_space<vmem>>
        %dma_wait3A_702 = arith.constant 720 : i32
        %dma_wait3A_703 = tpu.memref_slice %arg16[%dma_wait3A_702] : memref<800xi32, #tpu.memory_space<vmem>> -> memref<80xi32, #tpu.memory_space<vmem>>
        %dma_wait3A_704 = arith.constant 0 : i32
        %dma_wait3A_705 = tpu.memref_slice %arg8[%dma_wait3A_704] : memref<1000000xf32, #tpu.memory_space<hbm>> -> memref<1000000xf32, #tpu.memory_space<hbm>>
        tpu.wait_indirect_dma semaphore(%arg29 : memref<!tpu.dma_semaphore, #tpu.memory_space<semaphore_mem>>) src(%dma_wait3A_705 : memref<1000000xf32, #tpu.memory_space<hbm>>) dst(%dma_wait3A_701 : memref<80xf32, #tpu.memory_space<vmem>>)
      } else {
      }
      %scan3A_159 = arith.constant 0 : i32
      %scan3A_160 = arith.constant 50 : i32
      %scan3A_161 = arith.addi %scan3A_159, %scan3A_160 : i32
      %scan3A_162 = arith.constant 1 : i32
      scf.for %scan3A_678 = %scan3A_159 to %scan3A_161 step %scan3A_162  : i32 {
        %mul3A_679 = arith.constant 1 : i32
        %mul3A_680 = arith.muli %scan3A_678, %mul3A_679 : i32
        %add3A_681 = arith.constant 0 : i32
        %add3A_682 = arith.addi %add3A_681, %mul3A_680 : i32
        %mul3A_683 = arith.constant 16 : i32
        %mul3A_684 = arith.muli %add3A_682, %mul3A_683 : i32
        %mul3A_685 = arith.constant 16 : i32
        %mul3A_686 = arith.muli %add3A_682, %mul3A_685 : i32
        %add3A_687 = arith.addi %mul3A_44, %mul3A_686 : i32
        %mul3A_688 = arith.constant 16 : i32
        %mul3A_689 = arith.muli %add3A_682, %mul3A_688 : i32
        %add3A_690 = vector.broadcast %mul3A_689 : i32 to vector<16xi32>
        %add3A_691 = arith.addi %add3A_690, %iota3A : vector<16xi32>
        %jit3A = arith.constant 50 : i32
        %eq3A = arith.constant 0 : i32
        %eq3A_692 = arith.cmpi eq, %jit3A, %eq3A : i32
        %jit3A_693 = arith.constant 1 : i32
        %select_n3A = arith.select %eq3A_692, %jit3A_693, %jit3A : i32
        %rem3A = vector.broadcast %select_n3A : i32 to vector<16xi32>
        %rem3A_694 = arith.remsi %add3A_691, %rem3A : vector<16xi32>
        %ne3A = arith.constant 0 : i32
        %ne3A_695 = vector.broadcast %ne3A : i32 to vector<16xi32>
        %ne3A_696 = arith.cmpi ne, %rem3A_694, %ne3A_695 : vector<16xi32>
        %lt3A = arith.constant 0 : i32
        %lt3A_697 = vector.broadcast %lt3A : i32 to vector<16xi32>
        %lt3A_698 = arith.cmpi slt, %rem3A_694, %lt3A_697 : vector<16xi32>
        %lt3A_699 = arith.constant 0 : i32
        %lt3A_700 = arith.cmpi slt, %select_n3A, %lt3A_699 : i32
        %ne3A_701 = vector.broadcast %lt3A_700 : i1 to vector<16xi1>
        %ne3A_702 = vector.broadcast %ne3A_701 : vector<16xi1> to vector<16xi1>
        %ne3A_703 = arith.xori %lt3A_698, %ne3A_702 : vector<16xi1>
        %and3A = arith.andi %ne3A_703, %ne3A_696 : vector<16xi1>
        %add3A_704 = vector.broadcast %select_n3A : i32 to vector<16xi32>
        %add3A_705 = arith.addi %rem3A_694, %add3A_704 : vector<16xi32>
        %select_n3A_706 = arith.select %and3A, %add3A_705, %rem3A_694 : vector<16xi1>, vector<16xi32>
        %get3A = arith.index_cast %add3A_687 : i32 to index
        %get3A_707 = tpu.vector_load %arg15[%get3A] {strides = array<i32>} : memref<6400xi32, #tpu.memory_space<vmem>>, vector<16xi32>,
        %ne3A_708 = arith.constant 0 : i32
        %ne3A_709 = vector.broadcast %ne3A_708 : i32 to vector<16xi32>
        %ne3A_710 = arith.cmpi ne, %get3A_707, %ne3A_709 : vector<16xi32>
        %eq3A_711 = arith.constant 0 : i32
        %eq3A_712 = vector.broadcast %eq3A_711 : i32 to vector<16xi32>
        %eq3A_713 = arith.cmpi eq, %select_n3A_706, %eq3A_712 : vector<16xi32>
        %or3A = arith.ori %ne3A_710, %eq3A_713 : vector<16xi1>
        %get3A_714 = arith.index_cast %mul3A_684 : i32 to index
        %get3A_715 = tpu.vector_load %arg17[%get3A_714] {strides = array<i32>} : memref<800xi32, #tpu.memory_space<vmem>>, vector<16xi32>,
        %jit3A_716 = arith.constant 0 : i32
        %broadcast_in_dim3A_717 = vector.broadcast %jit3A_716 : i32 to vector<16xi32>
        %select_n3A_718 = arith.select %or3A, %broadcast_in_dim3A_717, %get3A_715 : vector<16xi1>, vector<16xi32>
        %get3A_719 = arith.index_cast %mul3A_684 : i32 to index
        %get3A_720 = tpu.vector_load %arg18[%get3A_719] {strides = array<i32>} : memref<800xi32, #tpu.memory_space<vmem>>, vector<16xi32>,
        %get3A_721 = arith.index_cast %mul3A_684 : i32 to index
        %get3A_722 = tpu.vector_load %arg19[%get3A_721] {strides = array<i32>} : memref<800xi32, #tpu.memory_space<vmem>>, vector<16xi32>,
        %broadcast_in_dim3A_723 = arith.constant 0.000000e+00 : f32
        %broadcast_in_dim3A_724 = vector.broadcast %broadcast_in_dim3A_723 : f32 to vector<16xf32>
        %broadcast_in_dim3A_725 = arith.constant 0.000000e+00 : f32
        %broadcast_in_dim3A_726 = vector.broadcast %broadcast_in_dim3A_725 : f32 to vector<16xf32>
        %broadcast_in_dim3A_727 = arith.constant 0 : i32
        %broadcast_in_dim3A_728 = vector.broadcast %broadcast_in_dim3A_727 : i32 to vector<16xi32>
        %gather3A_729 = tpu.vector_load_idx %arg21[%select_n3A_718, %broadcast_in_dim3A_728] : memref<800x32xf32, #tpu.memory_space<vmem>>[vector<16xi32>, vector<16xi32>], vector<16xf32>,
        %gather3A_730 = tpu.vector_load_idx %arg22[%get3A_720, %broadcast_in_dim3A_728] : memref<816x32xf32, #tpu.memory_space<vmem>>[vector<16xi32>, vector<16xi32>], vector<16xf32>,
        %mul3A_731 = arith.mulf %gather3A_729, %gather3A_730 : vector<16xf32>
        %add3A_732 = arith.addf %broadcast_in_dim3A_724, %mul3A_731 : vector<16xf32>
        %gather3A_733 = tpu.vector_load_idx %arg22[%get3A_722, %broadcast_in_dim3A_728] : memref<816x32xf32, #tpu.memory_space<vmem>>[vector<16xi32>, vector<16xi32>], vector<16xf32>,
        %mul3A_734 = arith.mulf %gather3A_729, %gather3A_733 : vector<16xf32>
        %add3A_735 = arith.addf %broadcast_in_dim3A_726, %mul3A_734 : vector<16xf32>
        %broadcast_in_dim3A_736 = arith.constant 1 : i32
        %broadcast_in_dim3A_737 = vector.broadcast %broadcast_in_dim3A_736 : i32 to vector<16xi32>
        %gather3A_738 = tpu.vector_load_idx %arg21[%select_n3A_718, %broadcast_in_dim3A_737] : memref<800x32xf32, #tpu.memory_space<vmem>>[vector<16xi32>, vector<16xi32>], vector<16xf32>,
        %gather3A_739 = tpu.vector_load_idx %arg22[%get3A_720, %broadcast_in_dim3A_737] : memref<816x32xf32, #tpu.memory_space<vmem>>[vector<16xi32>, vector<16xi32>], vector<16xf32>,
        %mul3A_740 = arith.mulf %gather3A_738, %gather3A_739 : vector<16xf32>
        %add3A_741 = arith.addf %add3A_732, %mul3A_740 : vector<16xf32>
        %gather3A_742 = tpu.vector_load_idx %arg22[%get3A_722, %broadcast_in_dim3A_737] : memref<816x32xf32, #tpu.memory_space<vmem>>[vector<16xi32>, vector<16xi32>], vector<16xf32>,
        %mul3A_743 = arith.mulf %gather3A_738, %gather3A_742 : vector<16xf32>
        %add3A_744 = arith.addf %add3A_735, %mul3A_743 : vector<16xf32>
        %broadcast_in_dim3A_745 = arith.constant 2 : i32
        %broadcast_in_dim3A_746 = vector.broadcast %broadcast_in_dim3A_745 : i32 to vector<16xi32>
        %gather3A_747 = tpu.vector_load_idx %arg21[%select_n3A_718, %broadcast_in_dim3A_746] : memref<800x32xf32, #tpu.memory_space<vmem>>[vector<16xi32>, vector<16xi32>], vector<16xf32>,
        %gather3A_748 = tpu.vector_load_idx %arg22[%get3A_720, %broadcast_in_dim3A_746] : memref<816x32xf32, #tpu.memory_space<vmem>>[vector<16xi32>, vector<16xi32>], vector<16xf32>,
        %mul3A_749 = arith.mulf %gather3A_747, %gather3A_748 : vector<16xf32>
        %add3A_750 = arith.addf %add3A_741, %mul3A_749 : vector<16xf32>
        %gather3A_751 = tpu.vector_load_idx %arg22[%get3A_722, %broadcast_in_dim3A_746] : memref<816x32xf32, #tpu.memory_space<vmem>>[vector<16xi32>, vector<16xi32>], vector<16xf32>,
        %mul3A_752 = arith.mulf %gather3A_747, %gather3A_751 : vector<16xf32>
        %add3A_753 = arith.addf %add3A_744, %mul3A_752 : vector<16xf32>
        %broadcast_in_dim3A_754 = arith.constant 3 : i32
        %broadcast_in_dim3A_755 = vector.broadcast %broadcast_in_dim3A_754 : i32 to vector<16xi32>
        %gather3A_756 = tpu.vector_load_idx %arg21[%select_n3A_718, %broadcast_in_dim3A_755] : memref<800x32xf32, #tpu.memory_space<vmem>>[vector<16xi32>, vector<16xi32>], vector<16xf32>,
        %gather3A_757 = tpu.vector_load_idx %arg22[%get3A_720, %broadcast_in_dim3A_755] : memref<816x32xf32, #tpu.memory_space<vmem>>[vector<16xi32>, vector<16xi32>], vector<16xf32>,
        %mul3A_758 = arith.mulf %gather3A_756, %gather3A_757 : vector<16xf32>
        %add3A_759 = arith.addf %add3A_750, %mul3A_758 : vector<16xf32>
        %gather3A_760 = tpu.vector_load_idx %arg22[%get3A_722, %broadcast_in_dim3A_755] : memref<816x32xf32, #tpu.memory_space<vmem>>[vector<16xi32>, vector<16xi32>], vector<16xf32>,
        %mul3A_761 = arith.mulf %gather3A_756, %gather3A_760 : vector<16xf32>
        %add3A_762 = arith.addf %add3A_753, %mul3A_761 : vector<16xf32>
        %broadcast_in_dim3A_763 = arith.constant 4 : i32
        %broadcast_in_dim3A_764 = vector.broadcast %broadcast_in_dim3A_763 : i32 to vector<16xi32>
        %gather3A_765 = tpu.vector_load_idx %arg21[%select_n3A_718, %broadcast_in_dim3A_764] : memref<800x32xf32, #tpu.memory_space<vmem>>[vector<16xi32>, vector<16xi32>], vector<16xf32>,
        %gather3A_766 = tpu.vector_load_idx %arg22[%get3A_720, %broadcast_in_dim3A_764] : memref<816x32xf32, #tpu.memory_space<vmem>>[vector<16xi32>, vector<16xi32>], vector<16xf32>,
        %mul3A_767 = arith.mulf %gather3A_765, %gather3A_766 : vector<16xf32>
        %add3A_768 = arith.addf %add3A_759, %mul3A_767 : vector<16xf32>
        %gather3A_769 = tpu.vector_load_idx %arg22[%get3A_722, %broadcast_in_dim3A_764] : memref<816x32xf32, #tpu.memory_space<vmem>>[vector<16xi32>, vector<16xi32>], vector<16xf32>,
        %mul3A_770 = arith.mulf %gather3A_765, %gather3A_769 : vector<16xf32>
        %add3A_771 = arith.addf %add3A_762, %mul3A_770 : vector<16xf32>
        %broadcast_in_dim3A_772 = arith.constant 5 : i32
        %broadcast_in_dim3A_773 = vector.broadcast %broadcast_in_dim3A_772 : i32 to vector<16xi32>
        %gather3A_774 = tpu.vector_load_idx %arg21[%select_n3A_718, %broadcast_in_dim3A_773] : memref<800x32xf32, #tpu.memory_space<vmem>>[vector<16xi32>, vector<16xi32>], vector<16xf32>,
        %gather3A_775 = tpu.vector_load_idx %arg22[%get3A_720, %broadcast_in_dim3A_773] : memref<816x32xf32, #tpu.memory_space<vmem>>[vector<16xi32>, vector<16xi32>], vector<16xf32>,
        %mul3A_776 = arith.mulf %gather3A_774, %gather3A_775 : vector<16xf32>
        %add3A_777 = arith.addf %add3A_768, %mul3A_776 : vector<16xf32>
        %gather3A_778 = tpu.vector_load_idx %arg22[%get3A_722, %broadcast_in_dim3A_773] : memref<816x32xf32, #tpu.memory_space<vmem>>[vector<16xi32>, vector<16xi32>], vector<16xf32>,
        %mul3A_779 = arith.mulf %gather3A_774, %gather3A_778 : vector<16xf32>
        %add3A_780 = arith.addf %add3A_771, %mul3A_779 : vector<16xf32>
        %broadcast_in_dim3A_781 = arith.constant 6 : i32
        %broadcast_in_dim3A_782 = vector.broadcast %broadcast_in_dim3A_781 : i32 to vector<16xi32>
        %gather3A_783 = tpu.vector_load_idx %arg21[%select_n3A_718, %broadcast_in_dim3A_782] : memref<800x32xf32, #tpu.memory_space<vmem>>[vector<16xi32>, vector<16xi32>], vector<16xf32>,
        %gather3A_784 = tpu.vector_load_idx %arg22[%get3A_720, %broadcast_in_dim3A_782] : memref<816x32xf32, #tpu.memory_space<vmem>>[vector<16xi32>, vector<16xi32>], vector<16xf32>,
        %mul3A_785 = arith.mulf %gather3A_783, %gather3A_784 : vector<16xf32>
        %add3A_786 = arith.addf %add3A_777, %mul3A_785 : vector<16xf32>
        %gather3A_787 = tpu.vector_load_idx %arg22[%get3A_722, %broadcast_in_dim3A_782] : memref<816x32xf32, #tpu.memory_space<vmem>>[vector<16xi32>, vector<16xi32>], vector<16xf32>,
        %mul3A_788 = arith.mulf %gather3A_783, %gather3A_787 : vector<16xf32>
        %add3A_789 = arith.addf %add3A_780, %mul3A_788 : vector<16xf32>
        %broadcast_in_dim3A_790 = arith.constant 7 : i32
        %broadcast_in_dim3A_791 = vector.broadcast %broadcast_in_dim3A_790 : i32 to vector<16xi32>
        %gather3A_792 = tpu.vector_load_idx %arg21[%select_n3A_718, %broadcast_in_dim3A_791] : memref<800x32xf32, #tpu.memory_space<vmem>>[vector<16xi32>, vector<16xi32>], vector<16xf32>,
        %gather3A_793 = tpu.vector_load_idx %arg22[%get3A_720, %broadcast_in_dim3A_791] : memref<816x32xf32, #tpu.memory_space<vmem>>[vector<16xi32>, vector<16xi32>], vector<16xf32>,
        %mul3A_794 = arith.mulf %gather3A_792, %gather3A_793 : vector<16xf32>
        %add3A_795 = arith.addf %add3A_786, %mul3A_794 : vector<16xf32>
        %gather3A_796 = tpu.vector_load_idx %arg22[%get3A_722, %broadcast_in_dim3A_791] : memref<816x32xf32, #tpu.memory_space<vmem>>[vector<16xi32>, vector<16xi32>], vector<16xf32>,
        %mul3A_797 = arith.mulf %gather3A_792, %gather3A_796 : vector<16xf32>
        %add3A_798 = arith.addf %add3A_789, %mul3A_797 : vector<16xf32>
        %broadcast_in_dim3A_799 = arith.constant 8 : i32
        %broadcast_in_dim3A_800 = vector.broadcast %broadcast_in_dim3A_799 : i32 to vector<16xi32>
        %gather3A_801 = tpu.vector_load_idx %arg21[%select_n3A_718, %broadcast_in_dim3A_800] : memref<800x32xf32, #tpu.memory_space<vmem>>[vector<16xi32>, vector<16xi32>], vector<16xf32>,
        %gather3A_802 = tpu.vector_load_idx %arg22[%get3A_720, %broadcast_in_dim3A_800] : memref<816x32xf32, #tpu.memory_space<vmem>>[vector<16xi32>, vector<16xi32>], vector<16xf32>,
        %mul3A_803 = arith.mulf %gather3A_801, %gather3A_802 : vector<16xf32>
        %add3A_804 = arith.addf %add3A_795, %mul3A_803 : vector<16xf32>
        %gather3A_805 = tpu.vector_load_idx %arg22[%get3A_722, %broadcast_in_dim3A_800] : memref<816x32xf32, #tpu.memory_space<vmem>>[vector<16xi32>, vector<16xi32>], vector<16xf32>,
        %mul3A_806 = arith.mulf %gather3A_801, %gather3A_805 : vector<16xf32>
        %add3A_807 = arith.addf %add3A_798, %mul3A_806 : vector<16xf32>
        %broadcast_in_dim3A_808 = arith.constant 9 : i32
        %broadcast_in_dim3A_809 = vector.broadcast %broadcast_in_dim3A_808 : i32 to vector<16xi32>
        %gather3A_810 = tpu.vector_load_idx %arg21[%select_n3A_718, %broadcast_in_dim3A_809] : memref<800x32xf32, #tpu.memory_space<vmem>>[vector<16xi32>, vector<16xi32>], vector<16xf32>,
        %gather3A_811 = tpu.vector_load_idx %arg22[%get3A_720, %broadcast_in_dim3A_809] : memref<816x32xf32, #tpu.memory_space<vmem>>[vector<16xi32>, vector<16xi32>], vector<16xf32>,
        %mul3A_812 = arith.mulf %gather3A_810, %gather3A_811 : vector<16xf32>
        %add3A_813 = arith.addf %add3A_804, %mul3A_812 : vector<16xf32>
        %gather3A_814 = tpu.vector_load_idx %arg22[%get3A_722, %broadcast_in_dim3A_809] : memref<816x32xf32, #tpu.memory_space<vmem>>[vector<16xi32>, vector<16xi32>], vector<16xf32>,
        %mul3A_815 = arith.mulf %gather3A_810, %gather3A_814 : vector<16xf32>
        %add3A_816 = arith.addf %add3A_807, %mul3A_815 : vector<16xf32>
        %broadcast_in_dim3A_817 = arith.constant 10 : i32
        %broadcast_in_dim3A_818 = vector.broadcast %broadcast_in_dim3A_817 : i32 to vector<16xi32>
        %gather3A_819 = tpu.vector_load_idx %arg21[%select_n3A_718, %broadcast_in_dim3A_818] : memref<800x32xf32, #tpu.memory_space<vmem>>[vector<16xi32>, vector<16xi32>], vector<16xf32>,
        %gather3A_820 = tpu.vector_load_idx %arg22[%get3A_720, %broadcast_in_dim3A_818] : memref<816x32xf32, #tpu.memory_space<vmem>>[vector<16xi32>, vector<16xi32>], vector<16xf32>,
        %mul3A_821 = arith.mulf %gather3A_819, %gather3A_820 : vector<16xf32>
        %add3A_822 = arith.addf %add3A_813, %mul3A_821 : vector<16xf32>
        %gather3A_823 = tpu.vector_load_idx %arg22[%get3A_722, %broadcast_in_dim3A_818] : memref<816x32xf32, #tpu.memory_space<vmem>>[vector<16xi32>, vector<16xi32>], vector<16xf32>,
        %mul3A_824 = arith.mulf %gather3A_819, %gather3A_823 : vector<16xf32>
        %add3A_825 = arith.addf %add3A_816, %mul3A_824 : vector<16xf32>
        %broadcast_in_dim3A_826 = arith.constant 11 : i32
        %broadcast_in_dim3A_827 = vector.broadcast %broadcast_in_dim3A_826 : i32 to vector<16xi32>
        %gather3A_828 = tpu.vector_load_idx %arg21[%select_n3A_718, %broadcast_in_dim3A_827] : memref<800x32xf32, #tpu.memory_space<vmem>>[vector<16xi32>, vector<16xi32>], vector<16xf32>,
        %gather3A_829 = tpu.vector_load_idx %arg22[%get3A_720, %broadcast_in_dim3A_827] : memref<816x32xf32, #tpu.memory_space<vmem>>[vector<16xi32>, vector<16xi32>], vector<16xf32>,
        %mul3A_830 = arith.mulf %gather3A_828, %gather3A_829 : vector<16xf32>
        %add3A_831 = arith.addf %add3A_822, %mul3A_830 : vector<16xf32>
        %gather3A_832 = tpu.vector_load_idx %arg22[%get3A_722, %broadcast_in_dim3A_827] : memref<816x32xf32, #tpu.memory_space<vmem>>[vector<16xi32>, vector<16xi32>], vector<16xf32>,
        %mul3A_833 = arith.mulf %gather3A_828, %gather3A_832 : vector<16xf32>
        %add3A_834 = arith.addf %add3A_825, %mul3A_833 : vector<16xf32>
        %broadcast_in_dim3A_835 = arith.constant 12 : i32
        %broadcast_in_dim3A_836 = vector.broadcast %broadcast_in_dim3A_835 : i32 to vector<16xi32>
        %gather3A_837 = tpu.vector_load_idx %arg21[%select_n3A_718, %broadcast_in_dim3A_836] : memref<800x32xf32, #tpu.memory_space<vmem>>[vector<16xi32>, vector<16xi32>], vector<16xf32>,
        %gather3A_838 = tpu.vector_load_idx %arg22[%get3A_720, %broadcast_in_dim3A_836] : memref<816x32xf32, #tpu.memory_space<vmem>>[vector<16xi32>, vector<16xi32>], vector<16xf32>,
        %mul3A_839 = arith.mulf %gather3A_837, %gather3A_838 : vector<16xf32>
        %add3A_840 = arith.addf %add3A_831, %mul3A_839 : vector<16xf32>
        %gather3A_841 = tpu.vector_load_idx %arg22[%get3A_722, %broadcast_in_dim3A_836] : memref<816x32xf32, #tpu.memory_space<vmem>>[vector<16xi32>, vector<16xi32>], vector<16xf32>,
        %mul3A_842 = arith.mulf %gather3A_837, %gather3A_841 : vector<16xf32>
        %add3A_843 = arith.addf %add3A_834, %mul3A_842 : vector<16xf32>
        %broadcast_in_dim3A_844 = arith.constant 13 : i32
        %broadcast_in_dim3A_845 = vector.broadcast %broadcast_in_dim3A_844 : i32 to vector<16xi32>
        %gather3A_846 = tpu.vector_load_idx %arg21[%select_n3A_718, %broadcast_in_dim3A_845] : memref<800x32xf32, #tpu.memory_space<vmem>>[vector<16xi32>, vector<16xi32>], vector<16xf32>,
        %gather3A_847 = tpu.vector_load_idx %arg22[%get3A_720, %broadcast_in_dim3A_845] : memref<816x32xf32, #tpu.memory_space<vmem>>[vector<16xi32>, vector<16xi32>], vector<16xf32>,
        %mul3A_848 = arith.mulf %gather3A_846, %gather3A_847 : vector<16xf32>
        %add3A_849 = arith.addf %add3A_840, %mul3A_848 : vector<16xf32>
        %gather3A_850 = tpu.vector_load_idx %arg22[%get3A_722, %broadcast_in_dim3A_845] : memref<816x32xf32, #tpu.memory_space<vmem>>[vector<16xi32>, vector<16xi32>], vector<16xf32>,
        %mul3A_851 = arith.mulf %gather3A_846, %gather3A_850 : vector<16xf32>
        %add3A_852 = arith.addf %add3A_843, %mul3A_851 : vector<16xf32>
        %broadcast_in_dim3A_853 = arith.constant 14 : i32
        %broadcast_in_dim3A_854 = vector.broadcast %broadcast_in_dim3A_853 : i32 to vector<16xi32>
        %gather3A_855 = tpu.vector_load_idx %arg21[%select_n3A_718, %broadcast_in_dim3A_854] : memref<800x32xf32, #tpu.memory_space<vmem>>[vector<16xi32>, vector<16xi32>], vector<16xf32>,
        %gather3A_856 = tpu.vector_load_idx %arg22[%get3A_720, %broadcast_in_dim3A_854] : memref<816x32xf32, #tpu.memory_space<vmem>>[vector<16xi32>, vector<16xi32>], vector<16xf32>,
        %mul3A_857 = arith.mulf %gather3A_855, %gather3A_856 : vector<16xf32>
        %add3A_858 = arith.addf %add3A_849, %mul3A_857 : vector<16xf32>
        %gather3A_859 = tpu.vector_load_idx %arg22[%get3A_722, %broadcast_in_dim3A_854] : memref<816x32xf32, #tpu.memory_space<vmem>>[vector<16xi32>, vector<16xi32>], vector<16xf32>,
        %mul3A_860 = arith.mulf %gather3A_855, %gather3A_859 : vector<16xf32>
        %add3A_861 = arith.addf %add3A_852, %mul3A_860 : vector<16xf32>
        %broadcast_in_dim3A_862 = arith.constant 15 : i32
        %broadcast_in_dim3A_863 = vector.broadcast %broadcast_in_dim3A_862 : i32 to vector<16xi32>
        %gather3A_864 = tpu.vector_load_idx %arg21[%select_n3A_718, %broadcast_in_dim3A_863] : memref<800x32xf32, #tpu.memory_space<vmem>>[vector<16xi32>, vector<16xi32>], vector<16xf32>,
        %gather3A_865 = tpu.vector_load_idx %arg22[%get3A_720, %broadcast_in_dim3A_863] : memref<816x32xf32, #tpu.memory_space<vmem>>[vector<16xi32>, vector<16xi32>], vector<16xf32>,
        %mul3A_866 = arith.mulf %gather3A_864, %gather3A_865 : vector<16xf32>
        %add3A_867 = arith.addf %add3A_858, %mul3A_866 : vector<16xf32>
        %gather3A_868 = tpu.vector_load_idx %arg22[%get3A_722, %broadcast_in_dim3A_863] : memref<816x32xf32, #tpu.memory_space<vmem>>[vector<16xi32>, vector<16xi32>], vector<16xf32>,
        %mul3A_869 = arith.mulf %gather3A_864, %gather3A_868 : vector<16xf32>
        %add3A_870 = arith.addf %add3A_861, %mul3A_869 : vector<16xf32>
        %broadcast_in_dim3A_871 = arith.constant 16 : i32
        %broadcast_in_dim3A_872 = vector.broadcast %broadcast_in_dim3A_871 : i32 to vector<16xi32>
        %gather3A_873 = tpu.vector_load_idx %arg21[%select_n3A_718, %broadcast_in_dim3A_872] : memref<800x32xf32, #tpu.memory_space<vmem>>[vector<16xi32>, vector<16xi32>], vector<16xf32>,
        %gather3A_874 = tpu.vector_load_idx %arg22[%get3A_720, %broadcast_in_dim3A_872] : memref<816x32xf32, #tpu.memory_space<vmem>>[vector<16xi32>, vector<16xi32>], vector<16xf32>,
        %mul3A_875 = arith.mulf %gather3A_873, %gather3A_874 : vector<16xf32>
        %add3A_876 = arith.addf %add3A_867, %mul3A_875 : vector<16xf32>
        %gather3A_877 = tpu.vector_load_idx %arg22[%get3A_722, %broadcast_in_dim3A_872] : memref<816x32xf32, #tpu.memory_space<vmem>>[vector<16xi32>, vector<16xi32>], vector<16xf32>,
        %mul3A_878 = arith.mulf %gather3A_873, %gather3A_877 : vector<16xf32>
        %add3A_879 = arith.addf %add3A_870, %mul3A_878 : vector<16xf32>
        %broadcast_in_dim3A_880 = arith.constant 17 : i32
        %broadcast_in_dim3A_881 = vector.broadcast %broadcast_in_dim3A_880 : i32 to vector<16xi32>
        %gather3A_882 = tpu.vector_load_idx %arg21[%select_n3A_718, %broadcast_in_dim3A_881] : memref<800x32xf32, #tpu.memory_space<vmem>>[vector<16xi32>, vector<16xi32>], vector<16xf32>,
        %gather3A_883 = tpu.vector_load_idx %arg22[%get3A_720, %broadcast_in_dim3A_881] : memref<816x32xf32, #tpu.memory_space<vmem>>[vector<16xi32>, vector<16xi32>], vector<16xf32>,
        %mul3A_884 = arith.mulf %gather3A_882, %gather3A_883 : vector<16xf32>
        %add3A_885 = arith.addf %add3A_876, %mul3A_884 : vector<16xf32>
        %gather3A_886 = tpu.vector_load_idx %arg22[%get3A_722, %broadcast_in_dim3A_881] : memref<816x32xf32, #tpu.memory_space<vmem>>[vector<16xi32>, vector<16xi32>], vector<16xf32>,
        %mul3A_887 = arith.mulf %gather3A_882, %gather3A_886 : vector<16xf32>
        %add3A_888 = arith.addf %add3A_879, %mul3A_887 : vector<16xf32>
        %broadcast_in_dim3A_889 = arith.constant 18 : i32
        %broadcast_in_dim3A_890 = vector.broadcast %broadcast_in_dim3A_889 : i32 to vector<16xi32>
        %gather3A_891 = tpu.vector_load_idx %arg21[%select_n3A_718, %broadcast_in_dim3A_890] : memref<800x32xf32, #tpu.memory_space<vmem>>[vector<16xi32>, vector<16xi32>], vector<16xf32>,
        %gather3A_892 = tpu.vector_load_idx %arg22[%get3A_720, %broadcast_in_dim3A_890] : memref<816x32xf32, #tpu.memory_space<vmem>>[vector<16xi32>, vector<16xi32>], vector<16xf32>,
        %mul3A_893 = arith.mulf %gather3A_891, %gather3A_892 : vector<16xf32>
        %add3A_894 = arith.addf %add3A_885, %mul3A_893 : vector<16xf32>
        %gather3A_895 = tpu.vector_load_idx %arg22[%get3A_722, %broadcast_in_dim3A_890] : memref<816x32xf32, #tpu.memory_space<vmem>>[vector<16xi32>, vector<16xi32>], vector<16xf32>,
        %mul3A_896 = arith.mulf %gather3A_891, %gather3A_895 : vector<16xf32>
        %add3A_897 = arith.addf %add3A_888, %mul3A_896 : vector<16xf32>
        %broadcast_in_dim3A_898 = arith.constant 19 : i32
        %broadcast_in_dim3A_899 = vector.broadcast %broadcast_in_dim3A_898 : i32 to vector<16xi32>
        %gather3A_900 = tpu.vector_load_idx %arg21[%select_n3A_718, %broadcast_in_dim3A_899] : memref<800x32xf32, #tpu.memory_space<vmem>>[vector<16xi32>, vector<16xi32>], vector<16xf32>,
        %gather3A_901 = tpu.vector_load_idx %arg22[%get3A_720, %broadcast_in_dim3A_899] : memref<816x32xf32, #tpu.memory_space<vmem>>[vector<16xi32>, vector<16xi32>], vector<16xf32>,
        %mul3A_902 = arith.mulf %gather3A_900, %gather3A_901 : vector<16xf32>
        %add3A_903 = arith.addf %add3A_894, %mul3A_902 : vector<16xf32>
        %gather3A_904 = tpu.vector_load_idx %arg22[%get3A_722, %broadcast_in_dim3A_899] : memref<816x32xf32, #tpu.memory_space<vmem>>[vector<16xi32>, vector<16xi32>], vector<16xf32>,
        %mul3A_905 = arith.mulf %gather3A_900, %gather3A_904 : vector<16xf32>
        %add3A_906 = arith.addf %add3A_897, %mul3A_905 : vector<16xf32>
        %broadcast_in_dim3A_907 = arith.constant 20 : i32
        %broadcast_in_dim3A_908 = vector.broadcast %broadcast_in_dim3A_907 : i32 to vector<16xi32>
        %gather3A_909 = tpu.vector_load_idx %arg21[%select_n3A_718, %broadcast_in_dim3A_908] : memref<800x32xf32, #tpu.memory_space<vmem>>[vector<16xi32>, vector<16xi32>], vector<16xf32>,
        %gather3A_910 = tpu.vector_load_idx %arg22[%get3A_720, %broadcast_in_dim3A_908] : memref<816x32xf32, #tpu.memory_space<vmem>>[vector<16xi32>, vector<16xi32>], vector<16xf32>,
        %mul3A_911 = arith.mulf %gather3A_909, %gather3A_910 : vector<16xf32>
        %add3A_912 = arith.addf %add3A_903, %mul3A_911 : vector<16xf32>
        %gather3A_913 = tpu.vector_load_idx %arg22[%get3A_722, %broadcast_in_dim3A_908] : memref<816x32xf32, #tpu.memory_space<vmem>>[vector<16xi32>, vector<16xi32>], vector<16xf32>,
        %mul3A_914 = arith.mulf %gather3A_909, %gather3A_913 : vector<16xf32>
        %add3A_915 = arith.addf %add3A_906, %mul3A_914 : vector<16xf32>
        %broadcast_in_dim3A_916 = arith.constant 21 : i32
        %broadcast_in_dim3A_917 = vector.broadcast %broadcast_in_dim3A_916 : i32 to vector<16xi32>
        %gather3A_918 = tpu.vector_load_idx %arg21[%select_n3A_718, %broadcast_in_dim3A_917] : memref<800x32xf32, #tpu.memory_space<vmem>>[vector<16xi32>, vector<16xi32>], vector<16xf32>,
        %gather3A_919 = tpu.vector_load_idx %arg22[%get3A_720, %broadcast_in_dim3A_917] : memref<816x32xf32, #tpu.memory_space<vmem>>[vector<16xi32>, vector<16xi32>], vector<16xf32>,
        %mul3A_920 = arith.mulf %gather3A_918, %gather3A_919 : vector<16xf32>
        %add3A_921 = arith.addf %add3A_912, %mul3A_920 : vector<16xf32>
        %gather3A_922 = tpu.vector_load_idx %arg22[%get3A_722, %broadcast_in_dim3A_917] : memref<816x32xf32, #tpu.memory_space<vmem>>[vector<16xi32>, vector<16xi32>], vector<16xf32>,
        %mul3A_923 = arith.mulf %gather3A_918, %gather3A_922 : vector<16xf32>
        %add3A_924 = arith.addf %add3A_915, %mul3A_923 : vector<16xf32>
        %broadcast_in_dim3A_925 = arith.constant 22 : i32
        %broadcast_in_dim3A_926 = vector.broadcast %broadcast_in_dim3A_925 : i32 to vector<16xi32>
        %gather3A_927 = tpu.vector_load_idx %arg21[%select_n3A_718, %broadcast_in_dim3A_926] : memref<800x32xf32, #tpu.memory_space<vmem>>[vector<16xi32>, vector<16xi32>], vector<16xf32>,
        %gather3A_928 = tpu.vector_load_idx %arg22[%get3A_720, %broadcast_in_dim3A_926] : memref<816x32xf32, #tpu.memory_space<vmem>>[vector<16xi32>, vector<16xi32>], vector<16xf32>,
        %mul3A_929 = arith.mulf %gather3A_927, %gather3A_928 : vector<16xf32>
        %add3A_930 = arith.addf %add3A_921, %mul3A_929 : vector<16xf32>
        %gather3A_931 = tpu.vector_load_idx %arg22[%get3A_722, %broadcast_in_dim3A_926] : memref<816x32xf32, #tpu.memory_space<vmem>>[vector<16xi32>, vector<16xi32>], vector<16xf32>,
        %mul3A_932 = arith.mulf %gather3A_927, %gather3A_931 : vector<16xf32>
        %add3A_933 = arith.addf %add3A_924, %mul3A_932 : vector<16xf32>
        %broadcast_in_dim3A_934 = arith.constant 23 : i32
        %broadcast_in_dim3A_935 = vector.broadcast %broadcast_in_dim3A_934 : i32 to vector<16xi32>
        %gather3A_936 = tpu.vector_load_idx %arg21[%select_n3A_718, %broadcast_in_dim3A_935] : memref<800x32xf32, #tpu.memory_space<vmem>>[vector<16xi32>, vector<16xi32>], vector<16xf32>,
        %gather3A_937 = tpu.vector_load_idx %arg22[%get3A_720, %broadcast_in_dim3A_935] : memref<816x32xf32, #tpu.memory_space<vmem>>[vector<16xi32>, vector<16xi32>], vector<16xf32>,
        %mul3A_938 = arith.mulf %gather3A_936, %gather3A_937 : vector<16xf32>
        %add3A_939 = arith.addf %add3A_930, %mul3A_938 : vector<16xf32>
        %gather3A_940 = tpu.vector_load_idx %arg22[%get3A_722, %broadcast_in_dim3A_935] : memref<816x32xf32, #tpu.memory_space<vmem>>[vector<16xi32>, vector<16xi32>], vector<16xf32>,
        %mul3A_941 = arith.mulf %gather3A_936, %gather3A_940 : vector<16xf32>
        %add3A_942 = arith.addf %add3A_933, %mul3A_941 : vector<16xf32>
        %broadcast_in_dim3A_943 = arith.constant 24 : i32
        %broadcast_in_dim3A_944 = vector.broadcast %broadcast_in_dim3A_943 : i32 to vector<16xi32>
        %gather3A_945 = tpu.vector_load_idx %arg21[%select_n3A_718, %broadcast_in_dim3A_944] : memref<800x32xf32, #tpu.memory_space<vmem>>[vector<16xi32>, vector<16xi32>], vector<16xf32>,
        %gather3A_946 = tpu.vector_load_idx %arg22[%get3A_720, %broadcast_in_dim3A_944] : memref<816x32xf32, #tpu.memory_space<vmem>>[vector<16xi32>, vector<16xi32>], vector<16xf32>,
        %mul3A_947 = arith.mulf %gather3A_945, %gather3A_946 : vector<16xf32>
        %add3A_948 = arith.addf %add3A_939, %mul3A_947 : vector<16xf32>
        %gather3A_949 = tpu.vector_load_idx %arg22[%get3A_722, %broadcast_in_dim3A_944] : memref<816x32xf32, #tpu.memory_space<vmem>>[vector<16xi32>, vector<16xi32>], vector<16xf32>,
        %mul3A_950 = arith.mulf %gather3A_945, %gather3A_949 : vector<16xf32>
        %add3A_951 = arith.addf %add3A_942, %mul3A_950 : vector<16xf32>
        %broadcast_in_dim3A_952 = arith.constant 25 : i32
        %broadcast_in_dim3A_953 = vector.broadcast %broadcast_in_dim3A_952 : i32 to vector<16xi32>
        %gather3A_954 = tpu.vector_load_idx %arg21[%select_n3A_718, %broadcast_in_dim3A_953] : memref<800x32xf32, #tpu.memory_space<vmem>>[vector<16xi32>, vector<16xi32>], vector<16xf32>,
        %gather3A_955 = tpu.vector_load_idx %arg22[%get3A_720, %broadcast_in_dim3A_953] : memref<816x32xf32, #tpu.memory_space<vmem>>[vector<16xi32>, vector<16xi32>], vector<16xf32>,
        %mul3A_956 = arith.mulf %gather3A_954, %gather3A_955 : vector<16xf32>
        %add3A_957 = arith.addf %add3A_948, %mul3A_956 : vector<16xf32>
        %gather3A_958 = tpu.vector_load_idx %arg22[%get3A_722, %broadcast_in_dim3A_953] : memref<816x32xf32, #tpu.memory_space<vmem>>[vector<16xi32>, vector<16xi32>], vector<16xf32>,
        %mul3A_959 = arith.mulf %gather3A_954, %gather3A_958 : vector<16xf32>
        %add3A_960 = arith.addf %add3A_951, %mul3A_959 : vector<16xf32>
        %broadcast_in_dim3A_961 = arith.constant 26 : i32
        %broadcast_in_dim3A_962 = vector.broadcast %broadcast_in_dim3A_961 : i32 to vector<16xi32>
        %gather3A_963 = tpu.vector_load_idx %arg21[%select_n3A_718, %broadcast_in_dim3A_962] : memref<800x32xf32, #tpu.memory_space<vmem>>[vector<16xi32>, vector<16xi32>], vector<16xf32>,
        %gather3A_964 = tpu.vector_load_idx %arg22[%get3A_720, %broadcast_in_dim3A_962] : memref<816x32xf32, #tpu.memory_space<vmem>>[vector<16xi32>, vector<16xi32>], vector<16xf32>,
        %mul3A_965 = arith.mulf %gather3A_963, %gather3A_964 : vector<16xf32>
        %add3A_966 = arith.addf %add3A_957, %mul3A_965 : vector<16xf32>
        %gather3A_967 = tpu.vector_load_idx %arg22[%get3A_722, %broadcast_in_dim3A_962] : memref<816x32xf32, #tpu.memory_space<vmem>>[vector<16xi32>, vector<16xi32>], vector<16xf32>,
        %mul3A_968 = arith.mulf %gather3A_963, %gather3A_967 : vector<16xf32>
        %add3A_969 = arith.addf %add3A_960, %mul3A_968 : vector<16xf32>
        %broadcast_in_dim3A_970 = arith.constant 27 : i32
        %broadcast_in_dim3A_971 = vector.broadcast %broadcast_in_dim3A_970 : i32 to vector<16xi32>
        %gather3A_972 = tpu.vector_load_idx %arg21[%select_n3A_718, %broadcast_in_dim3A_971] : memref<800x32xf32, #tpu.memory_space<vmem>>[vector<16xi32>, vector<16xi32>], vector<16xf32>,
        %gather3A_973 = tpu.vector_load_idx %arg22[%get3A_720, %broadcast_in_dim3A_971] : memref<816x32xf32, #tpu.memory_space<vmem>>[vector<16xi32>, vector<16xi32>], vector<16xf32>,
        %mul3A_974 = arith.mulf %gather3A_972, %gather3A_973 : vector<16xf32>
        %add3A_975 = arith.addf %add3A_966, %mul3A_974 : vector<16xf32>
        %gather3A_976 = tpu.vector_load_idx %arg22[%get3A_722, %broadcast_in_dim3A_971] : memref<816x32xf32, #tpu.memory_space<vmem>>[vector<16xi32>, vector<16xi32>], vector<16xf32>,
        %mul3A_977 = arith.mulf %gather3A_972, %gather3A_976 : vector<16xf32>
        %add3A_978 = arith.addf %add3A_969, %mul3A_977 : vector<16xf32>
        %broadcast_in_dim3A_979 = arith.constant 28 : i32
        %broadcast_in_dim3A_980 = vector.broadcast %broadcast_in_dim3A_979 : i32 to vector<16xi32>
        %gather3A_981 = tpu.vector_load_idx %arg21[%select_n3A_718, %broadcast_in_dim3A_980] : memref<800x32xf32, #tpu.memory_space<vmem>>[vector<16xi32>, vector<16xi32>], vector<16xf32>,
        %gather3A_982 = tpu.vector_load_idx %arg22[%get3A_720, %broadcast_in_dim3A_980] : memref<816x32xf32, #tpu.memory_space<vmem>>[vector<16xi32>, vector<16xi32>], vector<16xf32>,
        %mul3A_983 = arith.mulf %gather3A_981, %gather3A_982 : vector<16xf32>
        %add3A_984 = arith.addf %add3A_975, %mul3A_983 : vector<16xf32>
        %gather3A_985 = tpu.vector_load_idx %arg22[%get3A_722, %broadcast_in_dim3A_980] : memref<816x32xf32, #tpu.memory_space<vmem>>[vector<16xi32>, vector<16xi32>], vector<16xf32>,
        %mul3A_986 = arith.mulf %gather3A_981, %gather3A_985 : vector<16xf32>
        %add3A_987 = arith.addf %add3A_978, %mul3A_986 : vector<16xf32>
        %broadcast_in_dim3A_988 = arith.constant 29 : i32
        %broadcast_in_dim3A_989 = vector.broadcast %broadcast_in_dim3A_988 : i32 to vector<16xi32>
        %gather3A_990 = tpu.vector_load_idx %arg21[%select_n3A_718, %broadcast_in_dim3A_989] : memref<800x32xf32, #tpu.memory_space<vmem>>[vector<16xi32>, vector<16xi32>], vector<16xf32>,
        %gather3A_991 = tpu.vector_load_idx %arg22[%get3A_720, %broadcast_in_dim3A_989] : memref<816x32xf32, #tpu.memory_space<vmem>>[vector<16xi32>, vector<16xi32>], vector<16xf32>,
        %mul3A_992 = arith.mulf %gather3A_990, %gather3A_991 : vector<16xf32>
        %add3A_993 = arith.addf %add3A_984, %mul3A_992 : vector<16xf32>
        %gather3A_994 = tpu.vector_load_idx %arg22[%get3A_722, %broadcast_in_dim3A_989] : memref<816x32xf32, #tpu.memory_space<vmem>>[vector<16xi32>, vector<16xi32>], vector<16xf32>,
        %mul3A_995 = arith.mulf %gather3A_990, %gather3A_994 : vector<16xf32>
        %add3A_996 = arith.addf %add3A_987, %mul3A_995 : vector<16xf32>
        %broadcast_in_dim3A_997 = arith.constant 30 : i32
        %broadcast_in_dim3A_998 = vector.broadcast %broadcast_in_dim3A_997 : i32 to vector<16xi32>
        %gather3A_999 = tpu.vector_load_idx %arg21[%select_n3A_718, %broadcast_in_dim3A_998] : memref<800x32xf32, #tpu.memory_space<vmem>>[vector<16xi32>, vector<16xi32>], vector<16xf32>,
        %gather3A_1000 = tpu.vector_load_idx %arg22[%get3A_720, %broadcast_in_dim3A_998] : memref<816x32xf32, #tpu.memory_space<vmem>>[vector<16xi32>, vector<16xi32>], vector<16xf32>,
        %mul3A_1001 = arith.mulf %gather3A_999, %gather3A_1000 : vector<16xf32>
        %add3A_1002 = arith.addf %add3A_993, %mul3A_1001 : vector<16xf32>
        %gather3A_1003 = tpu.vector_load_idx %arg22[%get3A_722, %broadcast_in_dim3A_998] : memref<816x32xf32, #tpu.memory_space<vmem>>[vector<16xi32>, vector<16xi32>], vector<16xf32>,
        %mul3A_1004 = arith.mulf %gather3A_999, %gather3A_1003 : vector<16xf32>
        %add3A_1005 = arith.addf %add3A_996, %mul3A_1004 : vector<16xf32>
        %broadcast_in_dim3A_1006 = arith.constant 31 : i32
        %broadcast_in_dim3A_1007 = vector.broadcast %broadcast_in_dim3A_1006 : i32 to vector<16xi32>
        %gather3A_1008 = tpu.vector_load_idx %arg21[%select_n3A_718, %broadcast_in_dim3A_1007] : memref<800x32xf32, #tpu.memory_space<vmem>>[vector<16xi32>, vector<16xi32>], vector<16xf32>,
        %gather3A_1009 = tpu.vector_load_idx %arg22[%get3A_720, %broadcast_in_dim3A_1007] : memref<816x32xf32, #tpu.memory_space<vmem>>[vector<16xi32>, vector<16xi32>], vector<16xf32>,
        %mul3A_1010 = arith.mulf %gather3A_1008, %gather3A_1009 : vector<16xf32>
        %add3A_1011 = arith.addf %add3A_1002, %mul3A_1010 : vector<16xf32>
        %gather3A_1012 = tpu.vector_load_idx %arg22[%get3A_722, %broadcast_in_dim3A_1007] : memref<816x32xf32, #tpu.memory_space<vmem>>[vector<16xi32>, vector<16xi32>], vector<16xf32>,
        %mul3A_1013 = arith.mulf %gather3A_1008, %gather3A_1012 : vector<16xf32>
        %add3A_1014 = arith.addf %add3A_1005, %mul3A_1013 : vector<16xf32>
        %get3A_1015 = arith.index_cast %mul3A_684 : i32 to index
        %get3A_1016 = tpu.vector_load %arg20[%get3A_1015] {strides = array<i32>} : memref<800xf32, #tpu.memory_space<vmem>>, vector<16xf32>,
        %gather3A_1017 = tpu.vector_load_idx %arg23[%select_n3A_718] : memref<800xf32, #tpu.memory_space<vmem>>[vector<16xi32>], vector<16xf32>,
        %gather3A_1018 = tpu.vector_load_idx %arg24[%get3A_720] : memref<816xf32, #tpu.memory_space<vmem>>[vector<16xi32>], vector<16xf32>,
        %add3A_1019 = arith.addf %add3A_1011, %gather3A_1018 : vector<16xf32>
        %add3A_1020 = arith.addf %add3A_1019, %gather3A_1017 : vector<16xf32>
        %mul3A_1021 = arith.mulf %add3A_1020, %get3A_1016 : vector<16xf32>
        %swap3A_1022 = arith.index_cast %mul3A_684 : i32 to index
        %swap3A_1023 = tpu.vector_load %arg25[%swap3A_1022] {strides = array<i32>} : memref<800xf32, #tpu.memory_space<vmem>>, vector<16xf32>,
        tpu.vector_store %arg25[%swap3A_1022], %mul3A_1021 {strides = array<i32>} : memref<800xf32, #tpu.memory_space<vmem>>, vector<16xf32>,
        %gather3A_1024 = tpu.vector_load_idx %arg24[%get3A_722] : memref<816xf32, #tpu.memory_space<vmem>>[vector<16xi32>], vector<16xf32>,
        %add3A_1025 = arith.addf %add3A_1014, %gather3A_1024 : vector<16xf32>
        %add3A_1026 = arith.addf %add3A_1025, %gather3A_1017 : vector<16xf32>
        %mul3A_1027 = arith.mulf %add3A_1026, %get3A_1016 : vector<16xf32>
        %swap3A_1028 = arith.index_cast %mul3A_684 : i32 to index
        %swap3A_1029 = tpu.vector_load %arg26[%swap3A_1028] {strides = array<i32>} : memref<800xf32, #tpu.memory_space<vmem>>, vector<16xf32>,
        tpu.vector_store %arg26[%swap3A_1028], %mul3A_1027 {strides = array<i32>} : memref<800xf32, #tpu.memory_space<vmem>>, vector<16xf32>,
      }
      %scan3A_163 = arith.constant 50 : i32
      %broadcast_in_dim3A_164 = arith.constant 0.000000e+00 : f32
      %broadcast_in_dim3A_165 = vector.broadcast %broadcast_in_dim3A_164 : f32 to vector<16xf32>
      %broadcast_in_dim3A_166 = arith.constant 0.000000e+00 : f32
      %broadcast_in_dim3A_167 = vector.broadcast %broadcast_in_dim3A_166 : f32 to vector<16xf32>
      %mul3A_168 = arith.constant 50 : i32
      %mul3A_169 = vector.broadcast %mul3A_168 : i32 to vector<16xi32>
      %mul3A_170 = arith.muli %iota3A, %mul3A_169 : vector<16xi32>
      %add3A_171 = arith.constant 0 : i32
      %add3A_172 = vector.broadcast %add3A_171 : i32 to vector<16xi32>
      %add3A_173 = arith.addi %mul3A_170, %add3A_172 : vector<16xi32>
      %gather3A = tpu.vector_load_idx %arg25[%add3A_173] : memref<800xf32, #tpu.memory_space<vmem>>[vector<16xi32>], vector<16xf32>,
      %add3A_174 = arith.addf %broadcast_in_dim3A_165, %gather3A : vector<16xf32>
      %add3A_175 = arith.constant 0 : i32
      %add3A_176 = vector.broadcast %add3A_175 : i32 to vector<16xi32>
      %add3A_177 = arith.addi %mul3A_170, %add3A_176 : vector<16xi32>
      %gather3A_178 = tpu.vector_load_idx %arg26[%add3A_177] : memref<800xf32, #tpu.memory_space<vmem>>[vector<16xi32>], vector<16xf32>,
      %add3A_179 = arith.addf %broadcast_in_dim3A_167, %gather3A_178 : vector<16xf32>
      %add3A_180 = arith.constant 1 : i32
      %add3A_181 = vector.broadcast %add3A_180 : i32 to vector<16xi32>
      %add3A_182 = arith.addi %mul3A_170, %add3A_181 : vector<16xi32>
      %gather3A_183 = tpu.vector_load_idx %arg25[%add3A_182] : memref<800xf32, #tpu.memory_space<vmem>>[vector<16xi32>], vector<16xf32>,
      %add3A_184 = arith.addf %add3A_174, %gather3A_183 : vector<16xf32>
      %add3A_185 = arith.constant 1 : i32
      %add3A_186 = vector.broadcast %add3A_185 : i32 to vector<16xi32>
      %add3A_187 = arith.addi %mul3A_170, %add3A_186 : vector<16xi32>
      %gather3A_188 = tpu.vector_load_idx %arg26[%add3A_187] : memref<800xf32, #tpu.memory_space<vmem>>[vector<16xi32>], vector<16xf32>,
      %add3A_189 = arith.addf %add3A_179, %gather3A_188 : vector<16xf32>
      %add3A_190 = arith.constant 2 : i32
      %add3A_191 = vector.broadcast %add3A_190 : i32 to vector<16xi32>
      %add3A_192 = arith.addi %mul3A_170, %add3A_191 : vector<16xi32>
      %gather3A_193 = tpu.vector_load_idx %arg25[%add3A_192] : memref<800xf32, #tpu.memory_space<vmem>>[vector<16xi32>], vector<16xf32>,
      %add3A_194 = arith.addf %add3A_184, %gather3A_193 : vector<16xf32>
      %add3A_195 = arith.constant 2 : i32
      %add3A_196 = vector.broadcast %add3A_195 : i32 to vector<16xi32>
      %add3A_197 = arith.addi %mul3A_170, %add3A_196 : vector<16xi32>
      %gather3A_198 = tpu.vector_load_idx %arg26[%add3A_197] : memref<800xf32, #tpu.memory_space<vmem>>[vector<16xi32>], vector<16xf32>,
      %add3A_199 = arith.addf %add3A_189, %gather3A_198 : vector<16xf32>
      %add3A_200 = arith.constant 3 : i32
      %add3A_201 = vector.broadcast %add3A_200 : i32 to vector<16xi32>
      %add3A_202 = arith.addi %mul3A_170, %add3A_201 : vector<16xi32>
      %gather3A_203 = tpu.vector_load_idx %arg25[%add3A_202] : memref<800xf32, #tpu.memory_space<vmem>>[vector<16xi32>], vector<16xf32>,
      %add3A_204 = arith.addf %add3A_194, %gather3A_203 : vector<16xf32>
      %add3A_205 = arith.constant 3 : i32
      %add3A_206 = vector.broadcast %add3A_205 : i32 to vector<16xi32>
      %add3A_207 = arith.addi %mul3A_170, %add3A_206 : vector<16xi32>
      %gather3A_208 = tpu.vector_load_idx %arg26[%add3A_207] : memref<800xf32, #tpu.memory_space<vmem>>[vector<16xi32>], vector<16xf32>,
      %add3A_209 = arith.addf %add3A_199, %gather3A_208 : vector<16xf32>
      %add3A_210 = arith.constant 4 : i32
      %add3A_211 = vector.broadcast %add3A_210 : i32 to vector<16xi32>
      %add3A_212 = arith.addi %mul3A_170, %add3A_211 : vector<16xi32>
      %gather3A_213 = tpu.vector_load_idx %arg25[%add3A_212] : memref<800xf32, #tpu.memory_space<vmem>>[vector<16xi32>], vector<16xf32>,
      %add3A_214 = arith.addf %add3A_204, %gather3A_213 : vector<16xf32>
      %add3A_215 = arith.constant 4 : i32
      %add3A_216 = vector.broadcast %add3A_215 : i32 to vector<16xi32>
      %add3A_217 = arith.addi %mul3A_170, %add3A_216 : vector<16xi32>
      %gather3A_218 = tpu.vector_load_idx %arg26[%add3A_217] : memref<800xf32, #tpu.memory_space<vmem>>[vector<16xi32>], vector<16xf32>,
      %add3A_219 = arith.addf %add3A_209, %gather3A_218 : vector<16xf32>
      %add3A_220 = arith.constant 5 : i32
      %add3A_221 = vector.broadcast %add3A_220 : i32 to vector<16xi32>
      %add3A_222 = arith.addi %mul3A_170, %add3A_221 : vector<16xi32>
      %gather3A_223 = tpu.vector_load_idx %arg25[%add3A_222] : memref<800xf32, #tpu.memory_space<vmem>>[vector<16xi32>], vector<16xf32>,
      %add3A_224 = arith.addf %add3A_214, %gather3A_223 : vector<16xf32>
      %add3A_225 = arith.constant 5 : i32
      %add3A_226 = vector.broadcast %add3A_225 : i32 to vector<16xi32>
      %add3A_227 = arith.addi %mul3A_170, %add3A_226 : vector<16xi32>
      %gather3A_228 = tpu.vector_load_idx %arg26[%add3A_227] : memref<800xf32, #tpu.memory_space<vmem>>[vector<16xi32>], vector<16xf32>,
      %add3A_229 = arith.addf %add3A_219, %gather3A_228 : vector<16xf32>
      %add3A_230 = arith.constant 6 : i32
      %add3A_231 = vector.broadcast %add3A_230 : i32 to vector<16xi32>
      %add3A_232 = arith.addi %mul3A_170, %add3A_231 : vector<16xi32>
      %gather3A_233 = tpu.vector_load_idx %arg25[%add3A_232] : memref<800xf32, #tpu.memory_space<vmem>>[vector<16xi32>], vector<16xf32>,
      %add3A_234 = arith.addf %add3A_224, %gather3A_233 : vector<16xf32>
      %add3A_235 = arith.constant 6 : i32
      %add3A_236 = vector.broadcast %add3A_235 : i32 to vector<16xi32>
      %add3A_237 = arith.addi %mul3A_170, %add3A_236 : vector<16xi32>
      %gather3A_238 = tpu.vector_load_idx %arg26[%add3A_237] : memref<800xf32, #tpu.memory_space<vmem>>[vector<16xi32>], vector<16xf32>,
      %add3A_239 = arith.addf %add3A_229, %gather3A_238 : vector<16xf32>
      %add3A_240 = arith.constant 7 : i32
      %add3A_241 = vector.broadcast %add3A_240 : i32 to vector<16xi32>
      %add3A_242 = arith.addi %mul3A_170, %add3A_241 : vector<16xi32>
      %gather3A_243 = tpu.vector_load_idx %arg25[%add3A_242] : memref<800xf32, #tpu.memory_space<vmem>>[vector<16xi32>], vector<16xf32>,
      %add3A_244 = arith.addf %add3A_234, %gather3A_243 : vector<16xf32>
      %add3A_245 = arith.constant 7 : i32
      %add3A_246 = vector.broadcast %add3A_245 : i32 to vector<16xi32>
      %add3A_247 = arith.addi %mul3A_170, %add3A_246 : vector<16xi32>
      %gather3A_248 = tpu.vector_load_idx %arg26[%add3A_247] : memref<800xf32, #tpu.memory_space<vmem>>[vector<16xi32>], vector<16xf32>,
      %add3A_249 = arith.addf %add3A_239, %gather3A_248 : vector<16xf32>
      %add3A_250 = arith.constant 8 : i32
      %add3A_251 = vector.broadcast %add3A_250 : i32 to vector<16xi32>
      %add3A_252 = arith.addi %mul3A_170, %add3A_251 : vector<16xi32>
      %gather3A_253 = tpu.vector_load_idx %arg25[%add3A_252] : memref<800xf32, #tpu.memory_space<vmem>>[vector<16xi32>], vector<16xf32>,
      %add3A_254 = arith.addf %add3A_244, %gather3A_253 : vector<16xf32>
      %add3A_255 = arith.constant 8 : i32
      %add3A_256 = vector.broadcast %add3A_255 : i32 to vector<16xi32>
      %add3A_257 = arith.addi %mul3A_170, %add3A_256 : vector<16xi32>
      %gather3A_258 = tpu.vector_load_idx %arg26[%add3A_257] : memref<800xf32, #tpu.memory_space<vmem>>[vector<16xi32>], vector<16xf32>,
      %add3A_259 = arith.addf %add3A_249, %gather3A_258 : vector<16xf32>
      %add3A_260 = arith.constant 9 : i32
      %add3A_261 = vector.broadcast %add3A_260 : i32 to vector<16xi32>
      %add3A_262 = arith.addi %mul3A_170, %add3A_261 : vector<16xi32>
      %gather3A_263 = tpu.vector_load_idx %arg25[%add3A_262] : memref<800xf32, #tpu.memory_space<vmem>>[vector<16xi32>], vector<16xf32>,
      %add3A_264 = arith.addf %add3A_254, %gather3A_263 : vector<16xf32>
      %add3A_265 = arith.constant 9 : i32
      %add3A_266 = vector.broadcast %add3A_265 : i32 to vector<16xi32>
      %add3A_267 = arith.addi %mul3A_170, %add3A_266 : vector<16xi32>
      %gather3A_268 = tpu.vector_load_idx %arg26[%add3A_267] : memref<800xf32, #tpu.memory_space<vmem>>[vector<16xi32>], vector<16xf32>,
      %add3A_269 = arith.addf %add3A_259, %gather3A_268 : vector<16xf32>
      %add3A_270 = arith.constant 10 : i32
      %add3A_271 = vector.broadcast %add3A_270 : i32 to vector<16xi32>
      %add3A_272 = arith.addi %mul3A_170, %add3A_271 : vector<16xi32>
      %gather3A_273 = tpu.vector_load_idx %arg25[%add3A_272] : memref<800xf32, #tpu.memory_space<vmem>>[vector<16xi32>], vector<16xf32>,
      %add3A_274 = arith.addf %add3A_264, %gather3A_273 : vector<16xf32>
      %add3A_275 = arith.constant 10 : i32
      %add3A_276 = vector.broadcast %add3A_275 : i32 to vector<16xi32>
      %add3A_277 = arith.addi %mul3A_170, %add3A_276 : vector<16xi32>
      %gather3A_278 = tpu.vector_load_idx %arg26[%add3A_277] : memref<800xf32, #tpu.memory_space<vmem>>[vector<16xi32>], vector<16xf32>,
      %add3A_279 = arith.addf %add3A_269, %gather3A_278 : vector<16xf32>
      %add3A_280 = arith.constant 11 : i32
      %add3A_281 = vector.broadcast %add3A_280 : i32 to vector<16xi32>
      %add3A_282 = arith.addi %mul3A_170, %add3A_281 : vector<16xi32>
      %gather3A_283 = tpu.vector_load_idx %arg25[%add3A_282] : memref<800xf32, #tpu.memory_space<vmem>>[vector<16xi32>], vector<16xf32>,
      %add3A_284 = arith.addf %add3A_274, %gather3A_283 : vector<16xf32>
      %add3A_285 = arith.constant 11 : i32
      %add3A_286 = vector.broadcast %add3A_285 : i32 to vector<16xi32>
      %add3A_287 = arith.addi %mul3A_170, %add3A_286 : vector<16xi32>
      %gather3A_288 = tpu.vector_load_idx %arg26[%add3A_287] : memref<800xf32, #tpu.memory_space<vmem>>[vector<16xi32>], vector<16xf32>,
      %add3A_289 = arith.addf %add3A_279, %gather3A_288 : vector<16xf32>
      %add3A_290 = arith.constant 12 : i32
      %add3A_291 = vector.broadcast %add3A_290 : i32 to vector<16xi32>
      %add3A_292 = arith.addi %mul3A_170, %add3A_291 : vector<16xi32>
      %gather3A_293 = tpu.vector_load_idx %arg25[%add3A_292] : memref<800xf32, #tpu.memory_space<vmem>>[vector<16xi32>], vector<16xf32>,
      %add3A_294 = arith.addf %add3A_284, %gather3A_293 : vector<16xf32>
      %add3A_295 = arith.constant 12 : i32
      %add3A_296 = vector.broadcast %add3A_295 : i32 to vector<16xi32>
      %add3A_297 = arith.addi %mul3A_170, %add3A_296 : vector<16xi32>
      %gather3A_298 = tpu.vector_load_idx %arg26[%add3A_297] : memref<800xf32, #tpu.memory_space<vmem>>[vector<16xi32>], vector<16xf32>,
      %add3A_299 = arith.addf %add3A_289, %gather3A_298 : vector<16xf32>
      %add3A_300 = arith.constant 13 : i32
      %add3A_301 = vector.broadcast %add3A_300 : i32 to vector<16xi32>
      %add3A_302 = arith.addi %mul3A_170, %add3A_301 : vector<16xi32>
      %gather3A_303 = tpu.vector_load_idx %arg25[%add3A_302] : memref<800xf32, #tpu.memory_space<vmem>>[vector<16xi32>], vector<16xf32>,
      %add3A_304 = arith.addf %add3A_294, %gather3A_303 : vector<16xf32>
      %add3A_305 = arith.constant 13 : i32
      %add3A_306 = vector.broadcast %add3A_305 : i32 to vector<16xi32>
      %add3A_307 = arith.addi %mul3A_170, %add3A_306 : vector<16xi32>
      %gather3A_308 = tpu.vector_load_idx %arg26[%add3A_307] : memref<800xf32, #tpu.memory_space<vmem>>[vector<16xi32>], vector<16xf32>,
      %add3A_309 = arith.addf %add3A_299, %gather3A_308 : vector<16xf32>
      %add3A_310 = arith.constant 14 : i32
      %add3A_311 = vector.broadcast %add3A_310 : i32 to vector<16xi32>
      %add3A_312 = arith.addi %mul3A_170, %add3A_311 : vector<16xi32>
      %gather3A_313 = tpu.vector_load_idx %arg25[%add3A_312] : memref<800xf32, #tpu.memory_space<vmem>>[vector<16xi32>], vector<16xf32>,
      %add3A_314 = arith.addf %add3A_304, %gather3A_313 : vector<16xf32>
      %add3A_315 = arith.constant 14 : i32
      %add3A_316 = vector.broadcast %add3A_315 : i32 to vector<16xi32>
      %add3A_317 = arith.addi %mul3A_170, %add3A_316 : vector<16xi32>
      %gather3A_318 = tpu.vector_load_idx %arg26[%add3A_317] : memref<800xf32, #tpu.memory_space<vmem>>[vector<16xi32>], vector<16xf32>,
      %add3A_319 = arith.addf %add3A_309, %gather3A_318 : vector<16xf32>
      %add3A_320 = arith.constant 15 : i32
      %add3A_321 = vector.broadcast %add3A_320 : i32 to vector<16xi32>
      %add3A_322 = arith.addi %mul3A_170, %add3A_321 : vector<16xi32>
      %gather3A_323 = tpu.vector_load_idx %arg25[%add3A_322] : memref<800xf32, #tpu.memory_space<vmem>>[vector<16xi32>], vector<16xf32>,
      %add3A_324 = arith.addf %add3A_314, %gather3A_323 : vector<16xf32>
      %add3A_325 = arith.constant 15 : i32
      %add3A_326 = vector.broadcast %add3A_325 : i32 to vector<16xi32>
      %add3A_327 = arith.addi %mul3A_170, %add3A_326 : vector<16xi32>
      %gather3A_328 = tpu.vector_load_idx %arg26[%add3A_327] : memref<800xf32, #tpu.memory_space<vmem>>[vector<16xi32>], vector<16xf32>,
      %add3A_329 = arith.addf %add3A_319, %gather3A_328 : vector<16xf32>
      %add3A_330 = arith.constant 16 : i32
      %add3A_331 = vector.broadcast %add3A_330 : i32 to vector<16xi32>
      %add3A_332 = arith.addi %mul3A_170, %add3A_331 : vector<16xi32>
      %gather3A_333 = tpu.vector_load_idx %arg25[%add3A_332] : memref<800xf32, #tpu.memory_space<vmem>>[vector<16xi32>], vector<16xf32>,
      %add3A_334 = arith.addf %add3A_324, %gather3A_333 : vector<16xf32>
      %add3A_335 = arith.constant 16 : i32
      %add3A_336 = vector.broadcast %add3A_335 : i32 to vector<16xi32>
      %add3A_337 = arith.addi %mul3A_170, %add3A_336 : vector<16xi32>
      %gather3A_338 = tpu.vector_load_idx %arg26[%add3A_337] : memref<800xf32, #tpu.memory_space<vmem>>[vector<16xi32>], vector<16xf32>,
      %add3A_339 = arith.addf %add3A_329, %gather3A_338 : vector<16xf32>
      %add3A_340 = arith.constant 17 : i32
      %add3A_341 = vector.broadcast %add3A_340 : i32 to vector<16xi32>
      %add3A_342 = arith.addi %mul3A_170, %add3A_341 : vector<16xi32>
      %gather3A_343 = tpu.vector_load_idx %arg25[%add3A_342] : memref<800xf32, #tpu.memory_space<vmem>>[vector<16xi32>], vector<16xf32>,
      %add3A_344 = arith.addf %add3A_334, %gather3A_343 : vector<16xf32>
      %add3A_345 = arith.constant 17 : i32
      %add3A_346 = vector.broadcast %add3A_345 : i32 to vector<16xi32>
      %add3A_347 = arith.addi %mul3A_170, %add3A_346 : vector<16xi32>
      %gather3A_348 = tpu.vector_load_idx %arg26[%add3A_347] : memref<800xf32, #tpu.memory_space<vmem>>[vector<16xi32>], vector<16xf32>,
      %add3A_349 = arith.addf %add3A_339, %gather3A_348 : vector<16xf32>
      %add3A_350 = arith.constant 18 : i32
      %add3A_351 = vector.broadcast %add3A_350 : i32 to vector<16xi32>
      %add3A_352 = arith.addi %mul3A_170, %add3A_351 : vector<16xi32>
      %gather3A_353 = tpu.vector_load_idx %arg25[%add3A_352] : memref<800xf32, #tpu.memory_space<vmem>>[vector<16xi32>], vector<16xf32>,
      %add3A_354 = arith.addf %add3A_344, %gather3A_353 : vector<16xf32>
      %add3A_355 = arith.constant 18 : i32
      %add3A_356 = vector.broadcast %add3A_355 : i32 to vector<16xi32>
      %add3A_357 = arith.addi %mul3A_170, %add3A_356 : vector<16xi32>
      %gather3A_358 = tpu.vector_load_idx %arg26[%add3A_357] : memref<800xf32, #tpu.memory_space<vmem>>[vector<16xi32>], vector<16xf32>,
      %add3A_359 = arith.addf %add3A_349, %gather3A_358 : vector<16xf32>
      %add3A_360 = arith.constant 19 : i32
      %add3A_361 = vector.broadcast %add3A_360 : i32 to vector<16xi32>
      %add3A_362 = arith.addi %mul3A_170, %add3A_361 : vector<16xi32>
      %gather3A_363 = tpu.vector_load_idx %arg25[%add3A_362] : memref<800xf32, #tpu.memory_space<vmem>>[vector<16xi32>], vector<16xf32>,
      %add3A_364 = arith.addf %add3A_354, %gather3A_363 : vector<16xf32>
      %add3A_365 = arith.constant 19 : i32
      %add3A_366 = vector.broadcast %add3A_365 : i32 to vector<16xi32>
      %add3A_367 = arith.addi %mul3A_170, %add3A_366 : vector<16xi32>
      %gather3A_368 = tpu.vector_load_idx %arg26[%add3A_367] : memref<800xf32, #tpu.memory_space<vmem>>[vector<16xi32>], vector<16xf32>,
      %add3A_369 = arith.addf %add3A_359, %gather3A_368 : vector<16xf32>
      %add3A_370 = arith.constant 20 : i32
      %add3A_371 = vector.broadcast %add3A_370 : i32 to vector<16xi32>
      %add3A_372 = arith.addi %mul3A_170, %add3A_371 : vector<16xi32>
      %gather3A_373 = tpu.vector_load_idx %arg25[%add3A_372] : memref<800xf32, #tpu.memory_space<vmem>>[vector<16xi32>], vector<16xf32>,
      %add3A_374 = arith.addf %add3A_364, %gather3A_373 : vector<16xf32>
      %add3A_375 = arith.constant 20 : i32
      %add3A_376 = vector.broadcast %add3A_375 : i32 to vector<16xi32>
      %add3A_377 = arith.addi %mul3A_170, %add3A_376 : vector<16xi32>
      %gather3A_378 = tpu.vector_load_idx %arg26[%add3A_377] : memref<800xf32, #tpu.memory_space<vmem>>[vector<16xi32>], vector<16xf32>,
      %add3A_379 = arith.addf %add3A_369, %gather3A_378 : vector<16xf32>
      %add3A_380 = arith.constant 21 : i32
      %add3A_381 = vector.broadcast %add3A_380 : i32 to vector<16xi32>
      %add3A_382 = arith.addi %mul3A_170, %add3A_381 : vector<16xi32>
      %gather3A_383 = tpu.vector_load_idx %arg25[%add3A_382] : memref<800xf32, #tpu.memory_space<vmem>>[vector<16xi32>], vector<16xf32>,
      %add3A_384 = arith.addf %add3A_374, %gather3A_383 : vector<16xf32>
      %add3A_385 = arith.constant 21 : i32
      %add3A_386 = vector.broadcast %add3A_385 : i32 to vector<16xi32>
      %add3A_387 = arith.addi %mul3A_170, %add3A_386 : vector<16xi32>
      %gather3A_388 = tpu.vector_load_idx %arg26[%add3A_387] : memref<800xf32, #tpu.memory_space<vmem>>[vector<16xi32>], vector<16xf32>,
      %add3A_389 = arith.addf %add3A_379, %gather3A_388 : vector<16xf32>
      %add3A_390 = arith.constant 22 : i32
      %add3A_391 = vector.broadcast %add3A_390 : i32 to vector<16xi32>
      %add3A_392 = arith.addi %mul3A_170, %add3A_391 : vector<16xi32>
      %gather3A_393 = tpu.vector_load_idx %arg25[%add3A_392] : memref<800xf32, #tpu.memory_space<vmem>>[vector<16xi32>], vector<16xf32>,
      %add3A_394 = arith.addf %add3A_384, %gather3A_393 : vector<16xf32>
      %add3A_395 = arith.constant 22 : i32
      %add3A_396 = vector.broadcast %add3A_395 : i32 to vector<16xi32>
      %add3A_397 = arith.addi %mul3A_170, %add3A_396 : vector<16xi32>
      %gather3A_398 = tpu.vector_load_idx %arg26[%add3A_397] : memref<800xf32, #tpu.memory_space<vmem>>[vector<16xi32>], vector<16xf32>,
      %add3A_399 = arith.addf %add3A_389, %gather3A_398 : vector<16xf32>
      %add3A_400 = arith.constant 23 : i32
      %add3A_401 = vector.broadcast %add3A_400 : i32 to vector<16xi32>
      %add3A_402 = arith.addi %mul3A_170, %add3A_401 : vector<16xi32>
      %gather3A_403 = tpu.vector_load_idx %arg25[%add3A_402] : memref<800xf32, #tpu.memory_space<vmem>>[vector<16xi32>], vector<16xf32>,
      %add3A_404 = arith.addf %add3A_394, %gather3A_403 : vector<16xf32>
      %add3A_405 = arith.constant 23 : i32
      %add3A_406 = vector.broadcast %add3A_405 : i32 to vector<16xi32>
      %add3A_407 = arith.addi %mul3A_170, %add3A_406 : vector<16xi32>
      %gather3A_408 = tpu.vector_load_idx %arg26[%add3A_407] : memref<800xf32, #tpu.memory_space<vmem>>[vector<16xi32>], vector<16xf32>,
      %add3A_409 = arith.addf %add3A_399, %gather3A_408 : vector<16xf32>
      %add3A_410 = arith.constant 24 : i32
      %add3A_411 = vector.broadcast %add3A_410 : i32 to vector<16xi32>
      %add3A_412 = arith.addi %mul3A_170, %add3A_411 : vector<16xi32>
      %gather3A_413 = tpu.vector_load_idx %arg25[%add3A_412] : memref<800xf32, #tpu.memory_space<vmem>>[vector<16xi32>], vector<16xf32>,
      %add3A_414 = arith.addf %add3A_404, %gather3A_413 : vector<16xf32>
      %add3A_415 = arith.constant 24 : i32
      %add3A_416 = vector.broadcast %add3A_415 : i32 to vector<16xi32>
      %add3A_417 = arith.addi %mul3A_170, %add3A_416 : vector<16xi32>
      %gather3A_418 = tpu.vector_load_idx %arg26[%add3A_417] : memref<800xf32, #tpu.memory_space<vmem>>[vector<16xi32>], vector<16xf32>,
      %add3A_419 = arith.addf %add3A_409, %gather3A_418 : vector<16xf32>
      %add3A_420 = arith.constant 25 : i32
      %add3A_421 = vector.broadcast %add3A_420 : i32 to vector<16xi32>
      %add3A_422 = arith.addi %mul3A_170, %add3A_421 : vector<16xi32>
      %gather3A_423 = tpu.vector_load_idx %arg25[%add3A_422] : memref<800xf32, #tpu.memory_space<vmem>>[vector<16xi32>], vector<16xf32>,
      %add3A_424 = arith.addf %add3A_414, %gather3A_423 : vector<16xf32>
      %add3A_425 = arith.constant 25 : i32
      %add3A_426 = vector.broadcast %add3A_425 : i32 to vector<16xi32>
      %add3A_427 = arith.addi %mul3A_170, %add3A_426 : vector<16xi32>
      %gather3A_428 = tpu.vector_load_idx %arg26[%add3A_427] : memref<800xf32, #tpu.memory_space<vmem>>[vector<16xi32>], vector<16xf32>,
      %add3A_429 = arith.addf %add3A_419, %gather3A_428 : vector<16xf32>
      %add3A_430 = arith.constant 26 : i32
      %add3A_431 = vector.broadcast %add3A_430 : i32 to vector<16xi32>
      %add3A_432 = arith.addi %mul3A_170, %add3A_431 : vector<16xi32>
      %gather3A_433 = tpu.vector_load_idx %arg25[%add3A_432] : memref<800xf32, #tpu.memory_space<vmem>>[vector<16xi32>], vector<16xf32>,
      %add3A_434 = arith.addf %add3A_424, %gather3A_433 : vector<16xf32>
      %add3A_435 = arith.constant 26 : i32
      %add3A_436 = vector.broadcast %add3A_435 : i32 to vector<16xi32>
      %add3A_437 = arith.addi %mul3A_170, %add3A_436 : vector<16xi32>
      %gather3A_438 = tpu.vector_load_idx %arg26[%add3A_437] : memref<800xf32, #tpu.memory_space<vmem>>[vector<16xi32>], vector<16xf32>,
      %add3A_439 = arith.addf %add3A_429, %gather3A_438 : vector<16xf32>
      %add3A_440 = arith.constant 27 : i32
      %add3A_441 = vector.broadcast %add3A_440 : i32 to vector<16xi32>
      %add3A_442 = arith.addi %mul3A_170, %add3A_441 : vector<16xi32>
      %gather3A_443 = tpu.vector_load_idx %arg25[%add3A_442] : memref<800xf32, #tpu.memory_space<vmem>>[vector<16xi32>], vector<16xf32>,
      %add3A_444 = arith.addf %add3A_434, %gather3A_443 : vector<16xf32>
      %add3A_445 = arith.constant 27 : i32
      %add3A_446 = vector.broadcast %add3A_445 : i32 to vector<16xi32>
      %add3A_447 = arith.addi %mul3A_170, %add3A_446 : vector<16xi32>
      %gather3A_448 = tpu.vector_load_idx %arg26[%add3A_447] : memref<800xf32, #tpu.memory_space<vmem>>[vector<16xi32>], vector<16xf32>,
      %add3A_449 = arith.addf %add3A_439, %gather3A_448 : vector<16xf32>
      %add3A_450 = arith.constant 28 : i32
      %add3A_451 = vector.broadcast %add3A_450 : i32 to vector<16xi32>
      %add3A_452 = arith.addi %mul3A_170, %add3A_451 : vector<16xi32>
      %gather3A_453 = tpu.vector_load_idx %arg25[%add3A_452] : memref<800xf32, #tpu.memory_space<vmem>>[vector<16xi32>], vector<16xf32>,
      %add3A_454 = arith.addf %add3A_444, %gather3A_453 : vector<16xf32>
      %add3A_455 = arith.constant 28 : i32
      %add3A_456 = vector.broadcast %add3A_455 : i32 to vector<16xi32>
      %add3A_457 = arith.addi %mul3A_170, %add3A_456 : vector<16xi32>
      %gather3A_458 = tpu.vector_load_idx %arg26[%add3A_457] : memref<800xf32, #tpu.memory_space<vmem>>[vector<16xi32>], vector<16xf32>,
      %add3A_459 = arith.addf %add3A_449, %gather3A_458 : vector<16xf32>
      %add3A_460 = arith.constant 29 : i32
      %add3A_461 = vector.broadcast %add3A_460 : i32 to vector<16xi32>
      %add3A_462 = arith.addi %mul3A_170, %add3A_461 : vector<16xi32>
      %gather3A_463 = tpu.vector_load_idx %arg25[%add3A_462] : memref<800xf32, #tpu.memory_space<vmem>>[vector<16xi32>], vector<16xf32>,
      %add3A_464 = arith.addf %add3A_454, %gather3A_463 : vector<16xf32>
      %add3A_465 = arith.constant 29 : i32
      %add3A_466 = vector.broadcast %add3A_465 : i32 to vector<16xi32>
      %add3A_467 = arith.addi %mul3A_170, %add3A_466 : vector<16xi32>
      %gather3A_468 = tpu.vector_load_idx %arg26[%add3A_467] : memref<800xf32, #tpu.memory_space<vmem>>[vector<16xi32>], vector<16xf32>,
      %add3A_469 = arith.addf %add3A_459, %gather3A_468 : vector<16xf32>
      %add3A_470 = arith.constant 30 : i32
      %add3A_471 = vector.broadcast %add3A_470 : i32 to vector<16xi32>
      %add3A_472 = arith.addi %mul3A_170, %add3A_471 : vector<16xi32>
      %gather3A_473 = tpu.vector_load_idx %arg25[%add3A_472] : memref<800xf32, #tpu.memory_space<vmem>>[vector<16xi32>], vector<16xf32>,
      %add3A_474 = arith.addf %add3A_464, %gather3A_473 : vector<16xf32>
      %add3A_475 = arith.constant 30 : i32
      %add3A_476 = vector.broadcast %add3A_475 : i32 to vector<16xi32>
      %add3A_477 = arith.addi %mul3A_170, %add3A_476 : vector<16xi32>
      %gather3A_478 = tpu.vector_load_idx %arg26[%add3A_477] : memref<800xf32, #tpu.memory_space<vmem>>[vector<16xi32>], vector<16xf32>,
      %add3A_479 = arith.addf %add3A_469, %gather3A_478 : vector<16xf32>
      %add3A_480 = arith.constant 31 : i32
      %add3A_481 = vector.broadcast %add3A_480 : i32 to vector<16xi32>
      %add3A_482 = arith.addi %mul3A_170, %add3A_481 : vector<16xi32>
      %gather3A_483 = tpu.vector_load_idx %arg25[%add3A_482] : memref<800xf32, #tpu.memory_space<vmem>>[vector<16xi32>], vector<16xf32>,
      %add3A_484 = arith.addf %add3A_474, %gather3A_483 : vector<16xf32>
      %add3A_485 = arith.constant 31 : i32
      %add3A_486 = vector.broadcast %add3A_485 : i32 to vector<16xi32>
      %add3A_487 = arith.addi %mul3A_170, %add3A_486 : vector<16xi32>
      %gather3A_488 = tpu.vector_load_idx %arg26[%add3A_487] : memref<800xf32, #tpu.memory_space<vmem>>[vector<16xi32>], vector<16xf32>,
      %add3A_489 = arith.addf %add3A_479, %gather3A_488 : vector<16xf32>
      %add3A_490 = arith.constant 32 : i32
      %add3A_491 = vector.broadcast %add3A_490 : i32 to vector<16xi32>
      %add3A_492 = arith.addi %mul3A_170, %add3A_491 : vector<16xi32>
      %gather3A_493 = tpu.vector_load_idx %arg25[%add3A_492] : memref<800xf32, #tpu.memory_space<vmem>>[vector<16xi32>], vector<16xf32>,
      %add3A_494 = arith.addf %add3A_484, %gather3A_493 : vector<16xf32>
      %add3A_495 = arith.constant 32 : i32
      %add3A_496 = vector.broadcast %add3A_495 : i32 to vector<16xi32>
      %add3A_497 = arith.addi %mul3A_170, %add3A_496 : vector<16xi32>
      %gather3A_498 = tpu.vector_load_idx %arg26[%add3A_497] : memref<800xf32, #tpu.memory_space<vmem>>[vector<16xi32>], vector<16xf32>,
      %add3A_499 = arith.addf %add3A_489, %gather3A_498 : vector<16xf32>
      %add3A_500 = arith.constant 33 : i32
      %add3A_501 = vector.broadcast %add3A_500 : i32 to vector<16xi32>
      %add3A_502 = arith.addi %mul3A_170, %add3A_501 : vector<16xi32>
      %gather3A_503 = tpu.vector_load_idx %arg25[%add3A_502] : memref<800xf32, #tpu.memory_space<vmem>>[vector<16xi32>], vector<16xf32>,
      %add3A_504 = arith.addf %add3A_494, %gather3A_503 : vector<16xf32>
      %add3A_505 = arith.constant 33 : i32
      %add3A_506 = vector.broadcast %add3A_505 : i32 to vector<16xi32>
      %add3A_507 = arith.addi %mul3A_170, %add3A_506 : vector<16xi32>
      %gather3A_508 = tpu.vector_load_idx %arg26[%add3A_507] : memref<800xf32, #tpu.memory_space<vmem>>[vector<16xi32>], vector<16xf32>,
      %add3A_509 = arith.addf %add3A_499, %gather3A_508 : vector<16xf32>
      %add3A_510 = arith.constant 34 : i32
      %add3A_511 = vector.broadcast %add3A_510 : i32 to vector<16xi32>
      %add3A_512 = arith.addi %mul3A_170, %add3A_511 : vector<16xi32>
      %gather3A_513 = tpu.vector_load_idx %arg25[%add3A_512] : memref<800xf32, #tpu.memory_space<vmem>>[vector<16xi32>], vector<16xf32>,
      %add3A_514 = arith.addf %add3A_504, %gather3A_513 : vector<16xf32>
      %add3A_515 = arith.constant 34 : i32
      %add3A_516 = vector.broadcast %add3A_515 : i32 to vector<16xi32>
      %add3A_517 = arith.addi %mul3A_170, %add3A_516 : vector<16xi32>
      %gather3A_518 = tpu.vector_load_idx %arg26[%add3A_517] : memref<800xf32, #tpu.memory_space<vmem>>[vector<16xi32>], vector<16xf32>,
      %add3A_519 = arith.addf %add3A_509, %gather3A_518 : vector<16xf32>
      %add3A_520 = arith.constant 35 : i32
      %add3A_521 = vector.broadcast %add3A_520 : i32 to vector<16xi32>
      %add3A_522 = arith.addi %mul3A_170, %add3A_521 : vector<16xi32>
      %gather3A_523 = tpu.vector_load_idx %arg25[%add3A_522] : memref<800xf32, #tpu.memory_space<vmem>>[vector<16xi32>], vector<16xf32>,
      %add3A_524 = arith.addf %add3A_514, %gather3A_523 : vector<16xf32>
      %add3A_525 = arith.constant 35 : i32
      %add3A_526 = vector.broadcast %add3A_525 : i32 to vector<16xi32>
      %add3A_527 = arith.addi %mul3A_170, %add3A_526 : vector<16xi32>
      %gather3A_528 = tpu.vector_load_idx %arg26[%add3A_527] : memref<800xf32, #tpu.memory_space<vmem>>[vector<16xi32>], vector<16xf32>,
      %add3A_529 = arith.addf %add3A_519, %gather3A_528 : vector<16xf32>
      %add3A_530 = arith.constant 36 : i32
      %add3A_531 = vector.broadcast %add3A_530 : i32 to vector<16xi32>
      %add3A_532 = arith.addi %mul3A_170, %add3A_531 : vector<16xi32>
      %gather3A_533 = tpu.vector_load_idx %arg25[%add3A_532] : memref<800xf32, #tpu.memory_space<vmem>>[vector<16xi32>], vector<16xf32>,
      %add3A_534 = arith.addf %add3A_524, %gather3A_533 : vector<16xf32>
      %add3A_535 = arith.constant 36 : i32
      %add3A_536 = vector.broadcast %add3A_535 : i32 to vector<16xi32>
      %add3A_537 = arith.addi %mul3A_170, %add3A_536 : vector<16xi32>
      %gather3A_538 = tpu.vector_load_idx %arg26[%add3A_537] : memref<800xf32, #tpu.memory_space<vmem>>[vector<16xi32>], vector<16xf32>,
      %add3A_539 = arith.addf %add3A_529, %gather3A_538 : vector<16xf32>
      %add3A_540 = arith.constant 37 : i32
      %add3A_541 = vector.broadcast %add3A_540 : i32 to vector<16xi32>
      %add3A_542 = arith.addi %mul3A_170, %add3A_541 : vector<16xi32>
      %gather3A_543 = tpu.vector_load_idx %arg25[%add3A_542] : memref<800xf32, #tpu.memory_space<vmem>>[vector<16xi32>], vector<16xf32>,
      %add3A_544 = arith.addf %add3A_534, %gather3A_543 : vector<16xf32>
      %add3A_545 = arith.constant 37 : i32
      %add3A_546 = vector.broadcast %add3A_545 : i32 to vector<16xi32>
      %add3A_547 = arith.addi %mul3A_170, %add3A_546 : vector<16xi32>
      %gather3A_548 = tpu.vector_load_idx %arg26[%add3A_547] : memref<800xf32, #tpu.memory_space<vmem>>[vector<16xi32>], vector<16xf32>,
      %add3A_549 = arith.addf %add3A_539, %gather3A_548 : vector<16xf32>
      %add3A_550 = arith.constant 38 : i32
      %add3A_551 = vector.broadcast %add3A_550 : i32 to vector<16xi32>
      %add3A_552 = arith.addi %mul3A_170, %add3A_551 : vector<16xi32>
      %gather3A_553 = tpu.vector_load_idx %arg25[%add3A_552] : memref<800xf32, #tpu.memory_space<vmem>>[vector<16xi32>], vector<16xf32>,
      %add3A_554 = arith.addf %add3A_544, %gather3A_553 : vector<16xf32>
      %add3A_555 = arith.constant 38 : i32
      %add3A_556 = vector.broadcast %add3A_555 : i32 to vector<16xi32>
      %add3A_557 = arith.addi %mul3A_170, %add3A_556 : vector<16xi32>
      %gather3A_558 = tpu.vector_load_idx %arg26[%add3A_557] : memref<800xf32, #tpu.memory_space<vmem>>[vector<16xi32>], vector<16xf32>,
      %add3A_559 = arith.addf %add3A_549, %gather3A_558 : vector<16xf32>
      %add3A_560 = arith.constant 39 : i32
      %add3A_561 = vector.broadcast %add3A_560 : i32 to vector<16xi32>
      %add3A_562 = arith.addi %mul3A_170, %add3A_561 : vector<16xi32>
      %gather3A_563 = tpu.vector_load_idx %arg25[%add3A_562] : memref<800xf32, #tpu.memory_space<vmem>>[vector<16xi32>], vector<16xf32>,
      %add3A_564 = arith.addf %add3A_554, %gather3A_563 : vector<16xf32>
      %add3A_565 = arith.constant 39 : i32
      %add3A_566 = vector.broadcast %add3A_565 : i32 to vector<16xi32>
      %add3A_567 = arith.addi %mul3A_170, %add3A_566 : vector<16xi32>
      %gather3A_568 = tpu.vector_load_idx %arg26[%add3A_567] : memref<800xf32, #tpu.memory_space<vmem>>[vector<16xi32>], vector<16xf32>,
      %add3A_569 = arith.addf %add3A_559, %gather3A_568 : vector<16xf32>
      %add3A_570 = arith.constant 40 : i32
      %add3A_571 = vector.broadcast %add3A_570 : i32 to vector<16xi32>
      %add3A_572 = arith.addi %mul3A_170, %add3A_571 : vector<16xi32>
      %gather3A_573 = tpu.vector_load_idx %arg25[%add3A_572] : memref<800xf32, #tpu.memory_space<vmem>>[vector<16xi32>], vector<16xf32>,
      %add3A_574 = arith.addf %add3A_564, %gather3A_573 : vector<16xf32>
      %add3A_575 = arith.constant 40 : i32
      %add3A_576 = vector.broadcast %add3A_575 : i32 to vector<16xi32>
      %add3A_577 = arith.addi %mul3A_170, %add3A_576 : vector<16xi32>
      %gather3A_578 = tpu.vector_load_idx %arg26[%add3A_577] : memref<800xf32, #tpu.memory_space<vmem>>[vector<16xi32>], vector<16xf32>,
      %add3A_579 = arith.addf %add3A_569, %gather3A_578 : vector<16xf32>
      %add3A_580 = arith.constant 41 : i32
      %add3A_581 = vector.broadcast %add3A_580 : i32 to vector<16xi32>
      %add3A_582 = arith.addi %mul3A_170, %add3A_581 : vector<16xi32>
      %gather3A_583 = tpu.vector_load_idx %arg25[%add3A_582] : memref<800xf32, #tpu.memory_space<vmem>>[vector<16xi32>], vector<16xf32>,
      %add3A_584 = arith.addf %add3A_574, %gather3A_583 : vector<16xf32>
      %add3A_585 = arith.constant 41 : i32
      %add3A_586 = vector.broadcast %add3A_585 : i32 to vector<16xi32>
      %add3A_587 = arith.addi %mul3A_170, %add3A_586 : vector<16xi32>
      %gather3A_588 = tpu.vector_load_idx %arg26[%add3A_587] : memref<800xf32, #tpu.memory_space<vmem>>[vector<16xi32>], vector<16xf32>,
      %add3A_589 = arith.addf %add3A_579, %gather3A_588 : vector<16xf32>
      %add3A_590 = arith.constant 42 : i32
      %add3A_591 = vector.broadcast %add3A_590 : i32 to vector<16xi32>
      %add3A_592 = arith.addi %mul3A_170, %add3A_591 : vector<16xi32>
      %gather3A_593 = tpu.vector_load_idx %arg25[%add3A_592] : memref<800xf32, #tpu.memory_space<vmem>>[vector<16xi32>], vector<16xf32>,
      %add3A_594 = arith.addf %add3A_584, %gather3A_593 : vector<16xf32>
      %add3A_595 = arith.constant 42 : i32
      %add3A_596 = vector.broadcast %add3A_595 : i32 to vector<16xi32>
      %add3A_597 = arith.addi %mul3A_170, %add3A_596 : vector<16xi32>
      %gather3A_598 = tpu.vector_load_idx %arg26[%add3A_597] : memref<800xf32, #tpu.memory_space<vmem>>[vector<16xi32>], vector<16xf32>,
      %add3A_599 = arith.addf %add3A_589, %gather3A_598 : vector<16xf32>
      %add3A_600 = arith.constant 43 : i32
      %add3A_601 = vector.broadcast %add3A_600 : i32 to vector<16xi32>
      %add3A_602 = arith.addi %mul3A_170, %add3A_601 : vector<16xi32>
      %gather3A_603 = tpu.vector_load_idx %arg25[%add3A_602] : memref<800xf32, #tpu.memory_space<vmem>>[vector<16xi32>], vector<16xf32>,
      %add3A_604 = arith.addf %add3A_594, %gather3A_603 : vector<16xf32>
      %add3A_605 = arith.constant 43 : i32
      %add3A_606 = vector.broadcast %add3A_605 : i32 to vector<16xi32>
      %add3A_607 = arith.addi %mul3A_170, %add3A_606 : vector<16xi32>
      %gather3A_608 = tpu.vector_load_idx %arg26[%add3A_607] : memref<800xf32, #tpu.memory_space<vmem>>[vector<16xi32>], vector<16xf32>,
      %add3A_609 = arith.addf %add3A_599, %gather3A_608 : vector<16xf32>
      %add3A_610 = arith.constant 44 : i32
      %add3A_611 = vector.broadcast %add3A_610 : i32 to vector<16xi32>
      %add3A_612 = arith.addi %mul3A_170, %add3A_611 : vector<16xi32>
      %gather3A_613 = tpu.vector_load_idx %arg25[%add3A_612] : memref<800xf32, #tpu.memory_space<vmem>>[vector<16xi32>], vector<16xf32>,
      %add3A_614 = arith.addf %add3A_604, %gather3A_613 : vector<16xf32>
      %add3A_615 = arith.constant 44 : i32
      %add3A_616 = vector.broadcast %add3A_615 : i32 to vector<16xi32>
      %add3A_617 = arith.addi %mul3A_170, %add3A_616 : vector<16xi32>
      %gather3A_618 = tpu.vector_load_idx %arg26[%add3A_617] : memref<800xf32, #tpu.memory_space<vmem>>[vector<16xi32>], vector<16xf32>,
      %add3A_619 = arith.addf %add3A_609, %gather3A_618 : vector<16xf32>
      %add3A_620 = arith.constant 45 : i32
      %add3A_621 = vector.broadcast %add3A_620 : i32 to vector<16xi32>
      %add3A_622 = arith.addi %mul3A_170, %add3A_621 : vector<16xi32>
      %gather3A_623 = tpu.vector_load_idx %arg25[%add3A_622] : memref<800xf32, #tpu.memory_space<vmem>>[vector<16xi32>], vector<16xf32>,
      %add3A_624 = arith.addf %add3A_614, %gather3A_623 : vector<16xf32>
      %add3A_625 = arith.constant 45 : i32
      %add3A_626 = vector.broadcast %add3A_625 : i32 to vector<16xi32>
      %add3A_627 = arith.addi %mul3A_170, %add3A_626 : vector<16xi32>
      %gather3A_628 = tpu.vector_load_idx %arg26[%add3A_627] : memref<800xf32, #tpu.memory_space<vmem>>[vector<16xi32>], vector<16xf32>,
      %add3A_629 = arith.addf %add3A_619, %gather3A_628 : vector<16xf32>
      %add3A_630 = arith.constant 46 : i32
      %add3A_631 = vector.broadcast %add3A_630 : i32 to vector<16xi32>
      %add3A_632 = arith.addi %mul3A_170, %add3A_631 : vector<16xi32>
      %gather3A_633 = tpu.vector_load_idx %arg25[%add3A_632] : memref<800xf32, #tpu.memory_space<vmem>>[vector<16xi32>], vector<16xf32>,
      %add3A_634 = arith.addf %add3A_624, %gather3A_633 : vector<16xf32>
      %add3A_635 = arith.constant 46 : i32
      %add3A_636 = vector.broadcast %add3A_635 : i32 to vector<16xi32>
      %add3A_637 = arith.addi %mul3A_170, %add3A_636 : vector<16xi32>
      %gather3A_638 = tpu.vector_load_idx %arg26[%add3A_637] : memref<800xf32, #tpu.memory_space<vmem>>[vector<16xi32>], vector<16xf32>,
      %add3A_639 = arith.addf %add3A_629, %gather3A_638 : vector<16xf32>
      %add3A_640 = arith.constant 47 : i32
      %add3A_641 = vector.broadcast %add3A_640 : i32 to vector<16xi32>
      %add3A_642 = arith.addi %mul3A_170, %add3A_641 : vector<16xi32>
      %gather3A_643 = tpu.vector_load_idx %arg25[%add3A_642] : memref<800xf32, #tpu.memory_space<vmem>>[vector<16xi32>], vector<16xf32>,
      %add3A_644 = arith.addf %add3A_634, %gather3A_643 : vector<16xf32>
      %add3A_645 = arith.constant 47 : i32
      %add3A_646 = vector.broadcast %add3A_645 : i32 to vector<16xi32>
      %add3A_647 = arith.addi %mul3A_170, %add3A_646 : vector<16xi32>
      %gather3A_648 = tpu.vector_load_idx %arg26[%add3A_647] : memref<800xf32, #tpu.memory_space<vmem>>[vector<16xi32>], vector<16xf32>,
      %add3A_649 = arith.addf %add3A_639, %gather3A_648 : vector<16xf32>
      %add3A_650 = arith.constant 48 : i32
      %add3A_651 = vector.broadcast %add3A_650 : i32 to vector<16xi32>
      %add3A_652 = arith.addi %mul3A_170, %add3A_651 : vector<16xi32>
      %gather3A_653 = tpu.vector_load_idx %arg25[%add3A_652] : memref<800xf32, #tpu.memory_space<vmem>>[vector<16xi32>], vector<16xf32>,
      %add3A_654 = arith.addf %add3A_644, %gather3A_653 : vector<16xf32>
      %add3A_655 = arith.constant 48 : i32
      %add3A_656 = vector.broadcast %add3A_655 : i32 to vector<16xi32>
      %add3A_657 = arith.addi %mul3A_170, %add3A_656 : vector<16xi32>
      %gather3A_658 = tpu.vector_load_idx %arg26[%add3A_657] : memref<800xf32, #tpu.memory_space<vmem>>[vector<16xi32>], vector<16xf32>,
      %add3A_659 = arith.addf %add3A_649, %gather3A_658 : vector<16xf32>
      %add3A_660 = arith.constant 49 : i32
      %add3A_661 = vector.broadcast %add3A_660 : i32 to vector<16xi32>
      %add3A_662 = arith.addi %mul3A_170, %add3A_661 : vector<16xi32>
      %gather3A_663 = tpu.vector_load_idx %arg25[%add3A_662] : memref<800xf32, #tpu.memory_space<vmem>>[vector<16xi32>], vector<16xf32>,
      %add3A_664 = arith.addf %add3A_654, %gather3A_663 : vector<16xf32>
      %add3A_665 = arith.constant 49 : i32
      %add3A_666 = vector.broadcast %add3A_665 : i32 to vector<16xi32>
      %add3A_667 = arith.addi %mul3A_170, %add3A_666 : vector<16xi32>
      %gather3A_668 = tpu.vector_load_idx %arg26[%add3A_667] : memref<800xf32, #tpu.memory_space<vmem>>[vector<16xi32>], vector<16xf32>,
      %add3A_669 = arith.addf %add3A_659, %gather3A_668 : vector<16xf32>
      %mul3A_670 = arith.constant 16 : i32
      %mul3A_671 = arith.muli %add3A_42, %mul3A_670 : i32
      %swap3A_672 = arith.index_cast %mul3A_671 : i32 to index
      %swap3A_673 = tpu.vector_load %arg27[%swap3A_672] {strides = array<i32>} : memref<128xf32, #tpu.memory_space<vmem>>, vector<16xf32>,
      tpu.vector_store %arg27[%swap3A_672], %add3A_664 {strides = array<i32>} : memref<128xf32, #tpu.memory_space<vmem>>, vector<16xf32>,
      %mul3A_674 = arith.constant 16 : i32
      %mul3A_675 = arith.muli %add3A_42, %mul3A_674 : i32
      %swap3A_676 = arith.index_cast %mul3A_675 : i32 to index
      %swap3A_677 = tpu.vector_load %arg28[%swap3A_676] {strides = array<i32>} : memref<128xf32, #tpu.memory_space<vmem>>, vector<16xf32>,
      tpu.vector_store %arg28[%swap3A_676], %add3A_669 {strides = array<i32>} : memref<128xf32, #tpu.memory_space<vmem>>, vector<16xf32>,
    }
    %scan3A_35 = arith.constant 8 : i32
    %mul3A_36 = arith.constant 128 : i32
    %mul3A_37 = arith.muli %add3A, %mul3A_36 : i32
    "tpu.region"() ({
      %run_scoped3A = tpu.sem_alloc : memref<!tpu.dma_semaphore, #tpu.memory_space<semaphore_mem>>
      %dma_start3A_38 = tpu.memref_slice %arg10[%mul3A_37] : memref<4096xf32, #tpu.memory_space<hbm>> -> memref<128xf32, #tpu.memory_space<hbm>>
      %dma_start3A_39 = tpu.memref_slice %arg10[%mul3A_37] : memref<4096xf32, #tpu.memory_space<hbm>> -> memref<128xf32, #tpu.memory_space<hbm>>
      tpu.enqueue_dma source(%arg27 : memref<128xf32, #tpu.memory_space<vmem>>) target(%dma_start3A_39 : memref<128xf32, #tpu.memory_space<hbm>>) target_semaphore(%run_scoped3A : memref<!tpu.dma_semaphore, #tpu.memory_space<semaphore_mem>>)
      %dma_wait3A_40 = tpu.memref_slice %arg10[%mul3A_37] : memref<4096xf32, #tpu.memory_space<hbm>> -> memref<128xf32, #tpu.memory_space<hbm>>
      %dma_wait3A_41 = tpu.memref_slice %arg10[%mul3A_37] : memref<4096xf32, #tpu.memory_space<hbm>> -> memref<128xf32, #tpu.memory_space<hbm>>
      tpu.wait_dma2 semaphore(%run_scoped3A : memref<!tpu.dma_semaphore, #tpu.memory_space<semaphore_mem>>) src(%arg27 : memref<128xf32, #tpu.memory_space<vmem>>) dst(%dma_wait3A_41 : memref<128xf32, #tpu.memory_space<hbm>>)
      tpu.yield
    }) : () -> ()
    "tpu.region"() ({
      %run_scoped3A = tpu.sem_alloc : memref<!tpu.dma_semaphore, #tpu.memory_space<semaphore_mem>>
      %dma_start3A_38 = tpu.memref_slice %arg11[%mul3A_37] : memref<4096xf32, #tpu.memory_space<hbm>> -> memref<128xf32, #tpu.memory_space<hbm>>
      %dma_start3A_39 = tpu.memref_slice %arg11[%mul3A_37] : memref<4096xf32, #tpu.memory_space<hbm>> -> memref<128xf32, #tpu.memory_space<hbm>>
      tpu.enqueue_dma source(%arg28 : memref<128xf32, #tpu.memory_space<vmem>>) target(%dma_start3A_39 : memref<128xf32, #tpu.memory_space<hbm>>) target_semaphore(%run_scoped3A : memref<!tpu.dma_semaphore, #tpu.memory_space<semaphore_mem>>)
      %dma_wait3A_40 = tpu.memref_slice %arg11[%mul3A_37] : memref<4096xf32, #tpu.memory_space<hbm>> -> memref<128xf32, #tpu.memory_space<hbm>>
      %dma_wait3A_41 = tpu.memref_slice %arg11[%mul3A_37] : memref<4096xf32, #tpu.memory_space<hbm>> -> memref<128xf32, #tpu.memory_space<hbm>>
      tpu.wait_dma2 semaphore(%run_scoped3A : memref<!tpu.dma_semaphore, #tpu.memory_space<semaphore_mem>>) src(%arg28 : memref<128xf32, #tpu.memory_space<vmem>>) dst(%dma_wait3A_41 : memref<128xf32, #tpu.memory_space<hbm>>)
      tpu.yield
    }) : () -> ()
    return
  }
}

</mosaic_0001>

<sc_bundles>
// kernel: kernel.3.cloned.1.call-start
scs
__scs_entry_jumppad:
0x0: {  	(pc) =	sbr.rel $0x88, $3  }
0x1: {  	(tag) =	ssettag $0x0;
	lr =	simm.s32 $0x1  }
0x2: {  	[smem:$0x3F99] =	sst lr;
	_ =	strace $0xD0000000  }
0x3: {  	_ = 	snop  }
0x4: {  	_ = 	snop  }
0x5: {  	_ = 	snop  }
0x6: {  	_ = 	snop  }
0x7: {  	_ = 	snop  }
__scs_overlays_trampoline_lowered:
0x8: {  	[smem:$0x3FA8] =	sst s0  }
0x9: {  	[smem:$0x3FA9] =	sst s1  }
0xa: {  	[smem:$0x3FAA] =	sst s2  }
0xb: {  	[smem:$0x3FAB] =	sst s3  }
0xc: {  	[smem:$0x3FAC] =	sst s4  }
0xd: {  	[smem:$0x3FAD] =	sst s5  }
0xe: {  	[smem:$0x3FAE] =	sst s6  }
0xf: {  	[smem:$0x3FAF] =	sst s7  }
0x10: {  	[smem:$0x3FB0] =	sst s8  }
0x11: {  	[smem:$0x3FB1] =	sst s9;
	s0 =	simm.s32 @!p0 $0x0  }
0x12: {  	s1 =	sld [smem:$0x3F97];
	s0 =	simm.s32 @p0 $0x1  }
0x13: {  	[smem:$0x3FB2] =	sst s0;
	s0 =	simm.s32 @!p1 $0x0  }
0x14: {  	s2 =	sld [smem:$0x3F96];
	s0 =	simm.s32 @p1 $0x1  }
0x15: {  	[smem:$0x3FB3] =	sst s0;
	s0 =	simm.s32 @!p2 $0x0  }
0x16: {  	s3 =	sld [smem:$0x3FDB];
	s0 =	simm.s32 @p2 $0x1  }
0x17: {  	s4 =	simm.s32 $0x1BF5;
	[smem:$0x3FB5] =	sst s0  }
0x18: {  	s0 =	sld [smem:$0x3F98];
	_ =	swait.ge [sflag:s4], $0x0  }
0x19: {  	s7 =	sld [smem:$0x3F99]  }
0x1a: {  	s8 =	sadd.s32 $0xFFFFE003, lr  }
0x1b: {  	s9 =	sadd.s32 $0xFFFFFEF7, lr;
	s5 =	simm.s32 $0xFFFFFFFF;
	p2 =	slt.u32 s8, $0xFFFFF086  }
0x1c: {  	p1 =	slt.u32 s9, $0xF7A;
	s5 =	simm.s32 @!p2 $0x0  }
0x1d: {  	s5 =	simm.s32 @p1 $0x1;
	p0 =	seq.s32 s7, s2  }
0x1e: {  	s7 =	smul.u32 @!p0 $0xF7A, s2;
	p2 =	seq.s32 @!p0 s5, $0x0  }
0x1f: {  	s9 =	smul.u32 $0xF7A, s1;
	s8 =	simm.s32 @!p0 $0x1BF5;
	p2 =	por !p2, p0  }
0x20: {  	[sflag:s8] =	ssyncset.s32 @!p0 $0xFFFFF086;
	s6 =	sadd.s32 @!p0 s3, s7;
	s7 =	simm.s32 @!p0 $0x108  }
0x21: {  	s3 =	sadd.s32 s3, s9;
	s6 =	sadd.s32 @!p0 $0x88, s6;
	s7 =	simm.s32 @p2 $0x1082  }
0x22: {  	[simem:s7], [sflag:s8] =	dma.local @!p0 [hbm:s6], $0xF7A  }
0x23: {  	s9 =	sor.u32 $0xD0000000, s2;
	s6 =	simm.s32 $0x108;
	_ =	swait.ge @!p0 [sflag:s8], $0x0  }
0x24: {  	s3 =	sadd.s32 $0x88, s3;
	s6 =	simm.s32 @!p1 $0x1082;
	[sflag:s4] =	ssyncset.s32 $0xFFFFF086  }
0x25: {  	[simem:s6], [sflag:s4] =	dma.local [hbm:s3], $0xF7A  }
0x26: {  	[smem:$0x3F99] =	sst s1;
	(tag) =	ssettag s2;
	_ =	strace s9  }
0x27: {  	s1 =	sld [smem:$0x3FA9]  }
0x28: {  	s2 =	sld [smem:$0x3FAA]  }
0x29: {  	s4 =	sld [smem:$0x3FAC]  }
0x2a: {  	p0 =	seq.s32 s5, $0x0;
	s5 =	sld [smem:$0x3FAD]  }
0x2b: {  	s6 =	sld [smem:$0x3FAE]  }
0x2c: {  	s7 =	sld [smem:$0x3FAF]  }
0x2d: {  	s3 =	simm.s32 $0x108;
	s8 =	sld [smem:$0x3FB0]  }
0x2e: {  	s3 =	simm.s32 @!p0 $0x1082;
	s9 =	sld [smem:$0x3FB1]  }
0x2f: {  	lr =	sadd.s32 s0, s3;
	s0 =	sld [smem:$0x3FA8]  }
0x30: {  	s3 =	sld [smem:$0x3FAB]  }
0x31: {  	[smem:$0x3FB4] =	sst s10  }
0x32: {  	s10 =	sld [smem:$0x3FB2];
	_ =	sdelay $0x3  }
0x33: {  	p0 =	seq.s32 s10, $0x1;
	s10 =	sld [smem:$0x3FB4];
	_ =	sdelay $0x3  }
0x34: {  	[smem:$0x3FB4] =	sst s10  }
0x35: {  	s10 =	sld [smem:$0x3FB3];
	_ =	sdelay $0x3  }
0x36: {  	p1 =	seq.s32 s10, $0x1;
	s10 =	sld [smem:$0x3FB4];
	_ =	sdelay $0x3  }
0x37: {  	[smem:$0x3FB4] =	sst s10  }
0x38: {  	s10 =	sld [smem:$0x3FB5]  }
0x39: {  	_ = 	snop;
	(pc) =	sbr.ind lr, $3  }
0x3a: {  	_ = 	snop  }
0x3b: {  	_ = 	snop  }
0x3c: {  	p2 =	seq.s32 s10, $0x1;
	s10 =	sld [smem:$0x3FB4]  }
0x3d: {  	_ =	shalt  }
0x3e: {  	_ =	shalt  }
0x3f: {  	_ =	shalt  }
0x40: {  	_ =	shalt  }
0x41: {  	_ =	shalt  }
0x42: {  	_ =	shalt  }
0x43: {  	_ =	shalt  }
0x44: {  	_ =	shalt  }
0x45: {  	_ =	shalt  }
0x46: {  	_ =	shalt  }
0x47: {  	_ =	shalt  }
0x48: {  	_ =	shalt  }
0x49: {  	_ =	shalt  }
0x4a: {  	_ =	shalt  }
0x4b: {  	_ =	shalt  }
0x4c: {  	_ =	shalt  }
0x4d: {  	_ =	shalt  }
0x4e: {  	_ =	shalt  }
0x4f: {  	_ =	shalt  }
0x50: {  	_ =	shalt  }
0x51: {  	_ =	shalt  }
0x52: {  	_ =	shalt  }
0x53: {  	_ =	shalt  }
0x54: {  	_ =	shalt  }
0x55: {  	_ =	shalt  }
0x56: {  	_ =	shalt  }
0x57: {  	_ =	shalt  }
0x58: {  	_ =	shalt  }
0x59: {  	_ =	shalt  }
0x5a: {  	_ =	shalt  }
0x5b: {  	_ =	shalt  }
0x5c: {  	_ =	shalt  }
0x5d: {  	_ =	shalt  }
0x5e: {  	_ =	shalt  }
0x5f: {  	_ =	shalt  }
0x60: {  	_ =	shalt  }
0x61: {  	_ =	shalt  }
0x62: {  	_ =	shalt  }
0x63: {  	_ =	shalt  }
0x64: {  	_ =	shalt  }
0x65: {  	_ =	shalt  }
0x66: {  	_ =	shalt  }
0x67: {  	_ =	shalt  }
0x68: {  	_ =	shalt  }
0x69: {  	_ =	shalt  }
0x6a: {  	_ =	shalt  }
0x6b: {  	_ =	shalt  }
0x6c: {  	_ =	shalt  }
0x6d: {  	_ =	shalt  }
0x6e: {  	_ =	shalt  }
0x6f: {  	_ =	shalt  }
0x70: {  	_ =	shalt  }
0x71: {  	_ =	shalt  }
0x72: {  	_ =	shalt  }
0x73: {  	_ =	shalt  }
0x74: {  	_ =	shalt  }
0x75: {  	_ =	shalt  }
0x76: {  	_ =	shalt  }
0x77: {  	_ =	shalt  }
0x78: {  	_ =	shalt  }
0x79: {  	_ =	shalt  }
0x7a: {  	_ =	shalt  }
0x7b: {  	_ =	shalt  }
0x7c: {  	_ =	shalt  }
0x7d: {  	_ =	shalt  }
0x7e: {  	_ =	shalt  }
0x7f: {  	_ =	shalt  }
0x80: {  	_ =	shalt  }
0x81: {  	_ =	shalt  }
0x82: {  	_ =	shalt  }
0x83: {  	_ =	shalt  }
0x84: {  	_ =	shalt  }
0x85: {  	_ =	shalt  }
0x86: {  	_ =	shalt  }
0x87: {  	_ =	shalt  }
.Lfunc_end0:
.L_simem_size_0:
called_computation_lowered:
.L_overlay_start_0:
0x88: {  	s2 =	sld [smem:$0x3FD9]  }
0x89: {  	s3 =	sld [smem:$0x3FFE];
	_ =	sdelay $0x1  }
0x8a: {  	s1 =	srdreg.scid  }
0x8b: {  	s0 =	sand.u32 $0x1, s1  }
0x8c: {  	s14 =	sshll.u32 s0, $0xA;
	s2 =	sadd.s32 s3, s2  }
0x8d: {  	s2 =	sadd.s32 s2, s14  }
0x8e: {  	[smem:$0x3FC0] =	sst s2  }
0x8f: {  	_ = 	snop  }
0x90: {  	s2 =	sld [smem:$0x3FD0];
	_ =	sdelay $0x1  }
0x91: {  	s15 =	sld [smem:$0x3FC3]  }
0x92: {  	s5 =	simm.s32 $0xA;
	s6 =	simm.s32 $0x10;
	s4 =	sld [smem:$0x3FC2]  }
0x93: {  	[smem:s6], [sflag:s5] =	dma.local [hbm:s2], $0x1  }
0x94: {  	_ =	swait.eq [sflag:s5], $0x1  }
0x95: {  	[sflag:s5] =	ssyncset.done $0x0  }
0x96: {  	s16 =	sld [smem:$0x10];
	[sflag:s5] =	ssyncadd.s32 $0xFFFFFFFF  }
0x97: {  	s17 =	sld [smem:$0x11];
	(tm) =	ssettm $0x1  }
0x98: {  	s18 =	sld [smem:$0x3FFB];
	_ =	sdelay $0x3  }
0x99: {  	_ =	strace s18  }
0x9a: {  	s6 =	sld [smem:$0x3FFC];
	_ =	sdelay $0x3  }
0x9b: {  	_ =	strace s6  }
0x9c: {  	s6 =	sld [smem:$0x3FFD];
	_ =	sdelay $0x3  }
0x9d: {  	_ =	strace s6  }
0x9e: {  	_ =	strace $0x8FFFFFFF  }
0x9f: {  	s19 =	sld [smem:$0x3FDB];
	_ =	sdelay $0x1  }
0xa0: {  	s7 =	simm.s32 $_scs_section_size  }
0xa1: {  	s8 =	simm.s32 $_size__tile_overlayer_lowered;
	s9 =	simm.s32 $_tile_overlayer_lowered  }
0xa2: {  	s22 =	simm.s32 $0x1BFF;
	s21 =	sshll.u32 s9, $0x1;
	s6 =	sadd.s32 s7, s19  }
0xa3: {  	s10 =	simm.s32 $0x0;
	s20 =	sshll.u32 s8, $0x1;
	s8 =	sadd.s32 s21, s6  }
0xa4: {  	[timem:s10], [sflag:s22] =	dma.local [hbm:s8], s20  }
0xa5: {  	_ =	swait.ge [sflag:s22], s20  }
0xa6: {  	s7 =	ssub.s32 $0x0, s20;
	[sflag:s22] =	ssyncset.done $0x0  }
0xa7: {  	[sflag:s22] =	ssyncadd.s32 s7;
	_ =	sdelay $0x1  }
0xa8: {  	s23 =	simm.s32 $0x1B8B  }
0xa9: {  	_ =	swait.ge [sflag:s23], $0x1  }
0xaa: {  	[sflag:s23] =	ssyncset.done $0x0  }
0xab: {  	s25 =	simm.s32 $0x1B8E;
	s24 =	sld [smem:$0x3FFE];
	[sflag:s23] =	ssyncadd.s32 $0xFFFFFFFF  }
0xac: {  	s26 =	simm.s32 $execute0_lowered;
	[smem:$0x3FD2] =	sst s25  }
0xad: {  	s8 =	sshll.u32 s26, $0x1;
	_ =	strace $0x80000046;
	[dreg:$0x1] =	wrdreg $0xFFFFFFFF  }
0xae: {  	s28 =	simm.s32 $_size_execute0_lowered;
	s6 =	sadd.s32 s6, s8;
	[dreg:$0x0] =	wrdreg $0x0  }
0xaf: {  	s8 =	sshll.u32 s28, $0x1;
	[dreg:$0x2] =	wrdreg s6  }
0xb0: {  	[dreg:$0x3] =	wrdreg s8  }
0xb1: {  	[dreg:$0x4] =	wrdreg $0xC0  }
0xb2: {  	_ =	task [dreg:s10], $0x5FFFF  }
0xb3: {  	[dreg:$0x1] =	wrdreg $0xFFFFFFFF  }
0xb4: {  	[dreg:$0x0] =	wrdreg $0x60  }
0xb5: {  	[dreg:$0x2] =	wrdreg s24  }
0xb6: {  	[dreg:$0x3] =	wrdreg s15  }
0xb7: {  	[dreg:$0x4] =	wrdreg s4  }
0xb8: {  	[dreg:$0x5] =	wrdreg s16  }
0xb9: {  	[dreg:$0x6] =	wrdreg s17  }
0xba: {  	[dreg:$0x7] =	wrdreg $0x9  }
0xbb: {  	_ =	task.clear_ibuf [dreg:s10], $0x8FFFF;
	_ =	strace $0x90000046  }
0xbc: {  	s29 =	simm.s32 $0x9;
	_ =	strace $0x80000048  }
0xbd: {  	_ =	swait.ge [sflag:s29], $0x1  }
0xbe: {  	[sflag:s29] =	ssyncadd.s32 $0xFFFFFFFF  }
0xbf: {  	_ =	strace $0x90000048  }
0xc0: {  	_ =	sfence  }
0xc1: {  	s30 =	sld [smem:$0x0];
	_ =	sdelay $0x2  }
0xc2: {  	s31 =	sshll.u32 s1, $0xD;
	s1 =	sshrl.u32 s1, $0x2  }
0xc3: {  	s3 =	sand.u32 $0x4000, s31;
	s1 =	sadd.s32 s1, s30  }
0xc4: {  	s0 =	sor.u32 s3, s0;
	s1 =	sshll.u32 s1, $0x11  }
0xc5: {  	s0 =	sor.u32 s1, s0  }
0xc6: {  	s0 =	sadd.s32 $0x8F2B, s0  }
0xc7: {  	[sflag:s0] =	ssyncadd.remote.s32 $0x1  }
0xc8: {  	_ =	sfence.sel $0xFFFF  }
0xc9: {  	[dreg:$0x0] =	wrdreg $0xFFFFFFFF;
	(pc) =	sbr.abs _section_cstart, $3  }
0xca: {  	[dreg:$0x1] =	wrdreg $0xFFFFFFFF  }
0xcb: {  	_ =	task.clear_ibuf [dreg:s10], $0x2FFFF;
	_ =	strace $0x9FFFFFFF  }
0xcc: {  	(tm) =	ssettm $0x7FFFFFFF  }
0xcd: {  	_ =	shalt  }
tec
execute0_lowered:
.L_overlay_start_1:
0x0: {  	(tag) =	ssettag $0x1  }
0x1: {  	s0 =	rddreg [dreg:$0x0]  }
0x2: {  	s1 =	rddreg [dreg:$0x1]  }
0x3: {  	s2 =	rddreg [dreg:$0x2];
	s3 =	srdreg.scid  }
0x4: {  	s5 =	stileid.u32;
	s4 =	rddreg [dreg:$0x3]  }
0x5: {  	s7 =	rddreg [dreg:$0x4];
	s11 =	simm.s32 $0x0;
	s17 =	simm.s32 $0x1  }
0x6: {  	s18 =	simm.s32 $0x6400;
	s19 =	simm.s32 $0x4B00;
	s20 =	simm.s32 $0x6720  }
0x7: {  	s21 =	simm.s32 $0x50;
	s22 =	simm.s32 $0x73A0;
	s23 =	simm.s32 $0xD7A0  }
0x8: {  	s24 =	simm.s32 $0x13DA0;
	s16 =	simm.s32 $0x0;
	s3 =	sand.u32 $0x1, s3  }
0x9: {  	s5 =	sshll.u32 s5, $0x1;
	[smem:$0x7FF] =	sst s11;
	s6 =	sadd.s32 $0xF43400, s0  }
0xa: {  	s8 =	sor.u32 s3, s5;
	s3 =	ssub.s32 $0x2, s3;
	_ =	strace $0x80000047  }
0xb: {  	s5 =	smul.u32 $0x320, s8;
	s10 =	sshrl.u32 s3, $0x1;
	s29 =	sshll.u32 s8, $0x4  }
0xc: {  	s8 =	simm.s32 $0x0;
	s25 =	ssub.s32 s3, s10;
	s4 =	sadd.s32 s4, s29  }
0xd: {  	v0 =	vlaneseq.u32;
	s3 =	sadd.s32 s7, s29;
	s9 =	sadd.s32 s5, s0;
	[dreg:$0xa] =	wrdreg s4  }
0xe: {  	v1 =	vmul.u32 $0x32, v0;
	s5 =	sadd.s32 $0x1313E00, s0;
	[dreg:$0xb] =	wrdreg s3;
	s0 =	smax.u32 s25, $0x1  }
.Ltmp0:
0xf: {  	v3 =	vimm.s32 $0x0;
	s26 =	sadd.s32 $0x13C00, s9;
	[dreg:$0xc] =	wrdreg s0;
	(pc) =	sbr.rel .LBB2_1-.Ltmp0, $4  }
0x10: {  	v4 =	vimm.f32 $1.000000000e+00;
	v2 =	vor.u32 $0x1, v1;
	v6 =	vadd.s32 $0x2, v1;
	s7 =	simm.s32 $0x2;
	s28 =	sadd.s32 $0xD800, s9;
	[dreg:$0x6] =	wrdreg s26  }
0x11: {  	v7 =	vadd.s32 $0x3, v1;
	v8 =	vadd.s32 $0x4, v1;
	v9 =	vadd.s32 $0x5, v1;
	s25 =	simm.s32 $0x140C0;
	s30 =	sadd.s32 $0x7400, s9;
	[dreg:$0x7] =	wrdreg s28  }
0x12: {  	v10 =	vadd.s32 $0x6, v1;
	v11 =	vadd.s32 $0x7, v1;
	v12 =	vadd.s32 $0x8, v1;
	s3 =	simm.s32 $0x143F0;
	s31 =	sadd.s32 $0x1000, s9;
	[dreg:$0x8] =	wrdreg s30  }
0x13: {  	v13 =	vadd.s32 $0x9, v1;
	v14 =	vadd.s32 $0xA, v1;
	v15 =	vadd.s32 $0xB, v1;
	[tilespmem:$0x1FFF0] =	vst v2;
	s0 =	simm.s32 $0x14710;
	[dreg:$0x9] =	wrdreg s31;
	s26 =	simm.s32 $0x6630  }
.LBB2_33:
0x14: {  	s11 =	simm.s32 $0x0;
	s4 =	rddreg [dreg:$0xa];
	s7 =	simm.s32 $0x14A30  }
0x15: {  	[hbm4b:s4+s11] =	stream.linear.scatter [tilespmem:s7], [sflag:$0x2], $0x80, $0x38;
	[tilespmem:$0x14B30] =	vst v63  }
0x16: {  	s7 =	simm.s32 $0x2  }
0x17: {  	_ =	swait.ge [sflag:s7], $0x80  }
0x18: {  	[sflag:s7] =	ssyncset.done $0x0  }
0x19: {  	s8 =	simm.s32 $0x14AB0;
	s29 =	rddreg [dreg:$0xb];
	[sflag:s7] =	ssyncadd.s32 $0xFFFFFF80  }
0x1a: {  	[hbm4b:s29+s11] =	stream.linear.scatter [tilespmem:s8], [sflag:$0x2], $0x80, $0x38;
	[tilespmem:$0x14B30] =	vst v63  }
0x1b: {  	_ =	swait.ge [sflag:s7], $0x80  }
0x1c: {  	s30 =	rddreg [dreg:$0xd]  }
0x1d: {  	s31 =	rddreg [dreg:$0xc];
	s8 =	sadd.s32 $0x1, s30  }
0x1e: {  	p0 =	sne.s32 s8, s31  }
.Ltmp1:
0x1f: {  	_ = 	snop;
	(pc) =	sbr.rel @!p0 .LBB2_34-.Ltmp1, $3  }
0x20: {  	_ =	sdelay $0x1  }
0x21: {  	[sflag:s7] =	ssyncset.done $0x0  }
0x22: {  	[sflag:s7] =	ssyncadd.s32 $0xFFFFFF80  }
.LBB2_1:
0x23: {  	[dreg:$0xd] =	wrdreg s8;
	s4 =	simm.s32 $0x13BA0  }
0x24: {  	[tilespmem:s4], [sflag:$0x2] =	stream.linear.gather [hbm4b:s5+s11], $0x20, $0x38;
	[tilespmem:$0x14B30] =	vst v63  }
0x25: {  	_ =	swait.ge [sflag:s7], $0x20  }
0x26: {  	[sflag:s7] =	ssyncset.done $0x0  }
0x27: {  	s31 =	simm.s32 $0x143E0;
	[sflag:s7] =	ssyncadd.s32 $0xFFFFFFE0  }
0x28: {  	[tilespmem:s31], [sflag:$0x2] =	stream.linear.gather [hbm4b:s1+s11], $0x8, $0x38;
	[tilespmem:$0x14B30] =	vst v63  }
0x29: {  	_ =	swait.ge [sflag:s7], $0x8  }
0x2a: {  	[sflag:s7] =	ssyncset.done $0x0  }
0x2b: {  	v2 =	vimm.f32 $0.0e+00;
	[sflag:s7] =	ssyncadd.s32 $0xFFFFFFF8  }
0x2c: {  	[tilespmem:$0x73A0] =	vst v2  }
0x2d: {  	[tilespmem:$0x73B0] =	vst v2  }
0x2e: {  	s4 =	simm.s32 $0x40;
	s7 =	simm.s32 $0x0;
	[tilespmem:$0x13DA0] =	vst v2  }
.LBB2_2:
0x2f: {  	p0 =	sne.s32 s4, $0xC40;
	[tilespmem:s7+$0x6400] =	vst v3;
	s7 =	smov.u32 s4;
	s4 =	sadd.s32 $0x40, s4  }
.Ltmp2:
0x30: {  	(pc) =	sbr.rel @p0 .LBB2_2-.Ltmp2, $2  }
0x31: {  	_ =	sdelay $0x2  }
0x32: {  	s7 =	sshra.s32 s7, $0x2  }
0x33: {  	[tilespmem:s7+$0x6400] =	vst v3;
	s4 =	rddreg [dreg:$0x6]  }
0x34: {  	[tilespmem:s16], [sflag:$0x1] =	stream.linear.gather [hbm4b:s4+s16], $0x1900, $0x38;
	[tilespmem:$0x14B30] =	vst v63  }
0x35: {  	s7 =	simm.s32 $0x1900;
	s29 =	rddreg [dreg:$0x7]  }
0x36: {  	[tilespmem:s7], [sflag:$0x1] =	stream.linear.gather [hbm4b:s29+s16], $0x1900, $0x38;
	[tilespmem:$0x14B30] =	vst v63  }
0x37: {  	s8 =	simm.s32 $0x3200;
	s30 =	rddreg [dreg:$0x8]  }
0x38: {  	[tilespmem:s8], [sflag:$0x1] =	stream.linear.gather [hbm4b:s30+s16], $0x1900, $0x38;
	[tilespmem:$0x14B30] =	vst v63  }
0x39: {  	s15 =	simm.s32 $0x4B00;
	s31 =	rddreg [dreg:$0x9]  }
0x3a: {  	[tilespmem:s15], [sflag:$0x1] =	stream.linear.gather [hbm4b:s31+s16], $0x1900, $0x38;
	[tilespmem:$0x14B30] =	vst v63  }
0x3b: {  	_ =	swait.ge [sflag:s17], $0x1900  }
0x3c: {  	[sflag:s17] =	ssyncset.done $0x0  }
0x3d: {  	[sflag:s17] =	ssyncadd.s32 $0xFFFFE700  }
0x3e: {  	_ =	swait.ge [sflag:s17], $0x1900  }
0x3f: {  	[sflag:s17] =	ssyncset.done $0x0  }
0x40: {  	[sflag:s17] =	ssyncadd.s32 $0xFFFFE700  }
0x41: {  	_ =	swait.ge [sflag:s17], $0x1900  }
0x42: {  	[sflag:s17] =	ssyncset.done $0x0  }
0x43: {  	[sflag:s17] =	ssyncadd.s32 $0xFFFFE700  }
0x44: {  	_ =	swait.ge [sflag:s17], $0x1900  }
0x45: {  	[sflag:s17] =	ssyncset.done $0x0  }
0x46: {  	s10 =	simm.s32 $0x0;
	s11 =	simm.s32 $0x0;
	[sflag:s17] =	ssyncadd.s32 $0xFFFFE700  }
.LBB2_4:
0x47: {  	v16 =	vld [tilespmem:s15+$0x0];
	_ =	sdelay $0x4  }
0x48: {  	vm0 =	veq.s32 v16, $0x0  }
0x49: {  	v17 =	vsel vm0, $0x1, v3  }
0x4a: {  	(xrf0) =	vadd.scan.msk.s32 $0xffff, v17;
	_ =	sdelay $0x4  }
0x4b: {  	v17 =	vsel vm0, $0xFFFFFFFF, v3  }
0x4c: {  	v17 =	vadd.s32 s16, v17;
	v18, _, _ =	vpop (xrf0)  }
0x4d: {  	s4 =	simm.s32 $0x6720;
	v19 =	vor.u32 s16, v0;
	v17 =	vadd.s32 v18, v17;
	(v2sf) =	vpush v18, $0xF  }
0x4e: {  	v18 =	vmul.u32 $0xC28F5C29, v19;
	[tilespmem:s4+$0x0] =	vst v17  }
0x4f: {  	v19 =	vld [tilespmem:s10+$0x0]  }
0x50: {  	v20 =	vshll.u32 v18, $0x1F;
	v18 =	vshrl.u32 v18, $0x1  }
0x51: {  	v18 =	vor.u32 v20, v18  }
0x52: {  	vm1 =	vne.s32 v16, $0x0;
	vm2 =	vle.u32 v18, $0x51EB851  }
0x53: {  	vm1 =	vmor vm2, vm1  }
0x54: {  	s12 =	simm.s32 $0x7080;
	v16 =	vsel vm1, $0x0, v4;
	[tilespmem:v17+s18+$0x0] =	vst.idx.msk vm0, v19  }
0x55: {  	s28 =	simm.s32 $0x10;
	s13 =	sadd.s32 $0x10, s15;
	[tilespmem:s12+$0x0] =	vst v16  }
0x56: {  	v16 =	vor.u32 s28, v0;
	v17 =	vld [tilespmem:s13+$0x0]  }
0x57: {  	v16 =	vmul.u32 $0xC28F5C29, v16;
	_ =	sdelay $0x1  }
0x58: {  	v18 =	vshll.u32 v16, $0x1F;
	v16 =	vshrl.u32 v16, $0x1  }
0x59: {  	v16 =	vor.u32 v18, v16  }
0x5a: {  	s9 =	smul.u32 $0x320, s11;
	s30 =	simm.s32 $0x20;
	s29 =	simm.s32 $0x0;
	vm2 =	vle.u32 v16, $0x51EB851;
	vm1 =	vne.s32 v17, $0x0;
	vm0 =	veq.s32 v17, $0x0  }
0x5b: {  	s12 =	simm.s32 $0x7090;
	s28 =	sadd.s32 $0x10, s10;
	v16 =	vsel vm0, $0x1, v3;
	vm1 =	vmor vm2, vm1;
	s31 =	spop (v2sf)  }
.LBB2_5:
0x5c: {  	s29 =	sadd.s32 s29, s31  }
0x5d: {  	(xrf0) =	vadd.scan.msk.s32 $0xffff, v16;
	s4 =	sadd.s32 $0x10, s4;
	s31 =	smov.u32 s30;
	s14 =	sadd.s32 $0x10, s30  }
0x5e: {  	p0 =	seq.s32 s30, $0x310;
	_ =	sdelay $0x3  }
0x5f: {  	v16 =	vsel vm0, $0xFFFFFFFF, v3  }
0x60: {  	v16 =	vadd.s32 s29, v16;
	v17, _, _ =	vpop (xrf0)  }
0x61: {  	v16 =	vadd.s32 v17, v16;
	(v2sf) =	vpush v17, $0xF  }
0x62: {  	[tilespmem:s4+$0x0] =	vst v16  }
0x63: {  	v17 =	vld [tilespmem:s28+$0x0];
	_ =	sdelay $0x4  }
0x64: {  	[tilespmem:v16+s18+$0x0] =	vst.idx.msk vm0, v17;
	v16 =	vsel vm1, $0x0, v4  }
0x65: {  	s13 =	sadd.s32 $0x10, s13;
	[tilespmem:s12+$0x0] =	vst v16  }
0x66: {  	v16 =	vor.u32 s31, v0;
	v17 =	vld [tilespmem:s13+$0x0]  }
0x67: {  	v16 =	vmul.u32 $0xC28F5C29, v16  }
.Ltmp3:
0x68: {  	(pc) =	sbr.rel @!p0 .LBB2_5-.Ltmp3, $4  }
0x69: {  	v18 =	vshll.u32 v16, $0x1F;
	v16 =	vshrl.u32 v16, $0x1  }
0x6a: {  	v16 =	vor.u32 v18, v16  }
0x6b: {  	s30 =	smov.u32 s14;
	vm2 =	vle.u32 v16, $0x51EB851;
	vm1 =	vne.s32 v17, $0x0;
	vm0 =	veq.s32 v17, $0x0  }
0x6c: {  	s28 =	sadd.s32 $0x10, s28;
	s12 =	sadd.s32 $0x10, s12;
	v16 =	vsel vm0, $0x1, v3;
	vm1 =	vmor vm2, vm1;
	s31 =	spop (v2sf)  }
0x6d: {  	(xrf0) =	vadd.scan.msk.s32 $0xffff, v16;
	_ =	sdelay $0x4  }
0x6e: {  	s13 =	sadd.s32 s29, s31;
	v17 =	vsel vm0, $0xFFFFFFFF, v3  }
0x6f: {  	v17 =	vadd.s32 s13, v17;
	v16, _, _ =	vpop (xrf0)  }
0x70: {  	s4 =	sadd.s32 $0x10, s4;
	(v2sf) =	vpush v16, $0xF;
	v16 =	vadd.s32 v16, v17  }
0x71: {  	[tilespmem:s4+$0x0] =	vst v16  }
0x72: {  	v17 =	vld [tilespmem:s28+$0x0];
	_ =	sdelay $0x3  }
0x73: {  	s14 =	simm.s32 $0x0  }
0x74: {  	[tilespmem:v16+s18+$0x0] =	vst.idx.msk vm0, v17;
	v16 =	vsel vm1, $0x0, v4;
	v17 =	vor.u32 s14, v0  }
0x75: {  	[tilespmem:s12+$0x0] =	vst v16;
	v18 =	vmulhi.u32 $0x51EB851F, v17  }
0x76: {  	v19 =	vld [tilespmem:s15+$0x0]  }
0x77: {  	v18 =	vshrl.u32 v18, $0x4  }
0x78: {  	v20 =	vld [tilespmem:s7+$0x0];
	v18 =	vmul.u32 $0x32, v18;
	_ =	sdelay $0x1  }
0x79: {  	v17 =	vsub.s32 v17, v18  }
0x7a: {  	vm12 =	vne.s32 v19, $0x0;
	vm13 =	veq.s32 v17, $0x0  }
0x7b: {  	vm0 =	vmor vm13, vm12  }
0x7c: {  	v17 =	vsel vm0, $0x0, v20  }
0x7d: {  	v16 =	vmov s9;
	v17 =	vadd.s32 v18, v17  }
0x7e: {  	v19 =	vld [tilespmem:s8+$0x0];
	v20 =	vadd.s32 v16, v17;
	_ =	sdelay $0x4  }
0x7f: {  	v19 =	vsel vm0, $0x0, v19;
	v20 =	vld.idx.msk [tilespmem:v20+s19+$0x0], $0xffff  }
0x80: {  	v18 =	vadd.s32 v18, v19;
	v17 =	vld.idx.msk [tilespmem:v17+s20+$0x0], $0xffff  }
0x81: {  	v19 =	vadd.s32 v16, v18;
	_ =	sdelay $0x2  }
0x82: {  	vm14 =	veq.s32 v20, $0x0  }
0x83: {  	s12 =	simm.s32 $0x6A40;
	v17 =	vnsel vm14, $0x320, v17  }
0x84: {  	v19 =	vld.idx.msk [tilespmem:v19+s19+$0x0], $0xffff;
	[tilespmem:s12+$0x0] =	vst v17  }
0x85: {  	v18 =	vld.idx.msk [tilespmem:v18+s20+$0x0], $0xffff;
	_ =	sdelay $0x2  }
0x86: {  	s30 =	simm.s32 $0x20;
	s31 =	spop (v2sf)  }
0x87: {  	s29 =	smov.u32 s15;
	s4 =	sadd.s32 s13, s31;
	s31 =	simm.s32 $0x10;
	vm15 =	veq.s32 v19, $0x0  }
0x88: {  	s28 =	smov.u32 s7;
	s9 =	simm.s32 $0x6D60;
	s13 =	smov.u32 s8;
	v17 =	vor.u32 s31, v0;
	v18 =	vnsel vm15, $0x320, v18  }
.LBB2_7:
0x89: {  	p0 =	sne.s32 s30, $0x310;
	v19 =	vmulhi.u32 $0x51EB851F, v17;
	[tilespmem:s9+$0x0] =	vst v18;
	s29 =	sadd.s32 $0x10, s29  }
0x8a: {  	v18 =	vld [tilespmem:s29+$0x0]  }
0x8b: {  	s28 =	sadd.s32 $0x10, s28;
	v19 =	vshrl.u32 v19, $0x4  }
0x8c: {  	v19 =	vmul.u32 $0x32, v19;
	v20 =	vld [tilespmem:s28+$0x0];
	_ =	sdelay $0x1  }
0x8d: {  	v17 =	vsub.s32 v17, v19  }
0x8e: {  	vm0 =	vne.s32 v18, $0x0;
	vm1 =	veq.s32 v17, $0x0  }
0x8f: {  	vm0 =	vmor vm1, vm0  }
0x90: {  	v17 =	vsel vm0, $0x0, v20  }
0x91: {  	v17 =	vadd.s32 v19, v17  }
0x92: {  	s13 =	sadd.s32 $0x10, s13;
	v18 =	vadd.s32 v16, v17  }
0x93: {  	v20 =	vld [tilespmem:s13+$0x0];
	_ =	sdelay $0x3  }
0x94: {  	v18 =	vld.idx.msk [tilespmem:v18+s19+$0x0], $0xffff  }
0x95: {  	v20 =	vsel vm0, $0x0, v20;
	v17 =	vld.idx.msk [tilespmem:v17+s20+$0x0], $0xffff  }
0x96: {  	v19 =	vadd.s32 v19, v20  }
0x97: {  	v20 =	vadd.s32 v16, v19;
	_ =	sdelay $0x2  }
0x98: {  	vm0 =	veq.s32 v18, $0x0  }
0x99: {  	s12 =	sadd.s32 $0x10, s12;
	v17 =	vnsel vm0, $0x320, v17  }
0x9a: {  	v18 =	vld.idx.msk [tilespmem:v20+s19+$0x0], $0xffff;
	[tilespmem:s12+$0x0] =	vst v17  }
0x9b: {  	v19 =	vld.idx.msk [tilespmem:v19+s20+$0x0], $0xffff;
	_ =	sdelay $0x1  }
.Ltmp4:
0x9c: {  	(pc) =	sbr.rel @p0 .LBB2_7-.Ltmp4, $3  }
0x9d: {  	_ =	sdelay $0x1  }
0x9e: {  	vm0 =	veq.s32 v18, $0x0  }
0x9f: {  	s9 =	sadd.s32 $0x10, s9;
	v17 =	vor.u32 s30, v0;
	s30 =	sadd.s32 $0x10, s30;
	v18 =	vnsel vm0, $0x320, v19  }
0xa0: {  	v19 =	vmulhi.u32 $0x51EB851F, v17;
	[tilespmem:s9+$0x0] =	vst v18;
	s14 =	sadd.s32 $0x10, s29  }
0xa1: {  	v18 =	vld [tilespmem:s14+$0x0]  }
0xa2: {  	s30 =	sadd.s32 $0x10, s28;
	v19 =	vshrl.u32 v19, $0x4  }
0xa3: {  	v20 =	vld [tilespmem:s30+$0x0];
	v19 =	vmul.u32 $0x32, v19;
	_ =	sdelay $0x1  }
0xa4: {  	v17 =	vsub.s32 v17, v19  }
0xa5: {  	vm0 =	vne.s32 v18, $0x0;
	vm1 =	veq.s32 v17, $0x0  }
0xa6: {  	vm0 =	vmor vm1, vm0  }
0xa7: {  	v17 =	vsel vm0, $0x0, v20  }
0xa8: {  	s13 =	sadd.s32 $0x10, s13;
	v17 =	vadd.s32 v19, v17  }
0xa9: {  	v62 =	vld [tilespmem:s13+$0x0];
	v63 =	vadd.s32 v16, v17;
	_ =	sdelay $0x4  }
0xaa: {  	v18 =	vsel vm0, $0x0, v62;
	v20 =	vld.idx.msk [tilespmem:v63+s19+$0x0], $0xffff  }
0xab: {  	v18 =	vadd.s32 v19, v18;
	v17 =	vld.idx.msk [tilespmem:v17+s20+$0x0], $0xffff  }
0xac: {  	v16 =	vadd.s32 v16, v18;
	_ =	sdelay $0x2  }
0xad: {  	vm14 =	veq.s32 v20, $0x0  }
0xae: {  	s12 =	sadd.s32 $0x10, s12;
	v17 =	vnsel vm14, $0x320, v17  }
0xaf: {  	v16 =	vld.idx.msk [tilespmem:v16+s19+$0x0], $0xffff;
	[tilespmem:s12+$0x0] =	vst v17  }
0xb0: {  	v17 =	vld.idx.msk [tilespmem:v18+s20+$0x0], $0xffff  }
0xb1: {  	p0 =	slt.s32 s4, $0x1  }
.Ltmp5:
0xb2: {  	_ = 	snop;
	(pc) =	sbr.rel @p0 .LBB2_30-.Ltmp5, $4  }
0xb3: {  	_ = 	snop  }
0xb4: {  	vm15 =	veq.s32 v16, $0x0  }
0xb5: {  	s31 =	sadd.s32 $0x10, s9;
	v16 =	vnsel vm15, $0x320, v17  }
0xb6: {  	[tilespmem:s31+$0x0] =	vst v16  }
0xb7: {  	[tilespmem:s22], [sflag:$0x1] =	stream.indirect.gather [hbm4b:s6+s21], $0x20, s18, s21, $0xb8;
	[tilespmem:$0x14B30] =	vst v63  }
0xb8: {  	_ = 	snop  }
0xb9: {  	[tilespmem:s23], [sflag:$0x1] =	stream.indirect.gather [hbm4b:s5+s21], $0x20, s18, s21, $0xb8;
	[tilespmem:$0x14B30] =	vst v63  }
0xba: {  	_ = 	snop  }
0xbb: {  	[tilespmem:s24], [sflag:$0x1] =	stream.indirect.gather [hbm4b:s2+s21], $0x1, s18, s21, $0xb8;
	[tilespmem:$0x14B30] =	vst v63  }
0xbc: {  	p2 =	slt.u32 s4, $0x51  }
0xbd: {  	[tilespmem:s25], [sflag:$0x1] =	stream.indirect.gather [hbm4b:s1+s21], $0x1, s18, s21, $0xb8;
	[tilespmem:$0x14B30] =	vst v63  }
0xbe: {  	s9 =	simm.s32 @!p2 $0x50;
	s12 =	simm.s32 @!p2 $0x6450;
	s13 =	simm.s32 @!p2 $0x7DA0  }
0xbf: {  	[tilespmem:s13], [sflag:$0x1] =	stream.indirect.gather @!p2 [hbm4b:s6+s9], $0x20, s12, s9, $0xb8;
	[tilespmem:$0x14B30] =	vst v63  }
0xc0: {  	s13 =	simm.s32 @!p2 $0xE1A0  }
0xc1: {  	[tilespmem:s13], [sflag:$0x1] =	stream.indirect.gather @!p2 [hbm4b:s5+s9], $0x20, s12, s9, $0xb8;
	[tilespmem:$0x14B30] =	vst v63  }
0xc2: {  	s13 =	simm.s32 @!p2 $0x13DF0  }
0xc3: {  	[tilespmem:s13], [sflag:$0x1] =	stream.indirect.gather @!p2 [hbm4b:s2+s9], $0x1, s12, s9, $0xb8;
	[tilespmem:$0x14B30] =	vst v63  }
0xc4: {  	p1 =	slt.u32 @!p2 s4, $0xA1;
	s13 =	simm.s32 @!p2 $0x14110  }
0xc5: {  	[tilespmem:s13], [sflag:$0x1] =	stream.indirect.gather @!p2 [hbm4b:s1+s9], $0x1, s12, s9, $0xb8;
	[tilespmem:$0x14B30] =	vst v63  }
0xc6: {  	p0 =	por p2, p2;
	p2 =	por p2, p1  }
0xc7: {  	s9 =	simm.s32 @!p2 $0x50;
	s12 =	simm.s32 @!p2 $0x64A0;
	s13 =	simm.s32 @!p2 $0x87A0  }
0xc8: {  	[tilespmem:s13], [sflag:$0x1] =	stream.indirect.gather @!p2 [hbm4b:s6+s9], $0x20, s12, s9, $0xb8;
	[tilespmem:$0x14B30] =	vst v63  }
0xc9: {  	s13 =	simm.s32 @!p2 $0xEBA0  }
0xca: {  	[tilespmem:s13], [sflag:$0x1] =	stream.indirect.gather @!p2 [hbm4b:s5+s9], $0x20, s12, s9, $0xb8;
	[tilespmem:$0x14B30] =	vst v63  }
0xcb: {  	p1 =	slt.u32 @!p2 s4, $0xF1;
	s13 =	simm.s32 @!p2 $0x13E40  }
0xcc: {  	[tilespmem:s13], [sflag:$0x1] =	stream.indirect.gather @!p2 [hbm4b:s2+s9], $0x1, s12, s9, $0xb8;
	[tilespmem:$0x14B30] =	vst v63  }
0xcd: {  	p3 =	por p2, p1;
	s13 =	simm.s32 @!p2 $0x14160  }
0xce: {  	[tilespmem:s13], [sflag:$0x1] =	stream.indirect.gather @!p2 [hbm4b:s1+s9], $0x1, s12, s9, $0xb8;
	[tilespmem:$0x14B30] =	vst v63  }
0xcf: {  	s9 =	simm.s32 @!p3 $0x50;
	s12 =	simm.s32 @!p3 $0x64F0;
	s13 =	simm.s32 @!p3 $0x91A0  }
0xd0: {  	[tilespmem:s13], [sflag:$0x1] =	stream.indirect.gather @!p3 [hbm4b:s6+s9], $0x20, s12, s9, $0xb8;
	[tilespmem:$0x14B30] =	vst v63  }
0xd1: {  	s13 =	simm.s32 @!p3 $0xF5A0  }
0xd2: {  	[tilespmem:s13], [sflag:$0x1] =	stream.indirect.gather @!p3 [hbm4b:s5+s9], $0x20, s12, s9, $0xb8;
	[tilespmem:$0x14B30] =	vst v63  }
0xd3: {  	p1 =	slt.u32 @!p3 s4, $0x141;
	s13 =	simm.s32 @!p3 $0x13E90  }
0xd4: {  	[tilespmem:s13], [sflag:$0x1] =	stream.indirect.gather @!p3 [hbm4b:s2+s9], $0x1, s12, s9, $0xb8;
	[tilespmem:$0x14B30] =	vst v63  }
0xd5: {  	p4 =	por p3, p1;
	s13 =	simm.s32 @!p3 $0x141B0  }
0xd6: {  	[tilespmem:s13], [sflag:$0x1] =	stream.indirect.gather @!p3 [hbm4b:s1+s9], $0x1, s12, s9, $0xb8;
	[tilespmem:$0x14B30] =	vst v63  }
0xd7: {  	s9 =	simm.s32 @!p4 $0x50;
	s12 =	simm.s32 @!p4 $0x6540;
	s13 =	simm.s32 @!p4 $0x9BA0  }
0xd8: {  	[tilespmem:s13], [sflag:$0x1] =	stream.indirect.gather @!p4 [hbm4b:s6+s9], $0x20, s12, s9, $0xb8;
	[tilespmem:$0x14B30] =	vst v63  }
0xd9: {  	s13 =	simm.s32 @!p4 $0xFFA0  }
0xda: {  	[tilespmem:s13], [sflag:$0x1] =	stream.indirect.gather @!p4 [hbm4b:s5+s9], $0x20, s12, s9, $0xb8;
	[tilespmem:$0x14B30] =	vst v63  }
0xdb: {  	p1 =	slt.u32 @!p4 s4, $0x191;
	s13 =	simm.s32 @!p4 $0x13EE0  }
0xdc: {  	[tilespmem:s13], [sflag:$0x1] =	stream.indirect.gather @!p4 [hbm4b:s2+s9], $0x1, s12, s9, $0xb8;
	[tilespmem:$0x14B30] =	vst v63  }
0xdd: {  	p5 =	por p4, p1;
	s13 =	simm.s32 @!p4 $0x14200  }
0xde: {  	[tilespmem:s13], [sflag:$0x1] =	stream.indirect.gather @!p4 [hbm4b:s1+s9], $0x1, s12, s9, $0xb8;
	[tilespmem:$0x14B30] =	vst v63  }
0xdf: {  	s9 =	simm.s32 @!p5 $0x50;
	s12 =	simm.s32 @!p5 $0x6590;
	s13 =	simm.s32 @!p5 $0xA5A0  }
0xe0: {  	[tilespmem:s13], [sflag:$0x1] =	stream.indirect.gather @!p5 [hbm4b:s6+s9], $0x20, s12, s9, $0xb8;
	[tilespmem:$0x14B30] =	vst v63  }
0xe1: {  	s13 =	simm.s32 @!p5 $0x109A0  }
0xe2: {  	[tilespmem:s13], [sflag:$0x1] =	stream.indirect.gather @!p5 [hbm4b:s5+s9], $0x20, s12, s9, $0xb8;
	[tilespmem:$0x14B30] =	vst v63  }
0xe3: {  	p1 =	slt.u32 @!p5 s4, $0x1E1;
	s13 =	simm.s32 @!p5 $0x13F30  }
0xe4: {  	[tilespmem:s13], [sflag:$0x1] =	stream.indirect.gather @!p5 [hbm4b:s2+s9], $0x1, s12, s9, $0xb8;
	[tilespmem:$0x14B30] =	vst v63  }
0xe5: {  	p1 =	por p5, p1;
	s13 =	simm.s32 @!p5 $0x14250  }
0xe6: {  	[tilespmem:s13], [sflag:$0x1] =	stream.indirect.gather @!p5 [hbm4b:s1+s9], $0x1, s12, s9, $0xb8;
	[tilespmem:$0x14B30] =	vst v63  }
0xe7: {  	s9 =	simm.s32 @!p1 $0x50;
	s12 =	simm.s32 @!p1 $0x65E0;
	s13 =	simm.s32 @!p1 $0xAFA0  }
0xe8: {  	[tilespmem:s13], [sflag:$0x1] =	stream.indirect.gather @!p1 [hbm4b:s6+s9], $0x20, s12, s9, $0xb8;
	[tilespmem:$0x14B30] =	vst v63  }
0xe9: {  	p6 =	slt.u32 @!p1 s4, $0x231;
	s13 =	simm.s32 @!p1 $0x113A0  }
0xea: {  	[tilespmem:s13], [sflag:$0x1] =	stream.indirect.gather @!p1 [hbm4b:s5+s9], $0x20, s12, s9, $0xb8;
	[tilespmem:$0x14B30] =	vst v63  }
0xeb: {  	p6 =	por p1, p6;
	s13 =	simm.s32 @!p1 $0x13F80  }
0xec: {  	[tilespmem:s13], [sflag:$0x1] =	stream.indirect.gather @!p1 [hbm4b:s2+s9], $0x1, s12, s9, $0xb8;
	[tilespmem:$0x14B30] =	vst v63  }
.Ltmp6:
0xed: {  	s13 =	simm.s32 @!p1 $0x142A0;
	(pc) =	sbr.rel @p6 .LBB2_10-.Ltmp6, $4  }
0xee: {  	[tilespmem:s13], [sflag:$0x1] =	stream.indirect.gather @!p1 [hbm4b:s1+s9], $0x1, s12, s9, $0xb8;
	[tilespmem:$0x14B30] =	vst v63  }
0xef: {  	s9 =	simm.s32 @!p0 $0x0  }
0xf0: {  	s9 =	simm.s32 @p0 $0x1  }
0xf1: {  	[smem:$0x7FD] =	sst s9  }
0xf2: {  	s9 =	simm.s32 $0xB9A0  }
0xf3: {  	[tilespmem:s9], [sflag:$0x1] =	stream.indirect.gather [hbm4b:s6+s21], $0x20, s26, s21, $0xb8;
	[tilespmem:$0x14B30] =	vst v63  }
0xf4: {  	s29 =	simm.s32 $0x11DA0  }
0xf5: {  	[tilespmem:s29], [sflag:$0x1] =	stream.indirect.gather [hbm4b:s5+s21], $0x20, s26, s21, $0xb8;
	[tilespmem:$0x14B30] =	vst v63  }
0xf6: {  	s30 =	simm.s32 $0x13FD0  }
0xf7: {  	[tilespmem:s30], [sflag:$0x1] =	stream.indirect.gather [hbm4b:s2+s21], $0x1, s26, s21, $0xb8;
	[tilespmem:$0x14B30] =	vst v63  }
0xf8: {  	s31 =	simm.s32 $0x142F0;
	p1 =	slt.u32 s4, $0x281  }
0xf9: {  	[tilespmem:s31], [sflag:$0x1] =	stream.indirect.gather [hbm4b:s1+s21], $0x1, s26, s21, $0xb8;
	[tilespmem:$0x14B30] =	vst v63  }
0xfa: {  	s9 =	simm.s32 @!p1 $0x50;
	s12 =	simm.s32 @!p1 $0x6680;
	s13 =	simm.s32 @!p1 $0xC3A0  }
0xfb: {  	[tilespmem:s13], [sflag:$0x1] =	stream.indirect.gather @!p1 [hbm4b:s6+s9], $0x20, s12, s9, $0xb8;
	[tilespmem:$0x14B30] =	vst v63  }
0xfc: {  	s13 =	simm.s32 @!p1 $0x127A0  }
0xfd: {  	[tilespmem:s13], [sflag:$0x1] =	stream.indirect.gather @!p1 [hbm4b:s5+s9], $0x20, s12, s9, $0xb8;
	[tilespmem:$0x14B30] =	vst v63  }
0xfe: {  	p2 =	slt.u32 @!p1 s4, $0x2D1;
	s13 =	simm.s32 @!p1 $0x14020  }
0xff: {  	[tilespmem:s13], [sflag:$0x1] =	stream.indirect.gather @!p1 [hbm4b:s2+s9], $0x1, s12, s9, $0xb8;
	[tilespmem:$0x14B30] =	vst v63  }
0x100: {  	p3 =	por p2, p1;
	s13 =	simm.s32 @!p1 $0x14340  }
0x101: {  	[tilespmem:s13], [sflag:$0x1] =	stream.indirect.gather @!p1 [hbm4b:s1+s9], $0x1, s12, s9, $0xb8;
	[tilespmem:$0x14B30] =	vst v63  }
0x102: {  	s4 =	simm.s32 @!p3 $0x50;
	s9 =	simm.s32 @!p3 $0x66D0;
	s12 =	simm.s32 @!p3 $0xCDA0  }
0x103: {  	[tilespmem:s12], [sflag:$0x1] =	stream.indirect.gather @!p3 [hbm4b:s6+s4], $0x20, s9, s4, $0xb8;
	[tilespmem:$0x14B30] =	vst v63  }
0x104: {  	s12 =	simm.s32 @!p3 $0x131A0  }
0x105: {  	[tilespmem:s12], [sflag:$0x1] =	stream.indirect.gather @!p3 [hbm4b:s5+s4], $0x20, s9, s4, $0xb8;
	[tilespmem:$0x14B30] =	vst v63  }
0x106: {  	s12 =	simm.s32 @!p3 $0x14070  }
0x107: {  	[tilespmem:s12], [sflag:$0x1] =	stream.indirect.gather @!p3 [hbm4b:s2+s4], $0x1, s9, s4, $0xb8;
	[tilespmem:$0x14B30] =	vst v63  }
0x108: {  	p6 =	por @!p1 $0x0, $0x0;
	p4 =	por @!p3 $0x1, $0x1;
	s12 =	simm.s32 @!p3 $0x14390  }
0x109: {  	[tilespmem:s12], [sflag:$0x1] =	stream.indirect.gather @!p3 [hbm4b:s1+s4], $0x1, s9, s4, $0xb8;
	[tilespmem:$0x14B30] =	vst v63  }
0x10a: {  	p2 =	por !p2, p1;
	p5 =	por p4, p4;
	p3 =	por @!p1 $0x1, $0x1  }
0x10b: {  	p4 =	por @!p2 p6, p6;
	p5 =	por @!p2 p3, p3;
	p2 =	por $0x0, $0x0  }
0x10c: {  	p2 =	por @!p1 p5, p5  }
0x10d: {  	p3 =	por $0x1, $0x1;
	s4 =	simm.s32 @!p2 $0x0  }
0x10e: {  	p3 =	por @!p1 p5, p5;
	s4 =	simm.s32 @p2 $0x1  }
0x10f: {  	p0 =	por $0x1, $0x1;
	[smem:$0x7FC] =	sst s4;
	s4 =	simm.s32 @!p3 $0x0  }
0x110: {  	p6 =	por $0x1, $0x1;
	p0 =	por @!p1 p5, p5;
	s4 =	simm.s32 @p3 $0x1  }
0x111: {  	p2 =	por $0x1, $0x1;
	[smem:$0x7F8] =	sst s4;
	s4 =	simm.s32 @!p0 $0x0  }
.Ltmp7:
0x112: {  	p2 =	por @!p1 p5, p5;
	s4 =	simm.s32 @p0 $0x1;
	(pc) =	sbr.rel .LBB2_12-.Ltmp7, $4  }
0x113: {  	p6 =	por @!p1 p5, p5;
	[smem:$0x7F9] =	sst s4;
	s4 =	simm.s32 @!p2 $0x0  }
0x114: {  	p3 =	por $0x0, $0x0;
	s4 =	simm.s32 @p2 $0x1;
	p2 =	por $0x1, $0x1  }
0x115: {  	p3 =	por @!p1 p4, p4;
	p0 =	por $0x1, $0x1;
	p2 =	por @!p1 p5, p5  }
0x116: {  	p0 =	por @!p1 p5, p5;
	[smem:$0x7FB] =	sst s4;
	p5 =	por p2, p2  }
.LBB2_10:
0x117: {  	p6 =	por $0x0, $0x0  }
0x118: {  	s9 =	sld [smem:$0x7FD];
	s4 =	simm.s32 @!p6 $0x0  }
0x119: {  	s12 =	sld [smem:$0x7FD];
	s4 =	simm.s32 @p6 $0x1  }
0x11a: {  	[smem:$0x7F6] =	sst s4  }
0x11b: {  	s13 =	sld [smem:$0x7F6];
	_ =	sdelay $0x1  }
0x11c: {  	p0 =	seq.s32 s9, $0x1;
	p6 =	seq.s32 s12, $0x1;
	s4 =	simm.s32 @!p2 $0x0  }
0x11d: {  	p0 =	por @!p0 $0x0, $0x0;
	s4 =	simm.s32 @p2 $0x1;
	p2 =	seq.s32 s13, $0x1  }
0x11e: {  	p2 =	por @!p6 p0, p0  }
0x11f: {  	[smem:$0x7F5] =	sst s4;
	s4 =	simm.s32 @!p2 $0x0  }
0x120: {  	s4 =	simm.s32 @p2 $0x1  }
0x121: {  	[smem:$0x7F6] =	sst s4  }
0x122: {  	s4 =	sld [smem:$0x7F6];
	_ =	sdelay $0x2  }
0x123: {  	p0 =	seq.s32 s4, $0x1  }
0x124: {  	s14 =	sld [smem:$0x7F5];
	s4 =	simm.s32 @!p0 $0x0  }
0x125: {  	s28 =	sld [smem:$0x7F5];
	s4 =	simm.s32 @p0 $0x1  }
0x126: {  	[smem:$0x7FA] =	sst s4  }
0x127: {  	s4 =	sld [smem:$0x7FA];
	_ =	sdelay $0x1  }
0x128: {  	p2 =	seq.s32 s14, $0x1  }
0x129: {  	p6 =	seq.s32 s28, $0x1;
	p2 =	por @!p2 $0x0, $0x0;
	p0 =	seq.s32 s4, $0x1  }
0x12a: {  	p0 =	por @!p6 p2, p2  }
0x12b: {  	s4 =	simm.s32 @!p0 $0x0  }
0x12c: {  	s4 =	simm.s32 @p0 $0x1  }
0x12d: {  	[smem:$0x7FA] =	sst s4  }
0x12e: {  	s4 =	sld [smem:$0x7FA];
	_ =	sdelay $0x2  }
0x12f: {  	p0 =	seq.s32 s4, $0x1  }
0x130: {  	s29 =	sld [smem:$0x7F5];
	s4 =	simm.s32 @!p0 $0x0  }
0x131: {  	s30 =	sld [smem:$0x7F6];
	s4 =	simm.s32 @p0 $0x1  }
0x132: {  	[smem:$0x7F9] =	sst s4  }
0x133: {  	s31 =	sld [smem:$0x7F9]  }
0x134: {  	p2 =	seq.s32 s29, $0x1  }
0x135: {  	p6 =	seq.s32 s30, $0x1;
	p0 =	por @!p2 $0x1, $0x1  }
0x136: {  	p6 =	por @!p2 p0, p0;
	p2 =	por @!p3 $0x0, $0x0;
	p0 =	seq.s32 s31, $0x1  }
0x137: {  	p0 =	por @!p3 p2, p2;
	p2 =	por @!p3 $0x1, $0x1  }
0x138: {  	p6 =	por @!p3 p2, p2  }
0x139: {  	s4 =	simm.s32 @!p6 $0x0  }
0x13a: {  	s9 =	sld [smem:$0x7FA];
	s4 =	simm.s32 @p6 $0x1  }
0x13b: {  	[smem:$0x7F6] =	sst s4;
	s4 =	simm.s32 @!p0 $0x0  }
0x13c: {  	s4 =	simm.s32 @p0 $0x1  }
0x13d: {  	[smem:$0x7FB] =	sst s4  }
0x13e: {  	p2 =	seq.s32 s9, $0x1;
	p6 =	por @!p3 $0x1, $0x1;
	s12 =	sld [smem:$0x7FB]  }
0x13f: {  	p2 =	por @!p3 p6, p6  }
0x140: {  	p3 =	por @!p4 $0x0, $0x0;
	s4 =	simm.s32 @!p2 $0x0  }
0x141: {  	s13 =	sld [smem:$0x7F6];
	s4 =	simm.s32 @p2 $0x1;
	p2 =	seq.s32 s12, $0x1  }
0x142: {  	[smem:$0x7FA] =	sst s4;
	p2 =	por @!p4 p3, p3  }
0x143: {  	s14 =	sld [smem:$0x7FA];
	p3 =	por @!p4 $0x1, $0x1;
	s4 =	simm.s32 @!p2 $0x0  }
0x144: {  	p6 =	seq.s32 s13, $0x1;
	p0 =	por @!p4 p3, p3;
	s4 =	simm.s32 @p2 $0x1  }
0x145: {  	p6 =	por @!p4 p3, p3;
	[smem:$0x7FB] =	sst s4;
	s4 =	simm.s32 @!p2 $0x0  }
0x146: {  	p3 =	por @!p4 $0x1, $0x1;
	s4 =	simm.s32 @p2 $0x1;
	p2 =	seq.s32 s14, $0x1  }
0x147: {  	p2 =	por @!p4 p3, p3  }
0x148: {  	[smem:$0x7F7] =	sst s4;
	s4 =	simm.s32 @!p2 $0x0  }
0x149: {  	s28 =	sld [smem:$0x7F7];
	s4 =	simm.s32 @p2 $0x1  }
0x14a: {  	[smem:$0x7FA] =	sst s4  }
0x14b: {  	s29 =	sld [smem:$0x7FA]  }
0x14c: {  	s30 =	sld [smem:$0x7FB];
	p2 =	por @!p5 $0x0, $0x0;
	p4 =	seq.s32 s28, $0x1  }
0x14d: {  	p3 =	por @!p5 $0x1, $0x1;
	p4 =	por @!p5 p2, p2;
	p2 =	por @!p5 $0x1, $0x1  }
0x14e: {  	p0 =	por @!p5 p2, p2;
	p6 =	por @!p5 p2, p2;
	p2 =	seq.s32 s29, $0x1  }
0x14f: {  	p2 =	por @!p5 p3, p3  }
0x150: {  	s4 =	simm.s32 @!p2 $0x0  }
0x151: {  	p3 =	seq.s32 s30, $0x1;
	s4 =	simm.s32 @p2 $0x1;
	p2 =	por @!p5 $0x1, $0x1  }
0x152: {  	p3 =	por @!p5 p2, p2;
	p5 =	por @!p1 $0x1, $0x1  }
0x153: {  	p2 =	por p4, p4;
	p4 =	por @!p1 p5, p5  }
0x154: {  	[smem:$0x7FA] =	sst s4;
	s4 =	simm.s32 @!p4 $0x0  }
0x155: {  	p0 =	por @!p1 p5, p5;
	s4 =	simm.s32 @p4 $0x1  }
0x156: {  	[smem:$0x7F8] =	sst s4;
	s4 =	simm.s32 @!p0 $0x0  }
0x157: {  	s31 =	sld [smem:$0x7FA];
	p3 =	por @!p1 p5, p5;
	s4 =	simm.s32 @p0 $0x1  }
0x158: {  	p4 =	por p2, p2;
	[smem:$0x7F9] =	sst s4;
	s4 =	simm.s32 @!p3 $0x0  }
0x159: {  	s4 =	simm.s32 @p3 $0x1;
	p3 =	por p2, p2;
	p2 =	por @!p1 $0x0, $0x0  }
0x15a: {  	p0 =	por p6, p6;
	p6 =	seq.s32 s31, $0x1;
	p4 =	por @!p1 p2, p2  }
0x15b: {  	p0 =	por @!p1 p5, p5;
	[smem:$0x7FB] =	sst s4;
	s4 =	simm.s32 @!p4 $0x0  }
0x15c: {  	p6 =	por @!p1 p5, p5;
	p5 =	por p3, p3;
	s4 =	simm.s32 @p4 $0x1  }
0x15d: {  	p3 =	por @!p1 p2, p2;
	p5 =	por @!p1 p2, p2;
	[smem:$0x7FC] =	sst s4  }
.LBB2_12:
0x15e: {  	_ =	swait.ge [sflag:s17], $0xA00  }
0x15f: {  	[sflag:s17] =	ssyncset.done $0x0  }
0x160: {  	[sflag:s17] =	ssyncadd.s32 $0xFFFFF600  }
0x161: {  	_ =	swait.ge [sflag:s17], $0xA00  }
0x162: {  	[sflag:s17] =	ssyncset.done $0x0  }
0x163: {  	[sflag:s17] =	ssyncadd.s32 $0xFFFFF600  }
0x164: {  	_ =	swait.ge [sflag:s17], $0x50  }
0x165: {  	[sflag:s17] =	ssyncset.done $0x0  }
0x166: {  	[sflag:s17] =	ssyncadd.s32 $0xFFFFFFB0  }
0x167: {  	_ =	swait.ge [sflag:s17], $0x50  }
0x168: {  	s4 =	sld [smem:$0x7FD];
	_ =	sdelay $0x2  }
0x169: {  	p1 =	seq.s32 s4, $0x1  }
.Ltmp8:
0x16a: {  	_ = 	snop;
	(pc) =	sbr.rel @p1 .LBB2_21-.Ltmp8, $3  }
0x16b: {  	_ =	sdelay $0x1  }
0x16c: {  	[sflag:s17] =	ssyncset.done $0x0  }
0x16d: {  	[sflag:s17] =	ssyncadd.s32 $0xFFFFFFB0  }
0x16e: {  	_ =	swait.ge [sflag:s17], $0xA00  }
0x16f: {  	[sflag:s17] =	ssyncset.done $0x0  }
0x170: {  	[sflag:s17] =	ssyncadd.s32 $0xFFFFF600  }
0x171: {  	_ =	swait.ge [sflag:s17], $0xA00  }
0x172: {  	[sflag:s17] =	ssyncset.done $0x0  }
0x173: {  	[sflag:s17] =	ssyncadd.s32 $0xFFFFF600  }
0x174: {  	_ =	swait.ge [sflag:s17], $0x50  }
.Ltmp9:
0x175: {  	[sflag:s17] =	ssyncset.done $0x0;
	(pc) =	sbr.rel @p0 .LBB2_22-.Ltmp9, $4  }
0x176: {  	[sflag:s17] =	ssyncadd.s32 $0xFFFFFFB0  }
0x177: {  	_ =	swait.ge [sflag:s17], $0x50  }
0x178: {  	[sflag:s17] =	ssyncset.done $0x0  }
0x179: {  	[sflag:s17] =	ssyncadd.s32 $0xFFFFFFB0  }
.LBB2_14:
.Ltmp10:
0x17a: {  	(pc) =	sbr.rel @!p6 .LBB2_15-.Ltmp10, $1  }
0x17b: {  	_ =	sdelay $0x3  }
.LBB2_23:
0x17c: {  	_ =	swait.ge [sflag:s17], $0xA00  }
0x17d: {  	[sflag:s17] =	ssyncset.done $0x0  }
0x17e: {  	[sflag:s17] =	ssyncadd.s32 $0xFFFFF600  }
0x17f: {  	_ =	swait.ge [sflag:s17], $0xA00  }
0x180: {  	[sflag:s17] =	ssyncset.done $0x0  }
0x181: {  	[sflag:s17] =	ssyncadd.s32 $0xFFFFF600  }
0x182: {  	_ =	swait.ge [sflag:s17], $0x50  }
0x183: {  	[sflag:s17] =	ssyncset.done $0x0  }
0x184: {  	[sflag:s17] =	ssyncadd.s32 $0xFFFFFFB0  }
0x185: {  	_ =	swait.ge [sflag:s17], $0x50  }
0x186: {  	s4 =	sld [smem:$0x7F9];
	_ =	sdelay $0x2  }
0x187: {  	p0 =	seq.s32 s4, $0x1  }
.Ltmp11:
0x188: {  	_ = 	snop;
	(pc) =	sbr.rel @p0 .LBB2_24-.Ltmp11, $3  }
0x189: {  	_ =	sdelay $0x1  }
0x18a: {  	[sflag:s17] =	ssyncset.done $0x0  }
0x18b: {  	[sflag:s17] =	ssyncadd.s32 $0xFFFFFFB0  }
.LBB2_16:
0x18c: {  	s4 =	sld [smem:$0x7FB];
	_ =	sdelay $0x2  }
0x18d: {  	p0 =	seq.s32 s4, $0x1  }
.Ltmp12:
0x18e: {  	_ = 	snop;
	(pc) =	sbr.rel @!p0 .LBB2_17-.Ltmp12, $1  }
0x18f: {  	_ =	sdelay $0x3  }
.LBB2_25:
0x190: {  	_ =	swait.ge [sflag:s17], $0xA00  }
0x191: {  	[sflag:s17] =	ssyncset.done $0x0  }
0x192: {  	[sflag:s17] =	ssyncadd.s32 $0xFFFFF600  }
0x193: {  	_ =	swait.ge [sflag:s17], $0xA00  }
0x194: {  	[sflag:s17] =	ssyncset.done $0x0  }
0x195: {  	[sflag:s17] =	ssyncadd.s32 $0xFFFFF600  }
0x196: {  	_ =	swait.ge [sflag:s17], $0x50  }
0x197: {  	[sflag:s17] =	ssyncset.done $0x0  }
0x198: {  	[sflag:s17] =	ssyncadd.s32 $0xFFFFFFB0  }
0x199: {  	_ =	swait.ge [sflag:s17], $0x50  }
0x19a: {  	s4 =	sld [smem:$0x7F8];
	_ =	sdelay $0x2  }
0x19b: {  	p0 =	seq.s32 s4, $0x1  }
.Ltmp13:
0x19c: {  	_ = 	snop;
	(pc) =	sbr.rel @p0 .LBB2_26-.Ltmp13, $3  }
0x19d: {  	_ =	sdelay $0x1  }
0x19e: {  	[sflag:s17] =	ssyncset.done $0x0  }
0x19f: {  	[sflag:s17] =	ssyncadd.s32 $0xFFFFFFB0  }
.LBB2_18:
.Ltmp14:
0x1a0: {  	(pc) =	sbr.rel @!p5 .LBB2_19-.Ltmp14, $1  }
0x1a1: {  	_ =	sdelay $0x3  }
.LBB2_27:
0x1a2: {  	_ =	swait.ge [sflag:s17], $0xA00  }
0x1a3: {  	[sflag:s17] =	ssyncset.done $0x0  }
0x1a4: {  	[sflag:s17] =	ssyncadd.s32 $0xFFFFF600  }
0x1a5: {  	_ =	swait.ge [sflag:s17], $0xA00  }
0x1a6: {  	[sflag:s17] =	ssyncset.done $0x0  }
0x1a7: {  	[sflag:s17] =	ssyncadd.s32 $0xFFFFF600  }
0x1a8: {  	_ =	swait.ge [sflag:s17], $0x50  }
0x1a9: {  	[sflag:s17] =	ssyncset.done $0x0  }
0x1aa: {  	[sflag:s17] =	ssyncadd.s32 $0xFFFFFFB0  }
0x1ab: {  	_ =	swait.ge [sflag:s17], $0x50  }
0x1ac: {  	s4 =	sld [smem:$0x7FC];
	_ =	sdelay $0x2  }
0x1ad: {  	p0 =	seq.s32 s4, $0x1  }
.Ltmp15:
0x1ae: {  	_ = 	snop;
	(pc) =	sbr.rel @p0 .LBB2_28-.Ltmp15, $3  }
0x1af: {  	_ =	sdelay $0x1  }
0x1b0: {  	[sflag:s17] =	ssyncset.done $0x0  }
0x1b1: {  	[sflag:s17] =	ssyncadd.s32 $0xFFFFFFB0  }
.LBB2_20:
.Ltmp16:
0x1b2: {  	(pc) =	sbr.rel @!p3 .LBB2_30-.Ltmp16, $1  }
0x1b3: {  	_ =	sdelay $0x3  }
.LBB2_29:
0x1b4: {  	_ =	swait.ge [sflag:s17], $0xA00  }
0x1b5: {  	[sflag:s17] =	ssyncset.done $0x0  }
0x1b6: {  	[sflag:s17] =	ssyncadd.s32 $0xFFFFF600  }
0x1b7: {  	_ =	swait.ge [sflag:s17], $0xA00  }
0x1b8: {  	[sflag:s17] =	ssyncset.done $0x0  }
0x1b9: {  	[sflag:s17] =	ssyncadd.s32 $0xFFFFF600  }
0x1ba: {  	_ =	swait.ge [sflag:s17], $0x50  }
0x1bb: {  	[sflag:s17] =	ssyncset.done $0x0  }
0x1bc: {  	[sflag:s17] =	ssyncadd.s32 $0xFFFFFFB0  }
0x1bd: {  	_ =	swait.ge [sflag:s17], $0x50  }
0x1be: {  	[sflag:s17] =	ssyncset.done $0x0  }
0x1bf: {  	[sflag:s17] =	ssyncadd.s32 $0xFFFFFFB0  }
.LBB2_30:
0x1c0: {  	s12 =	simm.s32 $0x0;
	s13 =	simm.s32 $0x6720  }
0x1c1: {  	s4 =	simm.s32 $0x6A40;
	s28 =	simm.s32 $0x6D60;
	s29 =	simm.s32 $0x7080  }
0x1c2: {  	s30 =	simm.s32 $0x143F0;
	s31 =	simm.s32 $0x14710;
	s9 =	smov.u32 s15  }
.LBB2_31:
0x1c3: {  	v16 =	vor.u32 s12, v0;
	v17 =	vld [tilespmem:s9+$0x0]  }
0x1c4: {  	v16 =	vmul.u32 $0xC28F5C29, v16  }
0x1c5: {  	v18 =	vld [tilespmem:s13+$0x0]  }
0x1c6: {  	v19 =	vshll.u32 v16, $0x1F;
	v16 =	vshrl.u32 v16, $0x1  }
0x1c7: {  	v16 =	vor.u32 v19, v16;
	v19 =	vld [tilespmem:s4+$0x0]  }
0x1c8: {  	vm0 =	vne.s32 v17, $0x0;
	vm1 =	vle.u32 v16, $0x51EB851  }
0x1c9: {  	vm0 =	vmor vm1, vm0  }
0x1ca: {  	v18 =	vsel vm0, $0x0, v18  }
0x1cb: {  	v21 =	vshll.u32 v18, $0x5  }
0x1cc: {  	v20 =	vshll.u32 v19, $0x5  }
0x1cd: {  	v22 =	vor.u32 $0x1, v21  }
0x1ce: {  	v27 =	vor.u32 $0x2, v21  }
0x1cf: {  	v16 =	vld [tilespmem:s28+$0x0];
	v31 =	vor.u32 $0x3, v21  }
0x1d0: {  	v34 =	vor.u32 $0x4, v21;
	v24 =	vld.idx.msk [tilespmem:v21+s22+$0x0], $0xffff  }
0x1d1: {  	v37 =	vor.u32 $0x5, v21;
	v26 =	vld.idx.msk [tilespmem:v20+s23+$0x0], $0xffff  }
0x1d2: {  	v40 =	vor.u32 $0x6, v21;
	v22 =	vld.idx.msk [tilespmem:v22+s22+$0x0], $0xffff  }
0x1d3: {  	v43 =	vor.u32 $0x7, v21;
	v27 =	vld.idx.msk [tilespmem:v27+s22+$0x0], $0xffff  }
0x1d4: {  	v46 =	vor.u32 $0x8, v21;
	v31 =	vld.idx.msk [tilespmem:v31+s22+$0x0], $0xffff  }
0x1d5: {  	v49 =	vor.u32 $0x9, v21;
	v34 =	vld.idx.msk [tilespmem:v34+s22+$0x0], $0xffff  }
0x1d6: {  	v52 =	vor.u32 $0xA, v21;
	v37 =	vld.idx.msk [tilespmem:v37+s22+$0x0], $0xffff  }
0x1d7: {  	v55 =	vor.u32 $0xB, v21;
	v40 =	vld.idx.msk [tilespmem:v40+s22+$0x0], $0xffff  }
0x1d8: {  	v61 =	vor.u32 $0xD, v21;
	v43 =	vld.idx.msk [tilespmem:v43+s22+$0x0], $0xffff  }
0x1d9: {  	v17 =	vshll.u32 v16, $0x5;
	v46 =	vld.idx.msk [tilespmem:v46+s22+$0x0], $0xffff  }
0x1da: {  	v23 =	vor.u32 $0x1, v20;
	v49 =	vld.idx.msk [tilespmem:v49+s22+$0x0], $0xffff  }
0x1db: {  	v29 =	vor.u32 $0x2, v20;
	v52 =	vld.idx.msk [tilespmem:v52+s22+$0x0], $0xffff  }
0x1dc: {  	v32 =	vor.u32 $0x3, v20;
	v55 =	vld.idx.msk [tilespmem:v55+s22+$0x0], $0xffff  }
0x1dd: {  	v35 =	vor.u32 $0x4, v20;
	v61 =	vld.idx.msk [tilespmem:v61+s22+$0x0], $0xffff  }
0x1de: {  	v38 =	vor.u32 $0x5, v20;
	v28 =	vld.idx.msk [tilespmem:v17+s23+$0x0], $0xffff  }
0x1df: {  	v41 =	vor.u32 $0x6, v20;
	v23 =	vld.idx.msk [tilespmem:v23+s23+$0x0], $0xffff  }
0x1e0: {  	v44 =	vor.u32 $0x7, v20;
	v29 =	vld.idx.msk [tilespmem:v29+s23+$0x0], $0xffff  }
0x1e1: {  	v47 =	vor.u32 $0x8, v20;
	v32 =	vld.idx.msk [tilespmem:v32+s23+$0x0], $0xffff  }
0x1e2: {  	v50 =	vor.u32 $0x9, v20;
	v35 =	vld.idx.msk [tilespmem:v35+s23+$0x0], $0xffff  }
0x1e3: {  	v53 =	vor.u32 $0xA, v20;
	v38 =	vld.idx.msk [tilespmem:v38+s23+$0x0], $0xffff  }
0x1e4: {  	v56 =	vor.u32 $0xB, v20;
	v41 =	vld.idx.msk [tilespmem:v41+s23+$0x0], $0xffff  }
0x1e5: {  	v59 =	vor.u32 $0xC, v20;
	v44 =	vld.idx.msk [tilespmem:v44+s23+$0x0], $0xffff  }
0x1e6: {  	v5 =	vor.u32 $0xF, v20;
	v47 =	vld.idx.msk [tilespmem:v47+s23+$0x0], $0xffff  }
0x1e7: {  	v25 =	vor.u32 $0x1, v17;
	v50 =	vld.idx.msk [tilespmem:v50+s23+$0x0], $0xffff  }
0x1e8: {  	v30 =	vor.u32 $0x2, v17;
	v53 =	vld.idx.msk [tilespmem:v53+s23+$0x0], $0xffff  }
0x1e9: {  	v33 =	vor.u32 $0x3, v17;
	v56 =	vld.idx.msk [tilespmem:v56+s23+$0x0], $0xffff  }
0x1ea: {  	v36 =	vor.u32 $0x4, v17;
	v59 =	vld.idx.msk [tilespmem:v59+s23+$0x0], $0xffff  }
0x1eb: {  	v39 =	vor.u32 $0x5, v17;
	v5 =	vld.idx.msk [tilespmem:v5+s23+$0x0], $0xffff  }
0x1ec: {  	v42 =	vor.u32 $0x6, v17;
	v25 =	vld.idx.msk [tilespmem:v25+s23+$0x0], $0xffff  }
0x1ed: {  	v45 =	vor.u32 $0x7, v17;
	v30 =	vld.idx.msk [tilespmem:v30+s23+$0x0], $0xffff  }
0x1ee: {  	v48 =	vor.u32 $0x8, v17;
	v33 =	vld.idx.msk [tilespmem:v33+s23+$0x0], $0xffff  }
0x1ef: {  	v51 =	vor.u32 $0x9, v17;
	v36 =	vld.idx.msk [tilespmem:v36+s23+$0x0], $0xffff  }
0x1f0: {  	v54 =	vor.u32 $0xA, v17;
	v39 =	vld.idx.msk [tilespmem:v39+s23+$0x0], $0xffff;
	v26 =	vmul.f32 v26, v24  }
0x1f1: {  	v57 =	vor.u32 $0xB, v17;
	v42 =	vld.idx.msk [tilespmem:v42+s23+$0x0], $0xffff  }
0x1f2: {  	v60 =	vor.u32 $0xC, v17;
	v45 =	vld.idx.msk [tilespmem:v45+s23+$0x0], $0xffff;
	v23 =	vmul.f32 v23, v22;
	v26 =	vadd.f32 $0.0e+00, v26  }
0x1f3: {  	v58 =	vor.u32 $0xC, v21;
	v48 =	vld.idx.msk [tilespmem:v48+s23+$0x0], $0xffff  }
0x1f4: {  	v62 =	vor.u32 $0xD, v20;
	v51 =	vld.idx.msk [tilespmem:v51+s23+$0x0], $0xffff;
	v23 =	vadd.f32 v23, v26;
	v26 =	vmul.f32 v29, v27  }
0x1f5: {  	v63 =	vor.u32 $0xE, v21;
	v54 =	vld.idx.msk [tilespmem:v54+s23+$0x0], $0xffff  }
0x1f6: {  	v2 =	vor.u32 $0xE, v17;
	v57 =	vld.idx.msk [tilespmem:v57+s23+$0x0], $0xffff;
	v23 =	vadd.f32 v26, v23;
	v26 =	vmul.f32 v32, v31  }
0x1f7: {  	v24 =	vmul.f32 v28, v24;
	v32 =	vld.idx.msk [tilespmem:v60+s23+$0x0], $0xffff;
	v60 =	vor.u32 $0xE, v20  }
0x1f8: {  	v29 =	vld.idx.msk [tilespmem:v58+s22+$0x0], $0xffff;
	v58 =	vor.u32 $0xD, v17;
	v23 =	vadd.f32 v26, v23;
	v26 =	vmul.f32 v35, v34  }
0x1f9: {  	v22 =	vmul.f32 v25, v22;
	v24 =	vadd.f32 $0.0e+00, v24;
	v35 =	vld.idx.msk [tilespmem:v62+s23+$0x0], $0xffff;
	v62 =	vor.u32 $0xF, v21  }
0x1fa: {  	v23 =	vadd.f32 v26, v23;
	v26 =	vmul.f32 v38, v37;
	v38 =	vld.idx.msk [tilespmem:v63+s22+$0x0], $0xffff;
	v63 =	vor.u32 $0xF, v17  }
0x1fb: {  	v2 =	vld.idx.msk [tilespmem:v2+s23+$0x0], $0xffff;
	v22 =	vadd.f32 v22, v24;
	v24 =	vmul.f32 v30, v27;
	v30 =	vor.u32 $0x11, v20  }
0x1fc: {  	v28 =	vld.idx.msk [tilespmem:v60+s23+$0x0], $0xffff;
	v60 =	vor.u32 $0x10, v21;
	v23 =	vadd.f32 v26, v23;
	v26 =	vmul.f32 v41, v40  }
0x1fd: {  	v58 =	vld.idx.msk [tilespmem:v58+s23+$0x0], $0xffff;
	v41 =	vor.u32 $0x10, v20  }
0x1fe: {  	v25 =	vld.idx.msk [tilespmem:v62+s22+$0x0], $0xffff;
	v62 =	vor.u32 $0x10, v17;
	v23 =	vadd.f32 v26, v23;
	v26 =	vmul.f32 v44, v43  }
0x1ff: {  	v44 =	vor.u32 $0x11, v21;
	v27 =	vld.idx.msk [tilespmem:v63+s23+$0x0], $0xffff;
	v63 =	vmul.f32 v33, v31  }
0x200: {  	v30 =	vld.idx.msk [tilespmem:v30+s23+$0x0], $0xffff;
	v33 =	vor.u32 $0x12, v21;
	v23 =	vadd.f32 v26, v23;
	v26 =	vmul.f32 v47, v46  }
0x201: {  	v48 =	vmul.f32 v48, v46;
	v22 =	vadd.f32 v24, v22;
	v47 =	vld.idx.msk [tilespmem:v60+s22+$0x0], $0xffff;
	v60 =	vor.u32 $0x11, v17  }
0x202: {  	v46 =	vor.u32 $0x17, v21;
	v31 =	vld.idx.msk [tilespmem:v41+s23+$0x0], $0xffff;
	v23 =	vadd.f32 v26, v23;
	v26 =	vmul.f32 v50, v49  }
0x203: {  	v22 =	vadd.f32 v63, v22;
	v63 =	vmul.f32 v36, v34;
	v41 =	vld.idx.msk [tilespmem:v62+s23+$0x0], $0xffff;
	v50 =	vor.u32 $0x12, v20  }
0x204: {  	v53 =	vmul.f32 v53, v52;
	v36 =	vor.u32 $0x12, v17;
	v34 =	vld.idx.msk [tilespmem:v44+s22+$0x0], $0xffff;
	v23 =	vadd.f32 v26, v23  }
0x205: {  	v62 =	vmul.f32 v39, v37;
	v44 =	vor.u32 $0x13, v21;
	v22 =	vadd.f32 v63, v22;
	v33 =	vld.idx.msk [tilespmem:v33+s22+$0x0], $0xffff  }
0x206: {  	v39 =	vor.u32 $0x13, v20;
	v63 =	vmul.f32 v56, v55;
	v37 =	vld.idx.msk [tilespmem:v60+s23+$0x0], $0xffff;
	v23 =	vadd.f32 v53, v23  }
0x207: {  	v56 =	vmul.f32 v42, v40;
	v22 =	vadd.f32 v62, v22;
	v46 =	vld.idx.msk [tilespmem:v46+s22+$0x0], $0xffff;
	v53 =	vor.u32 $0x13, v17  }
0x208: {  	v60 =	vmul.f32 v59, v29;
	v40 =	vld.idx.msk [tilespmem:v50+s23+$0x0], $0xffff;
	v50 =	vor.u32 $0x14, v20;
	v23 =	vadd.f32 v63, v23  }
0x209: {  	v62 =	vmul.f32 v45, v43;
	v36 =	vld.idx.msk [tilespmem:v36+s23+$0x0], $0xffff;
	v22 =	vadd.f32 v56, v22;
	v56 =	vor.u32 $0x15, v21  }
0x20a: {  	v43 =	vld.idx.msk [tilespmem:v44+s22+$0x0], $0xffff;
	v44 =	vor.u32 $0x14, v17;
	v63 =	vmul.f32 v35, v61;
	v23 =	vadd.f32 v60, v23  }
0x20b: {  	v54 =	vmul.f32 v54, v52;
	v42 =	vor.u32 $0x14, v21;
	v35 =	vld.idx.msk [tilespmem:v39+s23+$0x0], $0xffff;
	v22 =	vadd.f32 v62, v22  }
0x20c: {  	v59 =	vmul.f32 v28, v38;
	v60 =	vor.u32 $0x15, v17;
	v45 =	vld.idx.msk [tilespmem:v53+s23+$0x0], $0xffff;
	v23 =	vadd.f32 v63, v23  }
0x20d: {  	v5 =	vmul.f32 v5, v25;
	v53 =	vor.u32 $0x15, v20;
	v22 =	vadd.f32 v48, v22;
	v48 =	vld.idx.msk [tilespmem:v50+s23+$0x0], $0xffff  }
0x20e: {  	v62 =	vmul.f32 v51, v49;
	v63 =	vor.u32 $0x16, v21;
	v39 =	vld.idx.msk [tilespmem:v56+s22+$0x0], $0xffff;
	v23 =	vadd.f32 v59, v23  }
0x20f: {  	v50 =	vor.u32 $0x16, v17;
	v56 =	vmul.f32 v31, v47;
	v26 =	vld.idx.msk [tilespmem:v44+s23+$0x0], $0xffff;
	v44 =	vor.u32 $0x16, v20  }
0x210: {  	v28 =	vld.idx.msk [tilespmem:v42+s22+$0x0], $0xffff;
	v22 =	vadd.f32 v62, v22;
	v62 =	vmul.f32 v30, v34;
	v5 =	vadd.f32 v5, v23  }
0x211: {  	v59 =	vmul.f32 v57, v55;
	v55 =	vmul.f32 v40, v33;
	v42 =	vld.idx.msk [tilespmem:v60+s23+$0x0], $0xffff;
	v60 =	vor.u32 $0x17, v20  }
0x212: {  	v22 =	vadd.f32 v54, v22;
	v54 =	vor.u32 $0x18, v21;
	v31 =	vld.idx.msk [tilespmem:v53+s23+$0x0], $0xffff;
	v5 =	vadd.f32 v56, v5  }
0x213: {  	v57 =	vmul.f32 v58, v61;
	v58 =	vor.u32 $0x18, v17;
	v53 =	vmul.f32 v32, v29;
	v30 =	vld.idx.msk [tilespmem:v63+s22+$0x0], $0xffff  }
0x214: {  	v63 =	vor.u32 $0x17, v17;
	v22 =	vadd.f32 v59, v22;
	v40 =	vld.idx.msk [tilespmem:v50+s23+$0x0], $0xffff;
	v5 =	vadd.f32 v62, v5  }
0x215: {  	v2 =	vmul.f32 v2, v38;
	v61 =	vor.u32 $0x19, v20;
	v29 =	vld.idx.msk [tilespmem:v44+s23+$0x0], $0xffff;
	v56 =	vor.u32 $0x18, v20  }
0x216: {  	v59 =	vmul.f32 v35, v43;
	v22 =	vadd.f32 v53, v22;
	v35 =	vld.idx.msk [tilespmem:v60+s23+$0x0], $0xffff;
	v5 =	vadd.f32 v55, v5  }
0x217: {  	v53 =	vor.u32 $0x1A, v21;
	v60 =	vor.u32 $0x19, v21;
	v62 =	vmul.f32 v48, v28;
	v32 =	vld.idx.msk [tilespmem:v54+s22+$0x0], $0xffff  }
0x218: {  	v22 =	vadd.f32 v57, v22;
	v54 =	vmul.f32 v31, v39;
	v31 =	vld.idx.msk [tilespmem:v58+s23+$0x0], $0xffff;
	v5 =	vadd.f32 v59, v5  }
0x219: {  	v49 =	vmul.f32 v27, v25;
	v24 =	vld.idx.msk [tilespmem:v63+s23+$0x0], $0xffff;
	v63 =	vor.u32 $0x19, v17  }
0x21a: {  	v55 =	vor.u32 $0x1A, v20;
	v2 =	vadd.f32 v2, v22;
	v52 =	vld.idx.msk [tilespmem:v56+s23+$0x0], $0xffff;
	v5 =	vadd.f32 v62, v5  }
0x21b: {  	v57 =	vor.u32 $0x1B, v21;
	v56 =	vmul.f32 v41, v47;
	v58 =	vmul.f32 v29, v30;
	v59 =	vld.idx.msk [tilespmem:v61+s23+$0x0], $0xffff  }
0x21c: {  	v2 =	vadd.f32 v49, v2;
	v41 =	vld.idx.msk [tilespmem:v60+s22+$0x0], $0xffff;
	v60 =	vor.u32 $0x1B, v20;
	v5 =	vadd.f32 v54, v5  }
0x21d: {  	v48 =	vor.u32 $0x1C, v20;
	v61 =	vmul.f32 v37, v34;
	v27 =	vld.idx.msk [tilespmem:v53+s22+$0x0], $0xffff;
	v62 =	vor.u32 $0x1C, v21  }
0x21e: {  	v2 =	vadd.f32 v56, v2;
	v34 =	vld.idx.msk [tilespmem:v63+s23+$0x0], $0xffff;
	v63 =	vmul.f32 v35, v46;
	v5 =	vadd.f32 v58, v5  }
0x21f: {  	v51 =	vor.u32 $0x1D, v21;
	v53 =	vor.u32 $0x1D, v20;
	v49 =	vmul.f32 v36, v33;
	v50 =	vld.idx.msk [tilespmem:v55+s23+$0x0], $0xffff  }
0x220: {  	v25 =	vld.idx.msk [tilespmem:v57+s22+$0x0], $0xffff;
	v52 =	vmul.f32 v52, v32;
	v2 =	vadd.f32 v61, v2;
	v5 =	vadd.f32 v63, v5  }
0x221: {  	v57 =	vor.u32 $0x1E, v20;
	v55 =	vor.u32 $0x1E, v21;
	v54 =	vmul.f32 v45, v43;
	v38 =	vld.idx.msk [tilespmem:v60+s23+$0x0], $0xffff  }
0x222: {  	v56 =	vmul.f32 v59, v41;
	v59 =	vld.idx.msk [tilespmem:v48+s23+$0x0], $0xffff;
	v2 =	vadd.f32 v49, v2;
	v5 =	vadd.f32 v52, v5  }
0x223: {  	v20 =	vor.u32 $0x1F, v20;
	v21 =	vor.u32 $0x1F, v21;
	v58 =	vmul.f32 v26, v28;
	v29 =	vld.idx.msk [tilespmem:v62+s22+$0x0], $0xffff  }
0x224: {  	v28 =	vld.idx.msk [tilespmem:v51+s22+$0x0], $0xffff;
	v60 =	vmul.f32 v50, v27;
	v2 =	vadd.f32 v54, v2;
	v5 =	vadd.f32 v56, v5  }
0x225: {  	v61 =	vmul.f32 v42, v39;
	v62 =	vld.idx.msk [tilespmem:v53+s23+$0x0], $0xffff;
	v63 =	vor.u32 $0x1A, v17  }
0x226: {  	v37 =	vld.idx.msk [tilespmem:v57+s23+$0x0], $0xffff;
	v2 =	vadd.f32 v58, v2;
	v42 =	vmul.f32 v38, v25;
	v5 =	vadd.f32 v60, v5  }
0x227: {  	v47 =	vor.u32 $0x1B, v17;
	v45 =	vmul.f32 v40, v30;
	v44 =	vld.idx.msk [tilespmem:v55+s22+$0x0], $0xffff  }
0x228: {  	v20 =	vld.idx.msk [tilespmem:v20+s23+$0x0], $0xffff;
	v26 =	vmul.f32 v59, v29;
	v2 =	vadd.f32 v61, v2;
	v5 =	vadd.f32 v42, v5  }
0x229: {  	v48 =	vmul.f32 v24, v46;
	v49 =	vor.u32 $0x1C, v17;
	v21 =	vld.idx.msk [tilespmem:v21+s22+$0x0], $0xffff  }
0x22a: {  	v50 =	vmul.f32 v62, v28;
	v2 =	vadd.f32 v45, v2;
	v5 =	vadd.f32 v26, v5  }
0x22b: {  	v51 =	vmul.f32 v31, v32;
	v52 =	vor.u32 $0x1D, v17;
	v23 =	vld.idx.msk [tilespmem:v63+s23+$0x0], $0xffff  }
0x22c: {  	v19 =	vld.idx.msk [tilespmem:v19+s25+$0x0], $0xffff;
	v54 =	vmul.f32 v37, v44;
	v2 =	vadd.f32 v48, v2;
	v5 =	vadd.f32 v50, v5  }
0x22d: {  	v53 =	vld.idx.msk [tilespmem:v47+s23+$0x0], $0xffff;
	v55 =	vmul.f32 v34, v41;
	v56 =	vor.u32 $0x1E, v17  }
0x22e: {  	v18 =	vld.idx.msk [tilespmem:v18+s24+$0x0], $0xffff;
	v20 =	vmul.f32 v20, v21;
	v2 =	vadd.f32 v51, v2;
	v5 =	vadd.f32 v54, v5  }
0x22f: {  	v24 =	vld.idx.msk [tilespmem:v49+s23+$0x0], $0xffff;
	v17 =	vor.u32 $0x1F, v17  }
0x230: {  	v59 =	vld [tilespmem:s29+$0x0];
	v57 =	vmul.f32 v23, v27;
	v2 =	vadd.f32 v55, v2;
	v5 =	vadd.f32 v20, v5  }
0x231: {  	v58 =	vld.idx.msk [tilespmem:v52+s23+$0x0], $0xffff  }
0x232: {  	v60 =	vmul.f32 v53, v25;
	v2 =	vadd.f32 v57, v2;
	v5 =	vadd.f32 v19, v5  }
0x233: {  	v61 =	vld.idx.msk [tilespmem:v56+s23+$0x0], $0xffff  }
0x234: {  	v62 =	vmul.f32 v24, v29;
	v2 =	vadd.f32 v60, v2;
	v5 =	vadd.f32 v5, v18  }
0x235: {  	v17 =	vld.idx.msk [tilespmem:v17+s23+$0x0], $0xffff  }
0x236: {  	v63 =	vmul.f32 v58, v28;
	v2 =	vadd.f32 v62, v2;
	v5 =	vmul.f32 v5, v59;
	_ =	sdelay $0x1  }
0x237: {  	v19 =	vmul.f32 v61, v44;
	v2 =	vadd.f32 v63, v2;
	[tilespmem:s30+$0x0] =	vst v5  }
0x238: {  	v5 =	vld.idx.msk [tilespmem:v16+s25+$0x0], $0xffff  }
0x239: {  	v2 =	vadd.f32 v19, v2;
	v16 =	vmul.f32 v17, v21;
	_ =	sdelay $0x1  }
0x23a: {  	v2 =	vadd.f32 v16, v2;
	_ =	sdelay $0x1  }
0x23b: {  	v2 =	vadd.f32 v5, v2  }
0x23c: {  	p0 =	sne.s32 s12, $0x310  }
.Ltmp17:
0x23d: {  	v2 =	vadd.f32 v2, v18;
	(pc) =	sbr.rel @p0 .LBB2_31-.Ltmp17, $4  }
0x23e: {  	_ = 	snop  }
0x23f: {  	s13 =	sadd.s32 $0x10, s13;
	s9 =	sadd.s32 $0x10, s9;
	v2 =	vmul.f32 v2, v59  }
0x240: {  	s12 =	sadd.s32 $0x10, s12;
	s4 =	sadd.s32 $0x10, s4;
	s28 =	sadd.s32 $0x10, s28  }
0x241: {  	s29 =	sadd.s32 $0x10, s29;
	s30 =	sadd.s32 $0x10, s30;
	[tilespmem:s31+$0x0] =	vst v2;
	s31 =	sadd.s32 $0x10, s31  }
0x242: {  	v17 =	vld [tilespmem:$0x1FFF0];
	_ =	sdelay $0x5  }
0x243: {  	v2 =	vld.idx.msk [tilespmem:v1+s3+$0x0], $0xffff  }
0x244: {  	v5 =	vld.idx.msk [tilespmem:v1+s0+$0x0], $0xffff  }
0x245: {  	v16 =	vld.idx.msk [tilespmem:v17+s3+$0x0], $0xffff  }
0x246: {  	v17 =	vld.idx.msk [tilespmem:v17+s0+$0x0], $0xffff  }
0x247: {  	v18 =	vld.idx.msk [tilespmem:v6+s3+$0x0], $0xffff  }
0x248: {  	v19 =	vld.idx.msk [tilespmem:v6+s0+$0x0], $0xffff;
	v2 =	vadd.f32 $0.0e+00, v2  }
0x249: {  	v20 =	vld.idx.msk [tilespmem:v7+s3+$0x0], $0xffff;
	v5 =	vadd.f32 $0.0e+00, v5  }
0x24a: {  	v2 =	vadd.f32 v16, v2;
	v16 =	vld.idx.msk [tilespmem:v7+s0+$0x0], $0xffff  }
0x24b: {  	v5 =	vadd.f32 v17, v5;
	v17 =	vld.idx.msk [tilespmem:v8+s3+$0x0], $0xffff  }
0x24c: {  	v54 =	vld.idx.msk [tilespmem:v8+s0+$0x0], $0xffff;
	v2 =	vadd.f32 v18, v2  }
0x24d: {  	v55 =	vld.idx.msk [tilespmem:v9+s3+$0x0], $0xffff;
	v5 =	vadd.f32 v19, v5  }
0x24e: {  	v56 =	vld.idx.msk [tilespmem:v9+s0+$0x0], $0xffff;
	v2 =	vadd.f32 v20, v2  }
0x24f: {  	v5 =	vadd.f32 v16, v5;
	v16 =	vld.idx.msk [tilespmem:v10+s3+$0x0], $0xffff  }
0x250: {  	v2 =	vadd.f32 v17, v2;
	v17 =	vld.idx.msk [tilespmem:v10+s0+$0x0], $0xffff  }
0x251: {  	v57 =	vld.idx.msk [tilespmem:v11+s3+$0x0], $0xffff;
	v5 =	vadd.f32 v54, v5  }
0x252: {  	v58 =	vld.idx.msk [tilespmem:v11+s0+$0x0], $0xffff;
	v2 =	vadd.f32 v55, v2  }
0x253: {  	v59 =	vld.idx.msk [tilespmem:v12+s3+$0x0], $0xffff;
	v5 =	vadd.f32 v56, v5  }
0x254: {  	v2 =	vadd.f32 v16, v2;
	v16 =	vld.idx.msk [tilespmem:v12+s0+$0x0], $0xffff  }
0x255: {  	v5 =	vadd.f32 v17, v5;
	v17 =	vld.idx.msk [tilespmem:v13+s3+$0x0], $0xffff  }
0x256: {  	v60 =	vld.idx.msk [tilespmem:v13+s0+$0x0], $0xffff;
	v21 =	vadd.s32 $0xC, v1;
	v2 =	vadd.f32 v57, v2  }
0x257: {  	v61 =	vld.idx.msk [tilespmem:v14+s3+$0x0], $0xffff;
	v5 =	vadd.f32 v58, v5  }
0x258: {  	v62 =	vld.idx.msk [tilespmem:v14+s0+$0x0], $0xffff;
	v22 =	vadd.s32 $0xD, v1;
	v2 =	vadd.f32 v59, v2  }
0x259: {  	v5 =	vadd.f32 v16, v5;
	v16 =	vld.idx.msk [tilespmem:v15+s3+$0x0], $0xffff  }
0x25a: {  	v23 =	vadd.s32 $0xE, v1;
	v2 =	vadd.f32 v17, v2;
	v17 =	vld.idx.msk [tilespmem:v15+s0+$0x0], $0xffff  }
0x25b: {  	v63 =	vld.idx.msk [tilespmem:v21+s3+$0x0], $0xffff;
	v5 =	vadd.f32 v60, v5  }
0x25c: {  	v25 =	vadd.s32 $0xF, v1;
	v24 =	vld.idx.msk [tilespmem:v21+s0+$0x0], $0xffff;
	v2 =	vadd.f32 v61, v2  }
0x25d: {  	v26 =	vld.idx.msk [tilespmem:v22+s3+$0x0], $0xffff;
	v5 =	vadd.f32 v62, v5  }
0x25e: {  	v27 =	vadd.s32 $0x10, v1;
	v2 =	vadd.f32 v16, v2;
	v16 =	vld.idx.msk [tilespmem:v22+s0+$0x0], $0xffff  }
0x25f: {  	v5 =	vadd.f32 v17, v5;
	v17 =	vld.idx.msk [tilespmem:v23+s3+$0x0], $0xffff  }
0x260: {  	v29 =	vadd.s32 $0x11, v1;
	v28 =	vld.idx.msk [tilespmem:v23+s0+$0x0], $0xffff;
	v2 =	vadd.f32 v63, v2  }
0x261: {  	v30 =	vld.idx.msk [tilespmem:v25+s3+$0x0], $0xffff;
	v5 =	vadd.f32 v24, v5  }
0x262: {  	v32 =	vadd.s32 $0x12, v1;
	v31 =	vld.idx.msk [tilespmem:v25+s0+$0x0], $0xffff;
	v2 =	vadd.f32 v26, v2  }
0x263: {  	v5 =	vadd.f32 v16, v5;
	v16 =	vld.idx.msk [tilespmem:v27+s3+$0x0], $0xffff  }
0x264: {  	v33 =	vadd.s32 $0x13, v1;
	v2 =	vadd.f32 v17, v2;
	v17 =	vld.idx.msk [tilespmem:v27+s0+$0x0], $0xffff  }
0x265: {  	v34 =	vld.idx.msk [tilespmem:v29+s3+$0x0], $0xffff;
	v5 =	vadd.f32 v28, v5  }
0x266: {  	v36 =	vadd.s32 $0x14, v1;
	v35 =	vld.idx.msk [tilespmem:v29+s0+$0x0], $0xffff;
	v2 =	vadd.f32 v30, v2  }
0x267: {  	v37 =	vld.idx.msk [tilespmem:v32+s3+$0x0], $0xffff;
	v5 =	vadd.f32 v31, v5  }
0x268: {  	v38 =	vadd.s32 $0x15, v1;
	v2 =	vadd.f32 v16, v2;
	v16 =	vld.idx.msk [tilespmem:v32+s0+$0x0], $0xffff  }
0x269: {  	v5 =	vadd.f32 v17, v5;
	v17 =	vld.idx.msk [tilespmem:v33+s3+$0x0], $0xffff  }
0x26a: {  	v40 =	vadd.s32 $0x16, v1;
	v39 =	vld.idx.msk [tilespmem:v33+s0+$0x0], $0xffff;
	v2 =	vadd.f32 v34, v2  }
0x26b: {  	v41 =	vld.idx.msk [tilespmem:v36+s3+$0x0], $0xffff;
	v5 =	vadd.f32 v35, v5  }
0x26c: {  	v43 =	vadd.s32 $0x17, v1;
	v42 =	vld.idx.msk [tilespmem:v36+s0+$0x0], $0xffff;
	v2 =	vadd.f32 v37, v2  }
0x26d: {  	v5 =	vadd.f32 v16, v5;
	v16 =	vld.idx.msk [tilespmem:v38+s3+$0x0], $0xffff  }
0x26e: {  	v44 =	vadd.s32 $0x18, v1;
	v2 =	vadd.f32 v17, v2;
	v17 =	vld.idx.msk [tilespmem:v38+s0+$0x0], $0xffff  }
0x26f: {  	v45 =	vld.idx.msk [tilespmem:v40+s3+$0x0], $0xffff;
	v5 =	vadd.f32 v39, v5  }
0x270: {  	v47 =	vadd.s32 $0x19, v1;
	v46 =	vld.idx.msk [tilespmem:v40+s0+$0x0], $0xffff;
	v2 =	vadd.f32 v41, v2  }
0x271: {  	v48 =	vld.idx.msk [tilespmem:v43+s3+$0x0], $0xffff;
	v5 =	vadd.f32 v42, v5  }
0x272: {  	v49 =	vadd.s32 $0x1A, v1;
	v2 =	vadd.f32 v16, v2;
	v16 =	vld.idx.msk [tilespmem:v43+s0+$0x0], $0xffff  }
0x273: {  	v5 =	vadd.f32 v17, v5;
	v17 =	vld.idx.msk [tilespmem:v44+s3+$0x0], $0xffff  }
0x274: {  	v51 =	vadd.s32 $0x1B, v1;
	v50 =	vld.idx.msk [tilespmem:v44+s0+$0x0], $0xffff;
	v2 =	vadd.f32 v45, v2  }
0x275: {  	v52 =	vld.idx.msk [tilespmem:v47+s3+$0x0], $0xffff;
	v5 =	vadd.f32 v46, v5  }
0x276: {  	v53 =	vld.idx.msk [tilespmem:v47+s0+$0x0], $0xffff;
	v54 =	vadd.s32 $0x1C, v1;
	v2 =	vadd.f32 v48, v2  }
0x277: {  	v5 =	vadd.f32 v16, v5;
	v16 =	vld.idx.msk [tilespmem:v49+s3+$0x0], $0xffff  }
0x278: {  	v55 =	vadd.s32 $0x1D, v1;
	v2 =	vadd.f32 v17, v2;
	v17 =	vld.idx.msk [tilespmem:v49+s0+$0x0], $0xffff  }
0x279: {  	v56 =	vld.idx.msk [tilespmem:v51+s3+$0x0], $0xffff;
	v5 =	vadd.f32 v50, v5  }
0x27a: {  	v57 =	vld.idx.msk [tilespmem:v51+s0+$0x0], $0xffff;
	v58 =	vadd.s32 $0x1E, v1;
	v2 =	vadd.f32 v52, v2  }
0x27b: {  	v59 =	vld.idx.msk [tilespmem:v54+s3+$0x0], $0xffff;
	v5 =	vadd.f32 v53, v5  }
0x27c: {  	v60 =	vadd.s32 $0x1F, v1;
	v2 =	vadd.f32 v16, v2;
	v16 =	vld.idx.msk [tilespmem:v54+s0+$0x0], $0xffff  }
0x27d: {  	v5 =	vadd.f32 v17, v5;
	v17 =	vld.idx.msk [tilespmem:v55+s3+$0x0], $0xffff  }
0x27e: {  	v61 =	vld.idx.msk [tilespmem:v55+s0+$0x0], $0xffff;
	v62 =	vadd.s32 $0x20, v1;
	v2 =	vadd.f32 v56, v2  }
0x27f: {  	v63 =	vld.idx.msk [tilespmem:v58+s3+$0x0], $0xffff;
	v5 =	vadd.f32 v57, v5  }
0x280: {  	v25 =	vadd.s32 $0x21, v1;
	v24 =	vld.idx.msk [tilespmem:v58+s0+$0x0], $0xffff;
	v2 =	vadd.f32 v59, v2  }
0x281: {  	v5 =	vadd.f32 v16, v5;
	v16 =	vld.idx.msk [tilespmem:v60+s3+$0x0], $0xffff  }
0x282: {  	v26 =	vadd.s32 $0x22, v1;
	v2 =	vadd.f32 v17, v2;
	v17 =	vld.idx.msk [tilespmem:v60+s0+$0x0], $0xffff  }
0x283: {  	v27 =	vld.idx.msk [tilespmem:v62+s3+$0x0], $0xffff;
	v5 =	vadd.f32 v61, v5  }
0x284: {  	v29 =	vadd.s32 $0x23, v1;
	v28 =	vld.idx.msk [tilespmem:v62+s0+$0x0], $0xffff;
	v2 =	vadd.f32 v63, v2  }
0x285: {  	v30 =	vld.idx.msk [tilespmem:v25+s3+$0x0], $0xffff;
	v5 =	vadd.f32 v24, v5  }
0x286: {  	v31 =	vadd.s32 $0x24, v1;
	v2 =	vadd.f32 v16, v2;
	v16 =	vld.idx.msk [tilespmem:v25+s0+$0x0], $0xffff  }
0x287: {  	v5 =	vadd.f32 v17, v5;
	v17 =	vld.idx.msk [tilespmem:v26+s3+$0x0], $0xffff  }
0x288: {  	v32 =	vld.idx.msk [tilespmem:v26+s0+$0x0], $0xffff;
	v33 =	vadd.s32 $0x25, v1;
	v2 =	vadd.f32 v27, v2  }
0x289: {  	v34 =	vld.idx.msk [tilespmem:v29+s3+$0x0], $0xffff;
	v5 =	vadd.f32 v28, v5  }
0x28a: {  	v36 =	vadd.s32 $0x26, v1;
	v35 =	vld.idx.msk [tilespmem:v29+s0+$0x0], $0xffff;
	v2 =	vadd.f32 v30, v2  }
0x28b: {  	v5 =	vadd.f32 v16, v5;
	v16 =	vld.idx.msk [tilespmem:v31+s3+$0x0], $0xffff  }
0x28c: {  	v37 =	vadd.s32 $0x27, v1;
	v2 =	vadd.f32 v17, v2;
	v17 =	vld.idx.msk [tilespmem:v31+s0+$0x0], $0xffff  }
0x28d: {  	v38 =	vld.idx.msk [tilespmem:v33+s3+$0x0], $0xffff;
	v5 =	vadd.f32 v32, v5  }
0x28e: {  	v40 =	vadd.s32 $0x28, v1;
	v39 =	vld.idx.msk [tilespmem:v33+s0+$0x0], $0xffff;
	v2 =	vadd.f32 v34, v2  }
0x28f: {  	v41 =	vld.idx.msk [tilespmem:v36+s3+$0x0], $0xffff;
	v5 =	vadd.f32 v35, v5  }
0x290: {  	v42 =	vadd.s32 $0x29, v1;
	v2 =	vadd.f32 v16, v2;
	v16 =	vld.idx.msk [tilespmem:v36+s0+$0x0], $0xffff  }
0x291: {  	v5 =	vadd.f32 v17, v5;
	v17 =	vld.idx.msk [tilespmem:v37+s3+$0x0], $0xffff  }
0x292: {  	v43 =	vld.idx.msk [tilespmem:v37+s0+$0x0], $0xffff;
	v44 =	vadd.s32 $0x2A, v1;
	v2 =	vadd.f32 v38, v2  }
0x293: {  	v45 =	vld.idx.msk [tilespmem:v40+s3+$0x0], $0xffff;
	v5 =	vadd.f32 v39, v5  }
0x294: {  	v47 =	vadd.s32 $0x2B, v1;
	v46 =	vld.idx.msk [tilespmem:v40+s0+$0x0], $0xffff;
	v2 =	vadd.f32 v41, v2  }
0x295: {  	v5 =	vadd.f32 v16, v5;
	v16 =	vld.idx.msk [tilespmem:v42+s3+$0x0], $0xffff  }
0x296: {  	v48 =	vadd.s32 $0x2C, v1;
	v2 =	vadd.f32 v17, v2;
	v17 =	vld.idx.msk [tilespmem:v42+s0+$0x0], $0xffff  }
0x297: {  	v49 =	vld.idx.msk [tilespmem:v44+s3+$0x0], $0xffff;
	v5 =	vadd.f32 v43, v5  }
0x298: {  	v51 =	vadd.s32 $0x2D, v1;
	v50 =	vld.idx.msk [tilespmem:v44+s0+$0x0], $0xffff;
	v2 =	vadd.f32 v45, v2  }
0x299: {  	v52 =	vld.idx.msk [tilespmem:v47+s3+$0x0], $0xffff;
	v5 =	vadd.f32 v46, v5  }
0x29a: {  	v53 =	vadd.s32 $0x2E, v1;
	v2 =	vadd.f32 v16, v2;
	v16 =	vld.idx.msk [tilespmem:v47+s0+$0x0], $0xffff  }
0x29b: {  	v5 =	vadd.f32 v17, v5;
	v17 =	vld.idx.msk [tilespmem:v48+s3+$0x0], $0xffff  }
0x29c: {  	v54 =	vld.idx.msk [tilespmem:v48+s0+$0x0], $0xffff;
	v55 =	vadd.s32 $0x2F, v1;
	v2 =	vadd.f32 v49, v2  }
0x29d: {  	v56 =	vld.idx.msk [tilespmem:v51+s3+$0x0], $0xffff;
	v5 =	vadd.f32 v50, v5  }
0x29e: {  	v58 =	vadd.s32 $0x30, v1;
	v57 =	vld.idx.msk [tilespmem:v51+s0+$0x0], $0xffff;
	v2 =	vadd.f32 v52, v2  }
0x29f: {  	v5 =	vadd.f32 v16, v5;
	v16 =	vld.idx.msk [tilespmem:v53+s3+$0x0], $0xffff  }
0x2a0: {  	v59 =	vadd.s32 $0x31, v1;
	v2 =	vadd.f32 v17, v2;
	v17 =	vld.idx.msk [tilespmem:v53+s0+$0x0], $0xffff  }
0x2a1: {  	v60 =	vld.idx.msk [tilespmem:v55+s3+$0x0], $0xffff;
	v5 =	vadd.f32 v54, v5  }
0x2a2: {  	v61 =	vld.idx.msk [tilespmem:v55+s0+$0x0], $0xffff;
	v2 =	vadd.f32 v56, v2  }
0x2a3: {  	v62 =	vld.idx.msk [tilespmem:v58+s3+$0x0], $0xffff;
	v5 =	vadd.f32 v57, v5  }
0x2a4: {  	v2 =	vadd.f32 v16, v2;
	v16 =	vld.idx.msk [tilespmem:v58+s0+$0x0], $0xffff  }
0x2a5: {  	v5 =	vadd.f32 v17, v5;
	v17 =	vld.idx.msk [tilespmem:v59+s3+$0x0], $0xffff  }
0x2a6: {  	v63 =	vld.idx.msk [tilespmem:v59+s0+$0x0], $0xffff;
	v2 =	vadd.f32 v60, v2  }
0x2a7: {  	s4 =	sshll.u32 s11, $0x4;
	s11 =	sadd.s32 $0x1, s11;
	v5 =	vadd.f32 v61, v5  }
0x2a8: {  	p0 =	sne.s32 s11, $0x8;
	v2 =	vadd.f32 v62, v2  }
.Ltmp18:
0x2a9: {  	v5 =	vadd.f32 v16, v5;
	(pc) =	sbr.rel @p0 .LBB2_4-.Ltmp18, $4  }
.Ltmp19:
0x2aa: {  	v2 =	vadd.f32 v17, v2;
	(pc) =	sbr.rel @!p0 .LBB2_33-.Ltmp19, $4  }
0x2ab: {  	v5 =	vadd.f32 v63, v5  }
0x2ac: {  	s15 =	sadd.s32 $0x320, s15;
	[tilespmem:s4+$0x14A30] =	vst v2  }
0x2ad: {  	s10 =	sadd.s32 $0x320, s10;
	s7 =	sadd.s32 $0x320, s7;
	s8 =	sadd.s32 $0x320, s8;
	[tilespmem:s4+$0x14AB0] =	vst v5  }
0x2ae: {  	_ = 	snop  }
.LBB2_21:
.Ltmp20:
0x2af: {  	(pc) =	sbr.rel @!p0 .LBB2_14-.Ltmp20, $1  }
0x2b0: {  	_ =	sdelay $0x3  }
.LBB2_22:
0x2b1: {  	_ =	swait.ge [sflag:s17], $0xA00  }
0x2b2: {  	[sflag:s17] =	ssyncset.done $0x0  }
0x2b3: {  	[sflag:s17] =	ssyncadd.s32 $0xFFFFF600  }
0x2b4: {  	_ =	swait.ge [sflag:s17], $0xA00  }
0x2b5: {  	[sflag:s17] =	ssyncset.done $0x0  }
0x2b6: {  	[sflag:s17] =	ssyncadd.s32 $0xFFFFF600  }
0x2b7: {  	_ =	swait.ge [sflag:s17], $0x50  }
.Ltmp21:
0x2b8: {  	[sflag:s17] =	ssyncset.done $0x0;
	(pc) =	sbr.rel @p6 .LBB2_23-.Ltmp21, $4  }
0x2b9: {  	[sflag:s17] =	ssyncadd.s32 $0xFFFFFFB0  }
0x2ba: {  	_ =	swait.ge [sflag:s17], $0x50  }
0x2bb: {  	[sflag:s17] =	ssyncset.done $0x0  }
0x2bc: {  	[sflag:s17] =	ssyncadd.s32 $0xFFFFFFB0  }
.LBB2_15:
0x2bd: {  	s4 =	sld [smem:$0x7F9];
	_ =	sdelay $0x2  }
0x2be: {  	p0 =	seq.s32 s4, $0x1  }
.Ltmp22:
0x2bf: {  	_ = 	snop;
	(pc) =	sbr.rel @!p0 .LBB2_16-.Ltmp22, $1  }
0x2c0: {  	_ =	sdelay $0x3  }
.LBB2_24:
0x2c1: {  	_ =	swait.ge [sflag:s17], $0xA00  }
0x2c2: {  	[sflag:s17] =	ssyncset.done $0x0  }
0x2c3: {  	[sflag:s17] =	ssyncadd.s32 $0xFFFFF600  }
0x2c4: {  	_ =	swait.ge [sflag:s17], $0xA00  }
0x2c5: {  	[sflag:s17] =	ssyncset.done $0x0  }
0x2c6: {  	[sflag:s17] =	ssyncadd.s32 $0xFFFFF600  }
0x2c7: {  	_ =	swait.ge [sflag:s17], $0x50  }
0x2c8: {  	[sflag:s17] =	ssyncset.done $0x0  }
0x2c9: {  	[sflag:s17] =	ssyncadd.s32 $0xFFFFFFB0  }
0x2ca: {  	_ =	swait.ge [sflag:s17], $0x50  }
0x2cb: {  	s4 =	sld [smem:$0x7FB];
	_ =	sdelay $0x2  }
0x2cc: {  	p0 =	seq.s32 s4, $0x1  }
.Ltmp23:
0x2cd: {  	_ = 	snop;
	(pc) =	sbr.rel @p0 .LBB2_25-.Ltmp23, $3  }
0x2ce: {  	_ =	sdelay $0x1  }
0x2cf: {  	[sflag:s17] =	ssyncset.done $0x0  }
0x2d0: {  	[sflag:s17] =	ssyncadd.s32 $0xFFFFFFB0  }
.LBB2_17:
0x2d1: {  	s4 =	sld [smem:$0x7F8];
	_ =	sdelay $0x2  }
0x2d2: {  	p0 =	seq.s32 s4, $0x1  }
.Ltmp24:
0x2d3: {  	_ = 	snop;
	(pc) =	sbr.rel @!p0 .LBB2_18-.Ltmp24, $1  }
0x2d4: {  	_ =	sdelay $0x3  }
.LBB2_26:
0x2d5: {  	_ =	swait.ge [sflag:s17], $0xA00  }
0x2d6: {  	[sflag:s17] =	ssyncset.done $0x0  }
0x2d7: {  	[sflag:s17] =	ssyncadd.s32 $0xFFFFF600  }
0x2d8: {  	_ =	swait.ge [sflag:s17], $0xA00  }
0x2d9: {  	[sflag:s17] =	ssyncset.done $0x0  }
0x2da: {  	[sflag:s17] =	ssyncadd.s32 $0xFFFFF600  }
0x2db: {  	_ =	swait.ge [sflag:s17], $0x50  }
.Ltmp25:
0x2dc: {  	[sflag:s17] =	ssyncset.done $0x0;
	(pc) =	sbr.rel @p5 .LBB2_27-.Ltmp25, $4  }
0x2dd: {  	[sflag:s17] =	ssyncadd.s32 $0xFFFFFFB0  }
0x2de: {  	_ =	swait.ge [sflag:s17], $0x50  }
0x2df: {  	[sflag:s17] =	ssyncset.done $0x0  }
0x2e0: {  	[sflag:s17] =	ssyncadd.s32 $0xFFFFFFB0  }
.LBB2_19:
0x2e1: {  	s4 =	sld [smem:$0x7FC];
	_ =	sdelay $0x2  }
0x2e2: {  	p0 =	seq.s32 s4, $0x1  }
.Ltmp26:
0x2e3: {  	_ = 	snop;
	(pc) =	sbr.rel @!p0 .LBB2_20-.Ltmp26, $1  }
0x2e4: {  	_ =	sdelay $0x3  }
.LBB2_28:
0x2e5: {  	_ =	swait.ge [sflag:s17], $0xA00  }
0x2e6: {  	[sflag:s17] =	ssyncset.done $0x0  }
0x2e7: {  	[sflag:s17] =	ssyncadd.s32 $0xFFFFF600  }
0x2e8: {  	_ =	swait.ge [sflag:s17], $0xA00  }
0x2e9: {  	[sflag:s17] =	ssyncset.done $0x0  }
0x2ea: {  	[sflag:s17] =	ssyncadd.s32 $0xFFFFF600  }
0x2eb: {  	_ =	swait.ge [sflag:s17], $0x50  }
.Ltmp27:
0x2ec: {  	[sflag:s17] =	ssyncset.done $0x0;
	(pc) =	sbr.rel @!p3 .LBB2_30-.Ltmp27, $4  }
.Ltmp28:
0x2ed: {  	[sflag:s17] =	ssyncadd.s32 $0xFFFFFFB0;
	(pc) =	sbr.rel @p3 .LBB2_29-.Ltmp28, $4  }
0x2ee: {  	_ =	swait.ge [sflag:s17], $0x50  }
0x2ef: {  	[sflag:s17] =	ssyncset.done $0x0  }
0x2f0: {  	[sflag:s17] =	ssyncadd.s32 $0xFFFFFFB0  }
0x2f1: {  	_ = 	snop  }
.LBB2_34:
0x2f2: {  	_ =	sfence.sel $0x180000  }
0x2f3: {  	[bflag:$0x0] =	sbarrier.arrive $0xFFFF  }
0x2f4: {  	_ =	strace $0x90000047  }
0x2f5: {  	s0 =	stileid.u32;
	[bflag:$0x2] =	sbarrier.arrive $0xFFFF  }
0x2f6: {  	p0 =	sne.s32 s0, $0x0;
	s0 =	rddreg [dreg:$0x5]  }
0x2f7: {  	s0 =	sadd.s32 @!p0 $0x100000, s0  }
0x2f8: {  	[sflag:s0] =	ssyncadd.tile.s32 @!p0 $0x1;
	_ =	shalt  }
.Lfunc_end2:
_tile_overlayer_lowered:
.L_overlay_start_2:
0x2f9: {  	(tag) =	ssettag $0x2  }
0x2fa: {  	s0 =	rddreg [dreg:$0x0];
	s2 =	stileid.u32  }
0x2fb: {  	s1 =	rddreg [dreg:$0x1];
	p0 =	sne.s32 s2, $0x0  }
0x2fc: {  	s3 =	rddreg [dreg:$0x2];
	[bflag:$0x3] =	sbarrier.arrive $0xFFFF;
	s2 =	simm.s32 @!p0 $0x1C02  }
0x2fd: {  	[timem:s3], [sflag:s2] =	dma.local @!p0 [hbm:s0], s1  }
0x2fe: {  	s0 =	simm.s32 @!p0 $0x2  }
0x2ff: {  	_ =	swait.ge @!p0 [sflag:s0], s1  }
0x300: {  	s1 =	ssub.s32 @!p0 $0x0, s1;
	[sflag:s0] =	ssyncset.done @!p0 $0x0  }
0x301: {  	[sflag:s0] =	ssyncadd.s32 @!p0 s1  }
0x302: {  	[bflag:$0x3] =	sbarrier.arrive $0xFFFF  }
0x303: {  	_ =	shalt  }

</sc_bundles>
